<compile_context>
chip_gen: v7x
topology: tpu7x:2x2x1
jax: 0.10.2.dev20260603
libtpu: 0.0.44.dev20260713+nightly
codegen_flags: <defaults>
</compile_context>

<pallas_src>
import functools

import numpy as np
import jax
import jax.numpy as jnp
from jax import lax
from jax.experimental import pallas as pl
from jax.experimental.pallas import tpu as pltpu
from jax.experimental.pallas import tpu_sc as plsc

N = 10000
E = 320000
D = 128
H = 8
HEAD = 16
AH = 16
SEP = 256
RAD = 64

NCORES = 2
NSUB = 16
NTILES = NCORES * NSUB
EPT = E // NTILES
CHUNK = 80
CPT = EPT // CHUNK
NPAD = 10240
NPT = NPAD // NSUB
EPT1 = E // NSUB
CPT1 = EPT1 // CHUNK

EB = 512
NB = 1000

_f32 = jnp.float32


def _silu(x):
    return x * jax.nn.sigmoid(x)


def _node_feats_body(x_ref, ws_ref, bs_ref, wd_ref, bd_ref, s_ref, d_ref):
    x = x_ref[...]
    s_ref[...] = jnp.dot(x, ws_ref[...], preferred_element_type=_f32) + bs_ref[...]
    d_ref[...] = jnp.dot(x, wd_ref[...], preferred_element_type=_f32) + bd_ref[...]


def _node_feats(x, ws, bs, wd, bd):
    full = pl.BlockSpec((D, D), lambda i: (0, 0))
    row = pl.BlockSpec((1, D), lambda i: (0, 0))
    blk = pl.BlockSpec((NB, D), lambda i: (i, 0))
    return pl.pallas_call(
        _node_feats_body,
        grid=(N // NB,),
        in_specs=[blk, full, row, full, row],
        out_specs=[blk, blk],
        out_shape=[jax.ShapeDtypeStruct((N, D), _f32)] * 2,
    )(x, ws, bs.reshape(1, D), wd, bd.reshape(1, D))


def _gather_body(sfeat, dfeat, sidx, didx, msg_out,
                 siv, div, a0, b0, a1, b1, sa0, sb0, sa1, sb1):
    ci = lax.axis_index("c")
    si = lax.axis_index("s")
    wid = ci * NSUB + si
    ebase = wid * EPT
    pltpu.sync_copy(sidx.at[pl.ds(ebase, EPT)], siv)
    pltpu.sync_copy(didx.at[pl.ds(ebase, EPT)], div)

    def issue(c, a, b, sa, sb):
        isl = pl.ds(c * CHUNK, CHUNK)
        pltpu.async_copy(sfeat.at[siv.at[isl]], a, sa)
        pltpu.async_copy(dfeat.at[div.at[isl]], b, sb)

    def waitg(c, a, b, sa, sb):
        isl = pl.ds(c * CHUNK, CHUNK)
        pltpu.make_async_copy(sfeat.at[siv.at[isl]], a, sa).wait()
        pltpu.make_async_copy(dfeat.at[div.at[isl]], b, sb).wait()

    def addstore(c, a, b):
        def add_row(i, carry2):
            for j in range(D // 16):
                sl = pl.ds(j * 16, 16)
                a[i, sl] = a[i, sl] + b[i, sl]
            return carry2

        lax.fori_loop(0, CHUNK, add_row, 0)
        pltpu.sync_copy(a, msg_out.at[pl.ds(ebase + c * CHUNK, CHUNK)])

    issue(0, a0, b0, sa0, sb0)

    def pair(k, carry):
        c0 = 2 * k
        waitg(c0, a0, b0, sa0, sb0)
        issue(c0 + 1, a1, b1, sa1, sb1)
        addstore(c0, a0, b0)
        waitg(c0 + 1, a1, b1, sa1, sb1)
        issue(c0 + 2, a0, b0, sa0, sb0)
        addstore(c0 + 1, a1, b1)
        return carry

    lax.fori_loop(0, CPT // 2, pair, 0)
    cl = CPT - 1
    waitg(cl, a0, b0, sa0, sb0)
    addstore(cl, a0, b0)


def _gather_msg(sfeat, dfeat, sidx, didx):
    mesh = plsc.VectorSubcoreMesh(core_axis_name="c", subcore_axis_name="s")
    return pl.kernel(
        _gather_body,
        out_type=jax.ShapeDtypeStruct((E, D), _f32),
        mesh=mesh,
        scratch_types=[
            pltpu.VMEM((EPT,), jnp.int32),
            pltpu.VMEM((EPT,), jnp.int32),
            pltpu.VMEM((CHUNK, D), _f32),
            pltpu.VMEM((CHUNK, D), _f32),
            pltpu.VMEM((CHUNK, D), _f32),
            pltpu.VMEM((CHUNK, D), _f32),
            pltpu.SemaphoreType.DMA,
            pltpu.SemaphoreType.DMA,
            pltpu.SemaphoreType.DMA,
            pltpu.SemaphoreType.DMA,
        ],
    )(sfeat, dfeat, sidx, didx)


def _edge_body(msg_ref, es_ref, ea_ref, w0, g0, b0, w1, g1, b1, w2, off,
               wl, blr, adot, e16, wval_ref, ex_ref):
    h = jnp.dot(es_ref[...], w0[...], preferred_element_type=_f32)
    m = jnp.mean(h, axis=-1, keepdims=True)
    v = jnp.mean(h * h, axis=-1, keepdims=True) - m * m
    h = _silu((h - m) * lax.rsqrt(v + 1e-5) * g0[...] + b0[...])
    h = jnp.dot(h, w1[...], preferred_element_type=_f32)
    m = jnp.mean(h, axis=-1, keepdims=True)
    v = jnp.mean(h * h, axis=-1, keepdims=True) - m * m
    h = _silu((h - m) * lax.rsqrt(v + 1e-5) * g1[...] + b1[...])
    w = jnp.dot(h, w2[...], preferred_element_type=_f32) + off[...]

    tp = msg_ref[...] * ea_ref[...] * w
    su = _silu(jnp.dot(tp, wl[...], preferred_element_type=_f32) + blr[...])
    alpha = su[:, :D]
    value = su[:, D:]
    aact = 0.6 * alpha + 0.4 * alpha * (2.0 * jax.nn.sigmoid(alpha) - 1.0)
    ex = jnp.exp(jnp.dot(aact, adot[...], preferred_element_type=_f32))
    exl = jnp.dot(ex, e16[...], preferred_element_type=_f32)
    ex_ref[...] = exl
    wval_ref[...] = value * exl


def _edge_pipeline(msg, es, ea, w0, g0, b0, w1, g1, b1, w2, off, wlp, blp,
                   adot16, exp16m):
    def cb(shape):
        return pl.BlockSpec(shape, lambda i: tuple(0 for _ in shape))

    grid = (E // EB,)
    return pl.pallas_call(
        _edge_body,
        grid=grid,
        in_specs=[
            pl.BlockSpec((EB, D), lambda i: (i, 0)),
            pl.BlockSpec((EB, RAD), lambda i: (i, 0)),
            pl.BlockSpec((EB, 1), lambda i: (i, 0)),
            cb((RAD, RAD)), cb((1, RAD)), cb((1, RAD)),
            cb((RAD, RAD)), cb((1, RAD)), cb((1, RAD)),
            cb((RAD, D)), cb((1, D)),
            cb((D, SEP)), cb((1, SEP)),
            cb((D, 16)), cb((16, D)),
        ],
        out_specs=[
            pl.BlockSpec((EB, D), lambda i: (i, 0)),
            pl.BlockSpec((EB, D), lambda i: (i, 0)),
        ],
        out_shape=[
            jax.ShapeDtypeStruct((E, D), _f32),
            jax.ShapeDtypeStruct((E, D), _f32),
        ],
    )(msg, es, ea, w0, g0.reshape(1, RAD), b0.reshape(1, RAD),
      w1, g1.reshape(1, RAD), b1.reshape(1, RAD), w2, off.reshape(1, D),
      wlp, blp, adot16, exp16m)


GROUP = 10
NGROUPS = CPT1 // GROUP
ZROWS = 16


PAIRS = GROUP // 2


def _scatter_body(data, didx3, out, idxv, buf0, buf1, zbuf, acc, sem0, sem1):
    si = lax.axis_index("s")
    wid = si

    def zrow(i, carry):
        for j in range(D // 16):
            zbuf[i, pl.ds(j * 16, 16)] = jnp.zeros((16,), _f32)
        return carry

    lax.fori_loop(0, ZROWS, zrow, 0)

    def zcopy(g, carry):
        rb = si * NPT + g * ZROWS
        pltpu.sync_copy(zbuf, acc.at[pl.ds(rb, ZROWS)])
        return carry

    lax.fori_loop(0, NPT // ZROWS, zcopy, 0)
    plsc.subcore_barrier()

    def group(g, carry):
        gbase = wid * EPT1 + g * GROUP * CHUNK
        pltpu.sync_copy(didx3.at[wid * NGROUPS + g], idxv)
        pltpu.async_copy(data.at[pl.ds(gbase, 2 * CHUNK)], buf0, sem0)
        for p in range(PAIRS):
            buf, sem = (buf0, sem0) if p % 2 == 0 else (buf1, sem1)
            nbuf, nsem = (buf1, sem1) if p % 2 == 0 else (buf0, sem0)
            pbase = gbase + p * 2 * CHUNK
            pltpu.make_async_copy(
                data.at[pl.ds(pbase, 2 * CHUNK)], buf, sem).wait()
            if p < PAIRS - 1:
                pltpu.async_copy(
                    data.at[pl.ds(pbase + 2 * CHUNK, 2 * CHUNK)], nbuf, nsem)
            pltpu.sync_copy(buf.at[pl.ds(0, CHUNK)],
                            acc.at[idxv.at[2 * p]], add=True)
            pltpu.sync_copy(buf.at[pl.ds(CHUNK, CHUNK)],
                            acc.at[idxv.at[2 * p + 1]], add=True)
        return carry

    lax.fori_loop(0, NGROUPS, group, 0)
    plsc.subcore_barrier()

    def ocopy(g, carry):
        rb = si * NPT + g * ZROWS
        pltpu.sync_copy(acc.at[pl.ds(rb, ZROWS)], zbuf)
        pltpu.sync_copy(zbuf, out.at[pl.ds(rb, ZROWS)])
        return carry

    lax.fori_loop(0, NPT // ZROWS, ocopy, 0)


def _segment_sum_sc(data, didx3):
    mesh = plsc.VectorSubcoreMesh(core_axis_name="c", subcore_axis_name="s",
                                  num_cores=1)
    return pl.kernel(
        _scatter_body,
        out_type=jax.ShapeDtypeStruct((NPAD, D), _f32),
        mesh=mesh,
        scratch_types=[
            pltpu.VMEM((GROUP, CHUNK), jnp.int32),
            pltpu.VMEM((2 * CHUNK, D), _f32),
            pltpu.VMEM((2 * CHUNK, D), _f32),
            pltpu.VMEM((ZROWS, D), _f32),
            pltpu.VMEM_SHARED((NPAD, D), _f32),
            pltpu.SemaphoreType.DMA,
            pltpu.SemaphoreType.DMA,
        ],
    )(data, didx3)


def _segment_sums(wval, exl, didx):
    didx3 = didx.reshape(E // (GROUP * CHUNK), GROUP, CHUNK)
    pA = _segment_sum_sc(wval, didx3)
    pB = _segment_sum_sc(exl, didx3)
    return pA, pB


def _final_body(pA_ref, pB_ref, wp, bp, out_ref):
    attn = pA_ref[...] / (pB_ref[...] + 1e-16)
    out_ref[...] = jnp.dot(attn, wp[...], preferred_element_type=_f32) + bp[...]


def _finalize(pA, pB, wp, bp):
    return pl.pallas_call(
        _final_body,
        grid=(N // NB,),
        in_specs=[
            pl.BlockSpec((NB, D), lambda i: (i, 0)),
            pl.BlockSpec((NB, D), lambda i: (i, 0)),
            pl.BlockSpec((D, D), lambda i: (0, 0)),
            pl.BlockSpec((1, D), lambda i: (0, 0)),
        ],
        out_specs=pl.BlockSpec((NB, D), lambda i: (i, 0)),
        out_shape=jax.ShapeDtypeStruct((N, D), _f32),
    )(pA, pB, wp, bp.reshape(1, D))


_PERM = np.concatenate([
    (32 * np.arange(H)[:, None] + np.arange(AH)[None, :]).reshape(-1),
    (32 * np.arange(H)[:, None] + AH + np.arange(HEAD)[None, :]).reshape(-1),
])
_EXP16 = np.zeros((16, D), np.float32)
for _h in range(H):
    _EXP16[_h, _h * HEAD:(_h + 1) * HEAD] = 1.0


def kernel(node_input, node_attr, edge_src, edge_dst, edge_attr, edge_scalars,
           batch, W_src, b_src, W_dst, b_dst, r_w0, r_g0, r_b0, r_w1, r_g1,
           r_b1, r_w2, r_off, W_lin, b_lin, alpha_dot, W_proj, b_proj):
    wlp = W_lin[:, _PERM]
    blp = b_lin[_PERM].reshape(1, SEP)
    ad = alpha_dot.reshape(H * AH)
    adot16 = jnp.zeros((D, 16), _f32).at[
        jnp.arange(D), jnp.arange(D) // AH].set(ad)
    exp16m = jnp.asarray(_EXP16)

    sfeat, dfeat = _node_feats(node_input, W_src, b_src, W_dst, b_dst)
    msg = _gather_msg(sfeat, dfeat, edge_src, edge_dst)
    wval, exl = _edge_pipeline(msg, edge_scalars, edge_attr,
                               r_w0, r_g0, r_b0, r_w1, r_g1, r_b1,
                               r_w2, r_off, wlp, blp, adot16, exp16m)
    pA, pB = _segment_sums(wval, exl, edge_dst)
    return _finalize(pA, pB, W_proj, b_proj)

# --- scband reference (transcript-rebuilt; emitter-appended) ---
"""Pipeline reference for scband-graph-attention-38336878084772 (READ-ONLY COPY).

The authoritative reference and input builder live on the scoring server;
editing this copy changes nothing except your own understanding.
"""

import jax, jax.numpy as jnp
import numpy as np

N = 10000
E = 320000
D = 128
H = 8
HEAD = 16
ALPHA_HEAD = 16
SEP_OUT = H * (ALPHA_HEAD + HEAD)
RAD = 64


def setup_inputs(seed: int = 0) -> dict:
    key = jax.random.key(seed)
    ks = jax.random.split(key, 20)
    inp = {}
    inp["node_input"] = jax.random.normal(ks[0], (N, D), jnp.float32)
    inp["node_attr"] = jnp.ones((N, 1), jnp.float32)
    inp["edge_src"] = jax.random.randint(ks[1], (E,), 0, N, dtype=jnp.int32)
    inp["edge_dst"] = jnp.sort(jax.random.randint(ks[2], (E,), 0, N, dtype=jnp.int32))
    inp["edge_attr"] = jax.random.uniform(ks[3], (E, 1), jnp.float32)
    inp["edge_scalars"] = jax.random.normal(ks[4], (E, RAD), jnp.float32)
    inp["batch"] = jnp.zeros((N,), jnp.int32)
    s = 1.0 / np.sqrt(D)
    sr = 1.0 / np.sqrt(RAD)
    inp["W_src"] = jax.random.normal(ks[5], (D, D), jnp.float32) * s
    inp["b_src"] = jnp.zeros((D,), jnp.float32)
    inp["W_dst"] = jax.random.normal(ks[6], (D, D), jnp.float32) * s
    inp["b_dst"] = jnp.zeros((D,), jnp.float32)
    inp["r_w0"] = jax.random.normal(ks[7], (RAD, RAD), jnp.float32) * sr
    inp["r_g0"] = jnp.ones((RAD,), jnp.float32)
    inp["r_b0"] = jnp.zeros((RAD,), jnp.float32)
    inp["r_w1"] = jax.random.normal(ks[8], (RAD, RAD), jnp.float32) * sr
    inp["r_g1"] = jnp.ones((RAD,), jnp.float32)
    inp["r_b1"] = jnp.zeros((RAD,), jnp.float32)
    inp["r_w2"] = jax.random.normal(ks[9], (RAD, D), jnp.float32) * sr
    inp["r_off"] = jnp.zeros((D,), jnp.float32)
    inp["W_lin"] = jax.random.normal(ks[10], (D, SEP_OUT), jnp.float32) * s
    inp["b_lin"] = jnp.zeros((SEP_OUT,), jnp.float32)
    inp["alpha_dot"] = jax.random.normal(ks[11], (1, H, ALPHA_HEAD), jnp.float32) * 0.1
    inp["W_proj"] = jax.random.normal(ks[12], (H * HEAD, D), jnp.float32) / np.sqrt(H * HEAD)
    inp["b_proj"] = jnp.zeros((D,), jnp.float32)
    return inp


def _silu(x):
    return x * jax.nn.sigmoid(x)


def _ln(x, g, b):
    m = jnp.mean(x, axis=-1, keepdims=True)
    v = jnp.var(x, axis=-1, keepdims=True)
    return (x - m) / jnp.sqrt(v + 1e-5) * g + b


def reference(node_input, node_attr, edge_src, edge_dst, edge_attr, edge_scalars, batch, W_src, b_src, W_dst, b_dst, r_w0, r_g0, r_b0, r_w1, r_g1, r_b1, r_w2, r_off, W_lin, b_lin, alpha_dot, W_proj, b_proj):
    # merge_src / merge_dst (LinearRS on scalar irreps) + edge gather
    msg = (node_input @ W_src + b_src)[edge_src] + (node_input @ W_dst + b_dst)[edge_dst]
    # RadialProfile: Linear -> LN -> SiLU -> Linear -> LN -> SiLU -> Linear (+offset)
    h = _silu(_ln(edge_scalars @ r_w0, r_g0, r_b0))
    h = _silu(_ln(h @ r_w1, r_g1, r_b1))
    w = h @ r_w2 + r_off
    # Depthwise tensor product (uvu) on scalar irreps = per-channel product with edge scalar
    out = msg * edge_attr * w
    # LinearRS + gate activation (all-scalar output -> SiLU)
    out = _silu(out @ W_lin + b_lin)
    # Vec2AttnHeads: [E, H*(alpha+head)] -> [E, H, alpha+head]
    out = out.reshape(E, H, ALPHA_HEAD + HEAD)
    alpha = out[:, :, :ALPHA_HEAD]
    value = out[:, :, ALPHA_HEAD:]
    # SmoothLeakyReLU
    a = 0.2
    alpha = (1 + a) / 2 * alpha + (1 - a) / 2 * alpha * (2 * jax.nn.sigmoid(alpha) - 1)
    # inner product with alpha_dot -> per-edge, per-head logit
    alpha = jnp.einsum('bik,aik->bi', alpha, alpha_dot)
    # segment softmax over destination nodes
    amax = jax.lax.stop_gradient(jax.ops.segment_max(alpha, edge_dst, num_segments=N))
    amax = jnp.where(jnp.isfinite(amax), amax, 0.0)
    ex = jnp.exp(alpha - amax[edge_dst])
    den = jax.ops.segment_sum(ex, edge_dst, num_segments=N)
    alpha = ex / (den[edge_dst] + 1e-16)
    # weighted value aggregation (scatter-add to nodes), heads2vec, proj
    attn = value * alpha[:, :, None]
    node_attn = jax.ops.segment_sum(attn.reshape(E, H * HEAD), edge_dst, num_segments=N)
    return node_attn @ W_proj + b_proj

if __name__ == "__main__":
    import jax
    _d = setup_inputs()
    print(jax.jit(kernel)(*tuple(_d.values())))

</pallas_src>

<mosaic_0001>
#map = affine_map<(d0, d1) -> (0, 0)>
#map1 = affine_map<(d0, d1) -> (0, 0, 0)>
module attributes {stable_mosaic.version = 14 : i64} {
  func.func @_scatter_body(%arg0: i32, %arg1: i32, %arg2: memref<320000x128xf32, #tpu.memory_space<hbm>>, %arg3: memref<400x10x80xi32, #tpu.memory_space<hbm>>, %arg4: memref<10240x128xf32, #tpu.memory_space<hbm>>, %arg5: memref<10x80xi32, #tpu.memory_space<vmem>>, %arg6: memref<160x128xf32, #tpu.memory_space<vmem>>, %arg7: memref<160x128xf32, #tpu.memory_space<vmem>>, %arg8: memref<16x128xf32, #tpu.memory_space<vmem>>, %arg9: memref<10240x128xf32, #tpu.memory_space<vmem_shared>>, %arg10: memref<!tpu.dma_semaphore, #tpu.memory_space<semaphore_mem>>, %arg11: memref<!tpu.dma_semaphore, #tpu.memory_space<semaphore_mem>>) attributes {dimension_semantics = [#tpu.dimension_semantics<core_parallel>, #tpu.dimension_semantics<subcore_parallel>], iteration_bounds = array<i64: 1, 16>, scalar_prefetch = 0 : i64, scratch_operands = 7 : i64, tpu.core_type = #tpu.core_type<sc_vector_subcore>, window_params = [{transform_indices = #map}, {transform_indices = #map1}, {transform_indices = #map}]} {
    %scan3A = arith.constant 0 : i32
    %scan3A_0 = arith.constant 0 : i32
    %scan3A_1 = arith.constant 16 : i32
    %scan3A_2 = arith.addi %scan3A_0, %scan3A_1 : i32
    %scan3A_3 = arith.constant 1 : i32
    scf.for %scan3A_24 = %scan3A_0 to %scan3A_2 step %scan3A_3  : i32 {
      %broadcast_in_dim3A = arith.constant 0.000000e+00 : f32
      %broadcast_in_dim3A_25 = vector.broadcast %broadcast_in_dim3A : f32 to vector<16xf32>
      %swap3A = arith.index_cast %scan3A_24 : i32 to index
      %swap3A_26 = arith.constant 0 : index
      %swap3A_27 = tpu.vector_load %arg8[%swap3A, %swap3A_26] {strides = array<i32>} : memref<16x128xf32, #tpu.memory_space<vmem>>, vector<1x16xf32>,
      %swap3A_28 = vector.shape_cast %swap3A_27 : vector<1x16xf32> to vector<16xf32>
      %swap3A_29 = vector.shape_cast %broadcast_in_dim3A_25 : vector<16xf32> to vector<1x16xf32>
      tpu.vector_store %arg8[%swap3A, %swap3A_26], %swap3A_29 {strides = array<i32>} : memref<16x128xf32, #tpu.memory_space<vmem>>, vector<1x16xf32>,
      %broadcast_in_dim3A_30 = arith.constant 0.000000e+00 : f32
      %broadcast_in_dim3A_31 = vector.broadcast %broadcast_in_dim3A_30 : f32 to vector<16xf32>
      %swap3A_32 = arith.index_cast %scan3A_24 : i32 to index
      %swap3A_33 = arith.constant 16 : index
      %swap3A_34 = tpu.vector_load %arg8[%swap3A_32, %swap3A_33] {strides = array<i32>} : memref<16x128xf32, #tpu.memory_space<vmem>>, vector<1x16xf32>,
      %swap3A_35 = vector.shape_cast %swap3A_34 : vector<1x16xf32> to vector<16xf32>
      %swap3A_36 = vector.shape_cast %broadcast_in_dim3A_31 : vector<16xf32> to vector<1x16xf32>
      tpu.vector_store %arg8[%swap3A_32, %swap3A_33], %swap3A_36 {strides = array<i32>} : memref<16x128xf32, #tpu.memory_space<vmem>>, vector<1x16xf32>,
      %broadcast_in_dim3A_37 = arith.constant 0.000000e+00 : f32
      %broadcast_in_dim3A_38 = vector.broadcast %broadcast_in_dim3A_37 : f32 to vector<16xf32>
      %swap3A_39 = arith.index_cast %scan3A_24 : i32 to index
      %swap3A_40 = arith.constant 32 : index
      %swap3A_41 = tpu.vector_load %arg8[%swap3A_39, %swap3A_40] {strides = array<i32>} : memref<16x128xf32, #tpu.memory_space<vmem>>, vector<1x16xf32>,
      %swap3A_42 = vector.shape_cast %swap3A_41 : vector<1x16xf32> to vector<16xf32>
      %swap3A_43 = vector.shape_cast %broadcast_in_dim3A_38 : vector<16xf32> to vector<1x16xf32>
      tpu.vector_store %arg8[%swap3A_39, %swap3A_40], %swap3A_43 {strides = array<i32>} : memref<16x128xf32, #tpu.memory_space<vmem>>, vector<1x16xf32>,
      %broadcast_in_dim3A_44 = arith.constant 0.000000e+00 : f32
      %broadcast_in_dim3A_45 = vector.broadcast %broadcast_in_dim3A_44 : f32 to vector<16xf32>
      %swap3A_46 = arith.index_cast %scan3A_24 : i32 to index
      %swap3A_47 = arith.constant 48 : index
      %swap3A_48 = tpu.vector_load %arg8[%swap3A_46, %swap3A_47] {strides = array<i32>} : memref<16x128xf32, #tpu.memory_space<vmem>>, vector<1x16xf32>,
      %swap3A_49 = vector.shape_cast %swap3A_48 : vector<1x16xf32> to vector<16xf32>
      %swap3A_50 = vector.shape_cast %broadcast_in_dim3A_45 : vector<16xf32> to vector<1x16xf32>
      tpu.vector_store %arg8[%swap3A_46, %swap3A_47], %swap3A_50 {strides = array<i32>} : memref<16x128xf32, #tpu.memory_space<vmem>>, vector<1x16xf32>,
      %broadcast_in_dim3A_51 = arith.constant 0.000000e+00 : f32
      %broadcast_in_dim3A_52 = vector.broadcast %broadcast_in_dim3A_51 : f32 to vector<16xf32>
      %swap3A_53 = arith.index_cast %scan3A_24 : i32 to index
      %swap3A_54 = arith.constant 64 : index
      %swap3A_55 = tpu.vector_load %arg8[%swap3A_53, %swap3A_54] {strides = array<i32>} : memref<16x128xf32, #tpu.memory_space<vmem>>, vector<1x16xf32>,
      %swap3A_56 = vector.shape_cast %swap3A_55 : vector<1x16xf32> to vector<16xf32>
      %swap3A_57 = vector.shape_cast %broadcast_in_dim3A_52 : vector<16xf32> to vector<1x16xf32>
      tpu.vector_store %arg8[%swap3A_53, %swap3A_54], %swap3A_57 {strides = array<i32>} : memref<16x128xf32, #tpu.memory_space<vmem>>, vector<1x16xf32>,
      %broadcast_in_dim3A_58 = arith.constant 0.000000e+00 : f32
      %broadcast_in_dim3A_59 = vector.broadcast %broadcast_in_dim3A_58 : f32 to vector<16xf32>
      %swap3A_60 = arith.index_cast %scan3A_24 : i32 to index
      %swap3A_61 = arith.constant 80 : index
      %swap3A_62 = tpu.vector_load %arg8[%swap3A_60, %swap3A_61] {strides = array<i32>} : memref<16x128xf32, #tpu.memory_space<vmem>>, vector<1x16xf32>,
      %swap3A_63 = vector.shape_cast %swap3A_62 : vector<1x16xf32> to vector<16xf32>
      %swap3A_64 = vector.shape_cast %broadcast_in_dim3A_59 : vector<16xf32> to vector<1x16xf32>
      tpu.vector_store %arg8[%swap3A_60, %swap3A_61], %swap3A_64 {strides = array<i32>} : memref<16x128xf32, #tpu.memory_space<vmem>>, vector<1x16xf32>,
      %broadcast_in_dim3A_65 = arith.constant 0.000000e+00 : f32
      %broadcast_in_dim3A_66 = vector.broadcast %broadcast_in_dim3A_65 : f32 to vector<16xf32>
      %swap3A_67 = arith.index_cast %scan3A_24 : i32 to index
      %swap3A_68 = arith.constant 96 : index
      %swap3A_69 = tpu.vector_load %arg8[%swap3A_67, %swap3A_68] {strides = array<i32>} : memref<16x128xf32, #tpu.memory_space<vmem>>, vector<1x16xf32>,
      %swap3A_70 = vector.shape_cast %swap3A_69 : vector<1x16xf32> to vector<16xf32>
      %swap3A_71 = vector.shape_cast %broadcast_in_dim3A_66 : vector<16xf32> to vector<1x16xf32>
      tpu.vector_store %arg8[%swap3A_67, %swap3A_68], %swap3A_71 {strides = array<i32>} : memref<16x128xf32, #tpu.memory_space<vmem>>, vector<1x16xf32>,
      %broadcast_in_dim3A_72 = arith.constant 0.000000e+00 : f32
      %broadcast_in_dim3A_73 = vector.broadcast %broadcast_in_dim3A_72 : f32 to vector<16xf32>
      %swap3A_74 = arith.index_cast %scan3A_24 : i32 to index
      %swap3A_75 = arith.constant 112 : index
      %swap3A_76 = tpu.vector_load %arg8[%swap3A_74, %swap3A_75] {strides = array<i32>} : memref<16x128xf32, #tpu.memory_space<vmem>>, vector<1x16xf32>,
      %swap3A_77 = vector.shape_cast %swap3A_76 : vector<1x16xf32> to vector<16xf32>
      %swap3A_78 = vector.shape_cast %broadcast_in_dim3A_73 : vector<16xf32> to vector<1x16xf32>
      tpu.vector_store %arg8[%swap3A_74, %swap3A_75], %swap3A_78 {strides = array<i32>} : memref<16x128xf32, #tpu.memory_space<vmem>>, vector<1x16xf32>,
    }
    %scan3A_4 = arith.constant 16 : i32
    %scan3A_5 = arith.constant 0 : i32
    %scan3A_6 = arith.constant 0 : i32
    %scan3A_7 = arith.constant 40 : i32
    %scan3A_8 = arith.addi %scan3A_6, %scan3A_7 : i32
    %scan3A_9 = arith.constant 1 : i32
    scf.for %scan3A_24 = %scan3A_6 to %scan3A_8 step %scan3A_9  : i32 {
      %mul3A = arith.constant 640 : i32
      %mul3A_25 = arith.muli %arg1, %mul3A : i32
      %mul3A_26 = arith.constant 16 : i32
      %mul3A_27 = arith.muli %scan3A_24, %mul3A_26 : i32
      %add3A = arith.addi %mul3A_25, %mul3A_27 : i32
      "tpu.region"() ({
        %run_scoped3A = tpu.sem_alloc : memref<!tpu.dma_semaphore, #tpu.memory_space<semaphore_mem>>
        %dma_start3A = arith.constant 0 : i32
        %dma_start3A_28 = tpu.memref_slice %arg9[%add3A, %dma_start3A] : memref<10240x128xf32, #tpu.memory_space<vmem_shared>> -> memref<16x128xf32, #tpu.memory_space<vmem_shared>>
        %dma_start3A_29 = arith.constant 0 : i32
        %dma_start3A_30 = tpu.memref_slice %arg9[%add3A, %dma_start3A_29] : memref<10240x128xf32, #tpu.memory_space<vmem_shared>> -> memref<16x128xf32, #tpu.memory_space<vmem_shared>>
        tpu.enqueue_dma source(%arg8 : memref<16x128xf32, #tpu.memory_space<vmem>>) target(%dma_start3A_30 : memref<16x128xf32, #tpu.memory_space<vmem_shared>>) target_semaphore(%run_scoped3A : memref<!tpu.dma_semaphore, #tpu.memory_space<semaphore_mem>>)
        %dma_wait3A = arith.constant 0 : i32
        %dma_wait3A_31 = tpu.memref_slice %arg9[%add3A, %dma_wait3A] : memref<10240x128xf32, #tpu.memory_space<vmem_shared>> -> memref<16x128xf32, #tpu.memory_space<vmem_shared>>
        %dma_wait3A_32 = arith.constant 0 : i32
        %dma_wait3A_33 = tpu.memref_slice %arg9[%add3A, %dma_wait3A_32] : memref<10240x128xf32, #tpu.memory_space<vmem_shared>> -> memref<16x128xf32, #tpu.memory_space<vmem_shared>>
        tpu.wait_dma2 semaphore(%run_scoped3A : memref<!tpu.dma_semaphore, #tpu.memory_space<semaphore_mem>>) src(%arg8 : memref<16x128xf32, #tpu.memory_space<vmem>>) dst(%dma_wait3A_33 : memref<16x128xf32, #tpu.memory_space<vmem_shared>>)
        tpu.yield
      }) : () -> ()
    }
    %scan3A_10 = arith.constant 40 : i32
    %barrier3A = arith.constant 0 : index
    tpu.barrier barrier_id(%barrier3A)
    %scan3A_11 = arith.constant 0 : i32
    %scan3A_12 = arith.constant 0 : i32
    %scan3A_13 = arith.constant 25 : i32
    %scan3A_14 = arith.addi %scan3A_12, %scan3A_13 : i32
    %scan3A_15 = arith.constant 1 : i32
    scf.for %scan3A_24 = %scan3A_12 to %scan3A_14 step %scan3A_15  : i32 {
      %mul3A = arith.constant 20000 : i32
      %mul3A_25 = arith.muli %arg1, %mul3A : i32
      %mul3A_26 = arith.constant 10 : i32
      %mul3A_27 = arith.muli %scan3A_24, %mul3A_26 : i32
      %mul3A_28 = arith.constant 80 : i32
      %mul3A_29 = arith.muli %mul3A_27, %mul3A_28 : i32
      %add3A = arith.addi %mul3A_25, %mul3A_29 : i32
      %mul3A_30 = arith.constant 25 : i32
      %mul3A_31 = arith.muli %arg1, %mul3A_30 : i32
      %add3A_32 = arith.addi %mul3A_31, %scan3A_24 : i32
      "tpu.region"() ({
        %run_scoped3A_98 = tpu.sem_alloc : memref<!tpu.dma_semaphore, #tpu.memory_space<semaphore_mem>>
        %dma_start3A_99 = arith.constant 0 : i32
        %dma_start3A_100 = arith.constant 0 : i32
        %dma_start3A_101 = tpu.memref_slice %arg3[%add3A_32, %dma_start3A_99, %dma_start3A_100] : memref<400x10x80xi32, #tpu.memory_space<hbm>> -> memref<1x10x80xi32, #tpu.memory_space<hbm>>
        %dma_start3A_102 = tpu.memref_squeeze %dma_start3A_101 : memref<1x10x80xi32, #tpu.memory_space<hbm>> -> memref<10x80xi32, #tpu.memory_space<hbm>>
        %dma_start3A_103 = arith.constant 0 : i32
        %dma_start3A_104 = arith.constant 0 : i32
        %dma_start3A_105 = tpu.memref_slice %arg3[%add3A_32, %dma_start3A_103, %dma_start3A_104] : memref<400x10x80xi32, #tpu.memory_space<hbm>> -> memref<1x10x80xi32, #tpu.memory_space<hbm>>
        %dma_start3A_106 = tpu.memref_squeeze %dma_start3A_105 : memref<1x10x80xi32, #tpu.memory_space<hbm>> -> memref<10x80xi32, #tpu.memory_space<hbm>>
        tpu.enqueue_dma source(%dma_start3A_106 : memref<10x80xi32, #tpu.memory_space<hbm>>) target(%arg5 : memref<10x80xi32, #tpu.memory_space<vmem>>) target_semaphore(%run_scoped3A_98 : memref<!tpu.dma_semaphore, #tpu.memory_space<semaphore_mem>>)
        %dma_wait3A_107 = arith.constant 0 : i32
        %dma_wait3A_108 = arith.constant 0 : i32
        %dma_wait3A_109 = tpu.memref_slice %arg3[%add3A_32, %dma_wait3A_107, %dma_wait3A_108] : memref<400x10x80xi32, #tpu.memory_space<hbm>> -> memref<1x10x80xi32, #tpu.memory_space<hbm>>
        %dma_wait3A_110 = tpu.memref_squeeze %dma_wait3A_109 : memref<1x10x80xi32, #tpu.memory_space<hbm>> -> memref<10x80xi32, #tpu.memory_space<hbm>>
        %dma_wait3A_111 = arith.constant 0 : i32
        %dma_wait3A_112 = arith.constant 0 : i32
        %dma_wait3A_113 = tpu.memref_slice %arg3[%add3A_32, %dma_wait3A_111, %dma_wait3A_112] : memref<400x10x80xi32, #tpu.memory_space<hbm>> -> memref<1x10x80xi32, #tpu.memory_space<hbm>>
        %dma_wait3A_114 = tpu.memref_squeeze %dma_wait3A_113 : memref<1x10x80xi32, #tpu.memory_space<hbm>> -> memref<10x80xi32, #tpu.memory_space<hbm>>
        tpu.wait_dma2 semaphore(%run_scoped3A_98 : memref<!tpu.dma_semaphore, #tpu.memory_space<semaphore_mem>>) src(%dma_wait3A_114 : memref<10x80xi32, #tpu.memory_space<hbm>>) dst(%arg5 : memref<10x80xi32, #tpu.memory_space<vmem>>)
        tpu.yield
      }) : () -> ()
      %dma_start3A = arith.constant 0 : i32
      %dma_start3A_33 = tpu.memref_slice %arg2[%add3A, %dma_start3A] : memref<320000x128xf32, #tpu.memory_space<hbm>> -> memref<160x128xf32, #tpu.memory_space<hbm>>
      %dma_start3A_34 = arith.constant 0 : i32
      %dma_start3A_35 = tpu.memref_slice %arg2[%add3A, %dma_start3A_34] : memref<320000x128xf32, #tpu.memory_space<hbm>> -> memref<160x128xf32, #tpu.memory_space<hbm>>
      tpu.enqueue_dma source(%dma_start3A_35 : memref<160x128xf32, #tpu.memory_space<hbm>>) target(%arg6 : memref<160x128xf32, #tpu.memory_space<vmem>>) target_semaphore(%arg10 : memref<!tpu.dma_semaphore, #tpu.memory_space<semaphore_mem>>)
      %add3A_36 = arith.constant 0 : i32
      %add3A_37 = arith.addi %add3A, %add3A_36 : i32
      %dma_wait3A = arith.constant 0 : i32
      %dma_wait3A_38 = tpu.memref_slice %arg2[%add3A_37, %dma_wait3A] : memref<320000x128xf32, #tpu.memory_space<hbm>> -> memref<160x128xf32, #tpu.memory_space<hbm>>
      %dma_wait3A_39 = arith.constant 0 : i32
      %dma_wait3A_40 = tpu.memref_slice %arg2[%add3A_37, %dma_wait3A_39] : memref<320000x128xf32, #tpu.memory_space<hbm>> -> memref<160x128xf32, #tpu.memory_space<hbm>>
      tpu.wait_dma2 semaphore(%arg10 : memref<!tpu.dma_semaphore, #tpu.memory_space<semaphore_mem>>) src(%dma_wait3A_40 : memref<160x128xf32, #tpu.memory_space<hbm>>) dst(%arg6 : memref<160x128xf32, #tpu.memory_space<vmem>>)
      %add3A_41 = arith.constant 160 : i32
      %add3A_42 = arith.addi %add3A_37, %add3A_41 : i32
      %dma_start3A_43 = arith.constant 0 : i32
      %dma_start3A_44 = tpu.memref_slice %arg2[%add3A_42, %dma_start3A_43] : memref<320000x128xf32, #tpu.memory_space<hbm>> -> memref<160x128xf32, #tpu.memory_space<hbm>>
      %dma_start3A_45 = arith.constant 0 : i32
      %dma_start3A_46 = tpu.memref_slice %arg2[%add3A_42, %dma_start3A_45] : memref<320000x128xf32, #tpu.memory_space<hbm>> -> memref<160x128xf32, #tpu.memory_space<hbm>>
      tpu.enqueue_dma source(%dma_start3A_46 : memref<160x128xf32, #tpu.memory_space<hbm>>) target(%arg7 : memref<160x128xf32, #tpu.memory_space<vmem>>) target_semaphore(%arg11 : memref<!tpu.dma_semaphore, #tpu.memory_space<semaphore_mem>>)
      %run_scoped3A = arith.constant 0 : i32
      "tpu.region"() ({
        %run_scoped3A_98 = tpu.sem_alloc : memref<!tpu.dma_semaphore, #tpu.memory_space<semaphore_mem>>
        %dma_start3A_99 = arith.constant 0 : i32
        %dma_start3A_100 = arith.constant 0 : i32
        %dma_start3A_101 = tpu.memref_slice %arg6[%dma_start3A_99, %dma_start3A_100] : memref<160x128xf32, #tpu.memory_space<vmem>> -> memref<80x128xf32, #tpu.memory_space<vmem>>
        %dma_start3A_102 = arith.constant 0 : i32
        %dma_start3A_103 = tpu.memref_slice %arg5[%run_scoped3A, %dma_start3A_102] : memref<10x80xi32, #tpu.memory_space<vmem>> -> memref<1x80xi32, #tpu.memory_space<vmem>>
        %dma_start3A_104 = tpu.memref_squeeze %dma_start3A_103 : memref<1x80xi32, #tpu.memory_space<vmem>> -> memref<80xi32, #tpu.memory_space<vmem>>
        %dma_start3A_105 = arith.constant 0 : i32
        %dma_start3A_106 = arith.constant 0 : i32
        %dma_start3A_107 = tpu.memref_slice %arg9[%dma_start3A_105, %dma_start3A_106] : memref<10240x128xf32, #tpu.memory_space<vmem_shared>> -> memref<10240x128xf32, #tpu.memory_space<vmem_shared>>
        tpu.enqueue_indirect_dma source(%dma_start3A_101 : memref<80x128xf32, #tpu.memory_space<vmem>>) target(%dma_start3A_107 : memref<10240x128xf32, #tpu.memory_space<vmem_shared>>) offsets(%dma_start3A_104 : memref<80xi32, #tpu.memory_space<vmem>>) semaphore(%run_scoped3A_98 : memref<!tpu.dma_semaphore, #tpu.memory_space<semaphore_mem>>) {add = true}
        %dma_wait3A_108 = arith.constant 0 : i32
        %dma_wait3A_109 = arith.constant 0 : i32
        %dma_wait3A_110 = tpu.memref_slice %arg6[%dma_wait3A_108, %dma_wait3A_109] : memref<160x128xf32, #tpu.memory_space<vmem>> -> memref<80x128xf32, #tpu.memory_space<vmem>>
        %dma_wait3A_111 = arith.constant 0 : i32
        %dma_wait3A_112 = tpu.memref_slice %arg5[%run_scoped3A, %dma_wait3A_111] : memref<10x80xi32, #tpu.memory_space<vmem>> -> memref<1x80xi32, #tpu.memory_space<vmem>>
        %dma_wait3A_113 = tpu.memref_squeeze %dma_wait3A_112 : memref<1x80xi32, #tpu.memory_space<vmem>> -> memref<80xi32, #tpu.memory_space<vmem>>
        %dma_wait3A_114 = arith.constant 0 : i32
        %dma_wait3A_115 = arith.constant 0 : i32
        %dma_wait3A_116 = tpu.memref_slice %arg9[%dma_wait3A_114, %dma_wait3A_115] : memref<10240x128xf32, #tpu.memory_space<vmem_shared>> -> memref<10240x128xf32, #tpu.memory_space<vmem_shared>>
        tpu.wait_indirect_dma semaphore(%run_scoped3A_98 : memref<!tpu.dma_semaphore, #tpu.memory_space<semaphore_mem>>) src(%dma_wait3A_110 : memref<80x128xf32, #tpu.memory_space<vmem>>) dst(%dma_wait3A_116 : memref<10240x128xf32, #tpu.memory_space<vmem_shared>>)
        tpu.yield
      }) : () -> ()
      %run_scoped3A_47 = arith.constant 1 : i32
      "tpu.region"() ({
        %run_scoped3A_98 = tpu.sem_alloc : memref<!tpu.dma_semaphore, #tpu.memory_space<semaphore_mem>>
        %dma_start3A_99 = arith.constant 80 : i32
        %dma_start3A_100 = arith.constant 0 : i32
        %dma_start3A_101 = tpu.memref_slice %arg6[%dma_start3A_99, %dma_start3A_100] : memref<160x128xf32, #tpu.memory_space<vmem>> -> memref<80x128xf32, #tpu.memory_space<vmem>>
        %dma_start3A_102 = arith.constant 0 : i32
        %dma_start3A_103 = tpu.memref_slice %arg5[%run_scoped3A_47, %dma_start3A_102] : memref<10x80xi32, #tpu.memory_space<vmem>> -> memref<1x80xi32, #tpu.memory_space<vmem>>
        %dma_start3A_104 = tpu.memref_squeeze %dma_start3A_103 : memref<1x80xi32, #tpu.memory_space<vmem>> -> memref<80xi32, #tpu.memory_space<vmem>>
        %dma_start3A_105 = arith.constant 0 : i32
        %dma_start3A_106 = arith.constant 0 : i32
        %dma_start3A_107 = tpu.memref_slice %arg9[%dma_start3A_105, %dma_start3A_106] : memref<10240x128xf32, #tpu.memory_space<vmem_shared>> -> memref<10240x128xf32, #tpu.memory_space<vmem_shared>>
        tpu.enqueue_indirect_dma source(%dma_start3A_101 : memref<80x128xf32, #tpu.memory_space<vmem>>) target(%dma_start3A_107 : memref<10240x128xf32, #tpu.memory_space<vmem_shared>>) offsets(%dma_start3A_104 : memref<80xi32, #tpu.memory_space<vmem>>) semaphore(%run_scoped3A_98 : memref<!tpu.dma_semaphore, #tpu.memory_space<semaphore_mem>>) {add = true}
        %dma_wait3A_108 = arith.constant 80 : i32
        %dma_wait3A_109 = arith.constant 0 : i32
        %dma_wait3A_110 = tpu.memref_slice %arg6[%dma_wait3A_108, %dma_wait3A_109] : memref<160x128xf32, #tpu.memory_space<vmem>> -> memref<80x128xf32, #tpu.memory_space<vmem>>
        %dma_wait3A_111 = arith.constant 0 : i32
        %dma_wait3A_112 = tpu.memref_slice %arg5[%run_scoped3A_47, %dma_wait3A_111] : memref<10x80xi32, #tpu.memory_space<vmem>> -> memref<1x80xi32, #tpu.memory_space<vmem>>
        %dma_wait3A_113 = tpu.memref_squeeze %dma_wait3A_112 : memref<1x80xi32, #tpu.memory_space<vmem>> -> memref<80xi32, #tpu.memory_space<vmem>>
        %dma_wait3A_114 = arith.constant 0 : i32
        %dma_wait3A_115 = arith.constant 0 : i32
        %dma_wait3A_116 = tpu.memref_slice %arg9[%dma_wait3A_114, %dma_wait3A_115] : memref<10240x128xf32, #tpu.memory_space<vmem_shared>> -> memref<10240x128xf32, #tpu.memory_space<vmem_shared>>
        tpu.wait_indirect_dma semaphore(%run_scoped3A_98 : memref<!tpu.dma_semaphore, #tpu.memory_space<semaphore_mem>>) src(%dma_wait3A_110 : memref<80x128xf32, #tpu.memory_space<vmem>>) dst(%dma_wait3A_116 : memref<10240x128xf32, #tpu.memory_space<vmem_shared>>)
        tpu.yield
      }) : () -> ()
      %add3A_48 = arith.constant 160 : i32
      %add3A_49 = arith.addi %add3A, %add3A_48 : i32
      %dma_wait3A_50 = arith.constant 0 : i32
      %dma_wait3A_51 = tpu.memref_slice %arg2[%add3A_49, %dma_wait3A_50] : memref<320000x128xf32, #tpu.memory_space<hbm>> -> memref<160x128xf32, #tpu.memory_space<hbm>>
      %dma_wait3A_52 = arith.constant 0 : i32
      %dma_wait3A_53 = tpu.memref_slice %arg2[%add3A_49, %dma_wait3A_52] : memref<320000x128xf32, #tpu.memory_space<hbm>> -> memref<160x128xf32, #tpu.memory_space<hbm>>
      tpu.wait_dma2 semaphore(%arg11 : memref<!tpu.dma_semaphore, #tpu.memory_space<semaphore_mem>>) src(%dma_wait3A_53 : memref<160x128xf32, #tpu.memory_space<hbm>>) dst(%arg7 : memref<160x128xf32, #tpu.memory_space<vmem>>)
      %add3A_54 = arith.constant 160 : i32
      %add3A_55 = arith.addi %add3A_49, %add3A_54 : i32
      %dma_start3A_56 = arith.constant 0 : i32
      %dma_start3A_57 = tpu.memref_slice %arg2[%add3A_55, %dma_start3A_56] : memref<320000x128xf32, #tpu.memory_space<hbm>> -> memref<160x128xf32, #tpu.memory_space<hbm>>
      %dma_start3A_58 = arith.constant 0 : i32
      %dma_start3A_59 = tpu.memref_slice %arg2[%add3A_55, %dma_start3A_58] : memref<320000x128xf32, #tpu.memory_space<hbm>> -> memref<160x128xf32, #tpu.memory_space<hbm>>
      tpu.enqueue_dma source(%dma_start3A_59 : memref<160x128xf32, #tpu.memory_space<hbm>>) target(%arg6 : memref<160x128xf32, #tpu.memory_space<vmem>>) target_semaphore(%arg10 : memref<!tpu.dma_semaphore, #tpu.memory_space<semaphore_mem>>)
      %run_scoped3A_60 = arith.constant 2 : i32
      "tpu.region"() ({
        %run_scoped3A_98 = tpu.sem_alloc : memref<!tpu.dma_semaphore, #tpu.memory_space<semaphore_mem>>
        %dma_start3A_99 = arith.constant 0 : i32
        %dma_start3A_100 = arith.constant 0 : i32
        %dma_start3A_101 = tpu.memref_slice %arg7[%dma_start3A_99, %dma_start3A_100] : memref<160x128xf32, #tpu.memory_space<vmem>> -> memref<80x128xf32, #tpu.memory_space<vmem>>
        %dma_start3A_102 = arith.constant 0 : i32
        %dma_start3A_103 = tpu.memref_slice %arg5[%run_scoped3A_60, %dma_start3A_102] : memref<10x80xi32, #tpu.memory_space<vmem>> -> memref<1x80xi32, #tpu.memory_space<vmem>>
        %dma_start3A_104 = tpu.memref_squeeze %dma_start3A_103 : memref<1x80xi32, #tpu.memory_space<vmem>> -> memref<80xi32, #tpu.memory_space<vmem>>
        %dma_start3A_105 = arith.constant 0 : i32
        %dma_start3A_106 = arith.constant 0 : i32
        %dma_start3A_107 = tpu.memref_slice %arg9[%dma_start3A_105, %dma_start3A_106] : memref<10240x128xf32, #tpu.memory_space<vmem_shared>> -> memref<10240x128xf32, #tpu.memory_space<vmem_shared>>
        tpu.enqueue_indirect_dma source(%dma_start3A_101 : memref<80x128xf32, #tpu.memory_space<vmem>>) target(%dma_start3A_107 : memref<10240x128xf32, #tpu.memory_space<vmem_shared>>) offsets(%dma_start3A_104 : memref<80xi32, #tpu.memory_space<vmem>>) semaphore(%run_scoped3A_98 : memref<!tpu.dma_semaphore, #tpu.memory_space<semaphore_mem>>) {add = true}
        %dma_wait3A_108 = arith.constant 0 : i32
        %dma_wait3A_109 = arith.constant 0 : i32
        %dma_wait3A_110 = tpu.memref_slice %arg7[%dma_wait3A_108, %dma_wait3A_109] : memref<160x128xf32, #tpu.memory_space<vmem>> -> memref<80x128xf32, #tpu.memory_space<vmem>>
        %dma_wait3A_111 = arith.constant 0 : i32
        %dma_wait3A_112 = tpu.memref_slice %arg5[%run_scoped3A_60, %dma_wait3A_111] : memref<10x80xi32, #tpu.memory_space<vmem>> -> memref<1x80xi32, #tpu.memory_space<vmem>>
        %dma_wait3A_113 = tpu.memref_squeeze %dma_wait3A_112 : memref<1x80xi32, #tpu.memory_space<vmem>> -> memref<80xi32, #tpu.memory_space<vmem>>
        %dma_wait3A_114 = arith.constant 0 : i32
        %dma_wait3A_115 = arith.constant 0 : i32
        %dma_wait3A_116 = tpu.memref_slice %arg9[%dma_wait3A_114, %dma_wait3A_115] : memref<10240x128xf32, #tpu.memory_space<vmem_shared>> -> memref<10240x128xf32, #tpu.memory_space<vmem_shared>>
        tpu.wait_indirect_dma semaphore(%run_scoped3A_98 : memref<!tpu.dma_semaphore, #tpu.memory_space<semaphore_mem>>) src(%dma_wait3A_110 : memref<80x128xf32, #tpu.memory_space<vmem>>) dst(%dma_wait3A_116 : memref<10240x128xf32, #tpu.memory_space<vmem_shared>>)
        tpu.yield
      }) : () -> ()
      %run_scoped3A_61 = arith.constant 3 : i32
      "tpu.region"() ({
        %run_scoped3A_98 = tpu.sem_alloc : memref<!tpu.dma_semaphore, #tpu.memory_space<semaphore_mem>>
        %dma_start3A_99 = arith.constant 80 : i32
        %dma_start3A_100 = arith.constant 0 : i32
        %dma_start3A_101 = tpu.memref_slice %arg7[%dma_start3A_99, %dma_start3A_100] : memref<160x128xf32, #tpu.memory_space<vmem>> -> memref<80x128xf32, #tpu.memory_space<vmem>>
        %dma_start3A_102 = arith.constant 0 : i32
        %dma_start3A_103 = tpu.memref_slice %arg5[%run_scoped3A_61, %dma_start3A_102] : memref<10x80xi32, #tpu.memory_space<vmem>> -> memref<1x80xi32, #tpu.memory_space<vmem>>
        %dma_start3A_104 = tpu.memref_squeeze %dma_start3A_103 : memref<1x80xi32, #tpu.memory_space<vmem>> -> memref<80xi32, #tpu.memory_space<vmem>>
        %dma_start3A_105 = arith.constant 0 : i32
        %dma_start3A_106 = arith.constant 0 : i32
        %dma_start3A_107 = tpu.memref_slice %arg9[%dma_start3A_105, %dma_start3A_106] : memref<10240x128xf32, #tpu.memory_space<vmem_shared>> -> memref<10240x128xf32, #tpu.memory_space<vmem_shared>>
        tpu.enqueue_indirect_dma source(%dma_start3A_101 : memref<80x128xf32, #tpu.memory_space<vmem>>) target(%dma_start3A_107 : memref<10240x128xf32, #tpu.memory_space<vmem_shared>>) offsets(%dma_start3A_104 : memref<80xi32, #tpu.memory_space<vmem>>) semaphore(%run_scoped3A_98 : memref<!tpu.dma_semaphore, #tpu.memory_space<semaphore_mem>>) {add = true}
        %dma_wait3A_108 = arith.constant 80 : i32
        %dma_wait3A_109 = arith.constant 0 : i32
        %dma_wait3A_110 = tpu.memref_slice %arg7[%dma_wait3A_108, %dma_wait3A_109] : memref<160x128xf32, #tpu.memory_space<vmem>> -> memref<80x128xf32, #tpu.memory_space<vmem>>
        %dma_wait3A_111 = arith.constant 0 : i32
        %dma_wait3A_112 = tpu.memref_slice %arg5[%run_scoped3A_61, %dma_wait3A_111] : memref<10x80xi32, #tpu.memory_space<vmem>> -> memref<1x80xi32, #tpu.memory_space<vmem>>
        %dma_wait3A_113 = tpu.memref_squeeze %dma_wait3A_112 : memref<1x80xi32, #tpu.memory_space<vmem>> -> memref<80xi32, #tpu.memory_space<vmem>>
        %dma_wait3A_114 = arith.constant 0 : i32
        %dma_wait3A_115 = arith.constant 0 : i32
        %dma_wait3A_116 = tpu.memref_slice %arg9[%dma_wait3A_114, %dma_wait3A_115] : memref<10240x128xf32, #tpu.memory_space<vmem_shared>> -> memref<10240x128xf32, #tpu.memory_space<vmem_shared>>
        tpu.wait_indirect_dma semaphore(%run_scoped3A_98 : memref<!tpu.dma_semaphore, #tpu.memory_space<semaphore_mem>>) src(%dma_wait3A_110 : memref<80x128xf32, #tpu.memory_space<vmem>>) dst(%dma_wait3A_116 : memref<10240x128xf32, #tpu.memory_space<vmem_shared>>)
        tpu.yield
      }) : () -> ()
      %add3A_62 = arith.constant 320 : i32
      %add3A_63 = arith.addi %add3A, %add3A_62 : i32
      %dma_wait3A_64 = arith.constant 0 : i32
      %dma_wait3A_65 = tpu.memref_slice %arg2[%add3A_63, %dma_wait3A_64] : memref<320000x128xf32, #tpu.memory_space<hbm>> -> memref<160x128xf32, #tpu.memory_space<hbm>>
      %dma_wait3A_66 = arith.constant 0 : i32
      %dma_wait3A_67 = tpu.memref_slice %arg2[%add3A_63, %dma_wait3A_66] : memref<320000x128xf32, #tpu.memory_space<hbm>> -> memref<160x128xf32, #tpu.memory_space<hbm>>
      tpu.wait_dma2 semaphore(%arg10 : memref<!tpu.dma_semaphore, #tpu.memory_space<semaphore_mem>>) src(%dma_wait3A_67 : memref<160x128xf32, #tpu.memory_space<hbm>>) dst(%arg6 : memref<160x128xf32, #tpu.memory_space<vmem>>)
      %add3A_68 = arith.constant 160 : i32
      %add3A_69 = arith.addi %add3A_63, %add3A_68 : i32
      %dma_start3A_70 = arith.constant 0 : i32
      %dma_start3A_71 = tpu.memref_slice %arg2[%add3A_69, %dma_start3A_70] : memref<320000x128xf32, #tpu.memory_space<hbm>> -> memref<160x128xf32, #tpu.memory_space<hbm>>
      %dma_start3A_72 = arith.constant 0 : i32
      %dma_start3A_73 = tpu.memref_slice %arg2[%add3A_69, %dma_start3A_72] : memref<320000x128xf32, #tpu.memory_space<hbm>> -> memref<160x128xf32, #tpu.memory_space<hbm>>
      tpu.enqueue_dma source(%dma_start3A_73 : memref<160x128xf32, #tpu.memory_space<hbm>>) target(%arg7 : memref<160x128xf32, #tpu.memory_space<vmem>>) target_semaphore(%arg11 : memref<!tpu.dma_semaphore, #tpu.memory_space<semaphore_mem>>)
      %run_scoped3A_74 = arith.constant 4 : i32
      "tpu.region"() ({
        %run_scoped3A_98 = tpu.sem_alloc : memref<!tpu.dma_semaphore, #tpu.memory_space<semaphore_mem>>
        %dma_start3A_99 = arith.constant 0 : i32
        %dma_start3A_100 = arith.constant 0 : i32
        %dma_start3A_101 = tpu.memref_slice %arg6[%dma_start3A_99, %dma_start3A_100] : memref<160x128xf32, #tpu.memory_space<vmem>> -> memref<80x128xf32, #tpu.memory_space<vmem>>
        %dma_start3A_102 = arith.constant 0 : i32
        %dma_start3A_103 = tpu.memref_slice %arg5[%run_scoped3A_74, %dma_start3A_102] : memref<10x80xi32, #tpu.memory_space<vmem>> -> memref<1x80xi32, #tpu.memory_space<vmem>>
        %dma_start3A_104 = tpu.memref_squeeze %dma_start3A_103 : memref<1x80xi32, #tpu.memory_space<vmem>> -> memref<80xi32, #tpu.memory_space<vmem>>
        %dma_start3A_105 = arith.constant 0 : i32
        %dma_start3A_106 = arith.constant 0 : i32
        %dma_start3A_107 = tpu.memref_slice %arg9[%dma_start3A_105, %dma_start3A_106] : memref<10240x128xf32, #tpu.memory_space<vmem_shared>> -> memref<10240x128xf32, #tpu.memory_space<vmem_shared>>
        tpu.enqueue_indirect_dma source(%dma_start3A_101 : memref<80x128xf32, #tpu.memory_space<vmem>>) target(%dma_start3A_107 : memref<10240x128xf32, #tpu.memory_space<vmem_shared>>) offsets(%dma_start3A_104 : memref<80xi32, #tpu.memory_space<vmem>>) semaphore(%run_scoped3A_98 : memref<!tpu.dma_semaphore, #tpu.memory_space<semaphore_mem>>) {add = true}
        %dma_wait3A_108 = arith.constant 0 : i32
        %dma_wait3A_109 = arith.constant 0 : i32
        %dma_wait3A_110 = tpu.memref_slice %arg6[%dma_wait3A_108, %dma_wait3A_109] : memref<160x128xf32, #tpu.memory_space<vmem>> -> memref<80x128xf32, #tpu.memory_space<vmem>>
        %dma_wait3A_111 = arith.constant 0 : i32
        %dma_wait3A_112 = tpu.memref_slice %arg5[%run_scoped3A_74, %dma_wait3A_111] : memref<10x80xi32, #tpu.memory_space<vmem>> -> memref<1x80xi32, #tpu.memory_space<vmem>>
        %dma_wait3A_113 = tpu.memref_squeeze %dma_wait3A_112 : memref<1x80xi32, #tpu.memory_space<vmem>> -> memref<80xi32, #tpu.memory_space<vmem>>
        %dma_wait3A_114 = arith.constant 0 : i32
        %dma_wait3A_115 = arith.constant 0 : i32
        %dma_wait3A_116 = tpu.memref_slice %arg9[%dma_wait3A_114, %dma_wait3A_115] : memref<10240x128xf32, #tpu.memory_space<vmem_shared>> -> memref<10240x128xf32, #tpu.memory_space<vmem_shared>>
        tpu.wait_indirect_dma semaphore(%run_scoped3A_98 : memref<!tpu.dma_semaphore, #tpu.memory_space<semaphore_mem>>) src(%dma_wait3A_110 : memref<80x128xf32, #tpu.memory_space<vmem>>) dst(%dma_wait3A_116 : memref<10240x128xf32, #tpu.memory_space<vmem_shared>>)
        tpu.yield
      }) : () -> ()
      %run_scoped3A_75 = arith.constant 5 : i32
      "tpu.region"() ({
        %run_scoped3A_98 = tpu.sem_alloc : memref<!tpu.dma_semaphore, #tpu.memory_space<semaphore_mem>>
        %dma_start3A_99 = arith.constant 80 : i32
        %dma_start3A_100 = arith.constant 0 : i32
        %dma_start3A_101 = tpu.memref_slice %arg6[%dma_start3A_99, %dma_start3A_100] : memref<160x128xf32, #tpu.memory_space<vmem>> -> memref<80x128xf32, #tpu.memory_space<vmem>>
        %dma_start3A_102 = arith.constant 0 : i32
        %dma_start3A_103 = tpu.memref_slice %arg5[%run_scoped3A_75, %dma_start3A_102] : memref<10x80xi32, #tpu.memory_space<vmem>> -> memref<1x80xi32, #tpu.memory_space<vmem>>
        %dma_start3A_104 = tpu.memref_squeeze %dma_start3A_103 : memref<1x80xi32, #tpu.memory_space<vmem>> -> memref<80xi32, #tpu.memory_space<vmem>>
        %dma_start3A_105 = arith.constant 0 : i32
        %dma_start3A_106 = arith.constant 0 : i32
        %dma_start3A_107 = tpu.memref_slice %arg9[%dma_start3A_105, %dma_start3A_106] : memref<10240x128xf32, #tpu.memory_space<vmem_shared>> -> memref<10240x128xf32, #tpu.memory_space<vmem_shared>>
        tpu.enqueue_indirect_dma source(%dma_start3A_101 : memref<80x128xf32, #tpu.memory_space<vmem>>) target(%dma_start3A_107 : memref<10240x128xf32, #tpu.memory_space<vmem_shared>>) offsets(%dma_start3A_104 : memref<80xi32, #tpu.memory_space<vmem>>) semaphore(%run_scoped3A_98 : memref<!tpu.dma_semaphore, #tpu.memory_space<semaphore_mem>>) {add = true}
        %dma_wait3A_108 = arith.constant 80 : i32
        %dma_wait3A_109 = arith.constant 0 : i32
        %dma_wait3A_110 = tpu.memref_slice %arg6[%dma_wait3A_108, %dma_wait3A_109] : memref<160x128xf32, #tpu.memory_space<vmem>> -> memref<80x128xf32, #tpu.memory_space<vmem>>
        %dma_wait3A_111 = arith.constant 0 : i32
        %dma_wait3A_112 = tpu.memref_slice %arg5[%run_scoped3A_75, %dma_wait3A_111] : memref<10x80xi32, #tpu.memory_space<vmem>> -> memref<1x80xi32, #tpu.memory_space<vmem>>
        %dma_wait3A_113 = tpu.memref_squeeze %dma_wait3A_112 : memref<1x80xi32, #tpu.memory_space<vmem>> -> memref<80xi32, #tpu.memory_space<vmem>>
        %dma_wait3A_114 = arith.constant 0 : i32
        %dma_wait3A_115 = arith.constant 0 : i32
        %dma_wait3A_116 = tpu.memref_slice %arg9[%dma_wait3A_114, %dma_wait3A_115] : memref<10240x128xf32, #tpu.memory_space<vmem_shared>> -> memref<10240x128xf32, #tpu.memory_space<vmem_shared>>
        tpu.wait_indirect_dma semaphore(%run_scoped3A_98 : memref<!tpu.dma_semaphore, #tpu.memory_space<semaphore_mem>>) src(%dma_wait3A_110 : memref<80x128xf32, #tpu.memory_space<vmem>>) dst(%dma_wait3A_116 : memref<10240x128xf32, #tpu.memory_space<vmem_shared>>)
        tpu.yield
      }) : () -> ()
      %add3A_76 = arith.constant 480 : i32
      %add3A_77 = arith.addi %add3A, %add3A_76 : i32
      %dma_wait3A_78 = arith.constant 0 : i32
      %dma_wait3A_79 = tpu.memref_slice %arg2[%add3A_77, %dma_wait3A_78] : memref<320000x128xf32, #tpu.memory_space<hbm>> -> memref<160x128xf32, #tpu.memory_space<hbm>>
      %dma_wait3A_80 = arith.constant 0 : i32
      %dma_wait3A_81 = tpu.memref_slice %arg2[%add3A_77, %dma_wait3A_80] : memref<320000x128xf32, #tpu.memory_space<hbm>> -> memref<160x128xf32, #tpu.memory_space<hbm>>
      tpu.wait_dma2 semaphore(%arg11 : memref<!tpu.dma_semaphore, #tpu.memory_space<semaphore_mem>>) src(%dma_wait3A_81 : memref<160x128xf32, #tpu.memory_space<hbm>>) dst(%arg7 : memref<160x128xf32, #tpu.memory_space<vmem>>)
      %add3A_82 = arith.constant 160 : i32
      %add3A_83 = arith.addi %add3A_77, %add3A_82 : i32
      %dma_start3A_84 = arith.constant 0 : i32
      %dma_start3A_85 = tpu.memref_slice %arg2[%add3A_83, %dma_start3A_84] : memref<320000x128xf32, #tpu.memory_space<hbm>> -> memref<160x128xf32, #tpu.memory_space<hbm>>
      %dma_start3A_86 = arith.constant 0 : i32
      %dma_start3A_87 = tpu.memref_slice %arg2[%add3A_83, %dma_start3A_86] : memref<320000x128xf32, #tpu.memory_space<hbm>> -> memref<160x128xf32, #tpu.memory_space<hbm>>
      tpu.enqueue_dma source(%dma_start3A_87 : memref<160x128xf32, #tpu.memory_space<hbm>>) target(%arg6 : memref<160x128xf32, #tpu.memory_space<vmem>>) target_semaphore(%arg10 : memref<!tpu.dma_semaphore, #tpu.memory_space<semaphore_mem>>)
      %run_scoped3A_88 = arith.constant 6 : i32
      "tpu.region"() ({
        %run_scoped3A_98 = tpu.sem_alloc : memref<!tpu.dma_semaphore, #tpu.memory_space<semaphore_mem>>
        %dma_start3A_99 = arith.constant 0 : i32
        %dma_start3A_100 = arith.constant 0 : i32
        %dma_start3A_101 = tpu.memref_slice %arg7[%dma_start3A_99, %dma_start3A_100] : memref<160x128xf32, #tpu.memory_space<vmem>> -> memref<80x128xf32, #tpu.memory_space<vmem>>
        %dma_start3A_102 = arith.constant 0 : i32
        %dma_start3A_103 = tpu.memref_slice %arg5[%run_scoped3A_88, %dma_start3A_102] : memref<10x80xi32, #tpu.memory_space<vmem>> -> memref<1x80xi32, #tpu.memory_space<vmem>>
        %dma_start3A_104 = tpu.memref_squeeze %dma_start3A_103 : memref<1x80xi32, #tpu.memory_space<vmem>> -> memref<80xi32, #tpu.memory_space<vmem>>
        %dma_start3A_105 = arith.constant 0 : i32
        %dma_start3A_106 = arith.constant 0 : i32
        %dma_start3A_107 = tpu.memref_slice %arg9[%dma_start3A_105, %dma_start3A_106] : memref<10240x128xf32, #tpu.memory_space<vmem_shared>> -> memref<10240x128xf32, #tpu.memory_space<vmem_shared>>
        tpu.enqueue_indirect_dma source(%dma_start3A_101 : memref<80x128xf32, #tpu.memory_space<vmem>>) target(%dma_start3A_107 : memref<10240x128xf32, #tpu.memory_space<vmem_shared>>) offsets(%dma_start3A_104 : memref<80xi32, #tpu.memory_space<vmem>>) semaphore(%run_scoped3A_98 : memref<!tpu.dma_semaphore, #tpu.memory_space<semaphore_mem>>) {add = true}
        %dma_wait3A_108 = arith.constant 0 : i32
        %dma_wait3A_109 = arith.constant 0 : i32
        %dma_wait3A_110 = tpu.memref_slice %arg7[%dma_wait3A_108, %dma_wait3A_109] : memref<160x128xf32, #tpu.memory_space<vmem>> -> memref<80x128xf32, #tpu.memory_space<vmem>>
        %dma_wait3A_111 = arith.constant 0 : i32
        %dma_wait3A_112 = tpu.memref_slice %arg5[%run_scoped3A_88, %dma_wait3A_111] : memref<10x80xi32, #tpu.memory_space<vmem>> -> memref<1x80xi32, #tpu.memory_space<vmem>>
        %dma_wait3A_113 = tpu.memref_squeeze %dma_wait3A_112 : memref<1x80xi32, #tpu.memory_space<vmem>> -> memref<80xi32, #tpu.memory_space<vmem>>
        %dma_wait3A_114 = arith.constant 0 : i32
        %dma_wait3A_115 = arith.constant 0 : i32
        %dma_wait3A_116 = tpu.memref_slice %arg9[%dma_wait3A_114, %dma_wait3A_115] : memref<10240x128xf32, #tpu.memory_space<vmem_shared>> -> memref<10240x128xf32, #tpu.memory_space<vmem_shared>>
        tpu.wait_indirect_dma semaphore(%run_scoped3A_98 : memref<!tpu.dma_semaphore, #tpu.memory_space<semaphore_mem>>) src(%dma_wait3A_110 : memref<80x128xf32, #tpu.memory_space<vmem>>) dst(%dma_wait3A_116 : memref<10240x128xf32, #tpu.memory_space<vmem_shared>>)
        tpu.yield
      }) : () -> ()
      %run_scoped3A_89 = arith.constant 7 : i32
      "tpu.region"() ({
        %run_scoped3A_98 = tpu.sem_alloc : memref<!tpu.dma_semaphore, #tpu.memory_space<semaphore_mem>>
        %dma_start3A_99 = arith.constant 80 : i32
        %dma_start3A_100 = arith.constant 0 : i32
        %dma_start3A_101 = tpu.memref_slice %arg7[%dma_start3A_99, %dma_start3A_100] : memref<160x128xf32, #tpu.memory_space<vmem>> -> memref<80x128xf32, #tpu.memory_space<vmem>>
        %dma_start3A_102 = arith.constant 0 : i32
        %dma_start3A_103 = tpu.memref_slice %arg5[%run_scoped3A_89, %dma_start3A_102] : memref<10x80xi32, #tpu.memory_space<vmem>> -> memref<1x80xi32, #tpu.memory_space<vmem>>
        %dma_start3A_104 = tpu.memref_squeeze %dma_start3A_103 : memref<1x80xi32, #tpu.memory_space<vmem>> -> memref<80xi32, #tpu.memory_space<vmem>>
        %dma_start3A_105 = arith.constant 0 : i32
        %dma_start3A_106 = arith.constant 0 : i32
        %dma_start3A_107 = tpu.memref_slice %arg9[%dma_start3A_105, %dma_start3A_106] : memref<10240x128xf32, #tpu.memory_space<vmem_shared>> -> memref<10240x128xf32, #tpu.memory_space<vmem_shared>>
        tpu.enqueue_indirect_dma source(%dma_start3A_101 : memref<80x128xf32, #tpu.memory_space<vmem>>) target(%dma_start3A_107 : memref<10240x128xf32, #tpu.memory_space<vmem_shared>>) offsets(%dma_start3A_104 : memref<80xi32, #tpu.memory_space<vmem>>) semaphore(%run_scoped3A_98 : memref<!tpu.dma_semaphore, #tpu.memory_space<semaphore_mem>>) {add = true}
        %dma_wait3A_108 = arith.constant 80 : i32
        %dma_wait3A_109 = arith.constant 0 : i32
        %dma_wait3A_110 = tpu.memref_slice %arg7[%dma_wait3A_108, %dma_wait3A_109] : memref<160x128xf32, #tpu.memory_space<vmem>> -> memref<80x128xf32, #tpu.memory_space<vmem>>
        %dma_wait3A_111 = arith.constant 0 : i32
        %dma_wait3A_112 = tpu.memref_slice %arg5[%run_scoped3A_89, %dma_wait3A_111] : memref<10x80xi32, #tpu.memory_space<vmem>> -> memref<1x80xi32, #tpu.memory_space<vmem>>
        %dma_wait3A_113 = tpu.memref_squeeze %dma_wait3A_112 : memref<1x80xi32, #tpu.memory_space<vmem>> -> memref<80xi32, #tpu.memory_space<vmem>>
        %dma_wait3A_114 = arith.constant 0 : i32
        %dma_wait3A_115 = arith.constant 0 : i32
        %dma_wait3A_116 = tpu.memref_slice %arg9[%dma_wait3A_114, %dma_wait3A_115] : memref<10240x128xf32, #tpu.memory_space<vmem_shared>> -> memref<10240x128xf32, #tpu.memory_space<vmem_shared>>
        tpu.wait_indirect_dma semaphore(%run_scoped3A_98 : memref<!tpu.dma_semaphore, #tpu.memory_space<semaphore_mem>>) src(%dma_wait3A_110 : memref<80x128xf32, #tpu.memory_space<vmem>>) dst(%dma_wait3A_116 : memref<10240x128xf32, #tpu.memory_space<vmem_shared>>)
        tpu.yield
      }) : () -> ()
      %add3A_90 = arith.constant 640 : i32
      %add3A_91 = arith.addi %add3A, %add3A_90 : i32
      %dma_wait3A_92 = arith.constant 0 : i32
      %dma_wait3A_93 = tpu.memref_slice %arg2[%add3A_91, %dma_wait3A_92] : memref<320000x128xf32, #tpu.memory_space<hbm>> -> memref<160x128xf32, #tpu.memory_space<hbm>>
      %dma_wait3A_94 = arith.constant 0 : i32
      %dma_wait3A_95 = tpu.memref_slice %arg2[%add3A_91, %dma_wait3A_94] : memref<320000x128xf32, #tpu.memory_space<hbm>> -> memref<160x128xf32, #tpu.memory_space<hbm>>
      tpu.wait_dma2 semaphore(%arg10 : memref<!tpu.dma_semaphore, #tpu.memory_space<semaphore_mem>>) src(%dma_wait3A_95 : memref<160x128xf32, #tpu.memory_space<hbm>>) dst(%arg6 : memref<160x128xf32, #tpu.memory_space<vmem>>)
      %run_scoped3A_96 = arith.constant 8 : i32
      "tpu.region"() ({
        %run_scoped3A_98 = tpu.sem_alloc : memref<!tpu.dma_semaphore, #tpu.memory_space<semaphore_mem>>
        %dma_start3A_99 = arith.constant 0 : i32
        %dma_start3A_100 = arith.constant 0 : i32
        %dma_start3A_101 = tpu.memref_slice %arg6[%dma_start3A_99, %dma_start3A_100] : memref<160x128xf32, #tpu.memory_space<vmem>> -> memref<80x128xf32, #tpu.memory_space<vmem>>
        %dma_start3A_102 = arith.constant 0 : i32
        %dma_start3A_103 = tpu.memref_slice %arg5[%run_scoped3A_96, %dma_start3A_102] : memref<10x80xi32, #tpu.memory_space<vmem>> -> memref<1x80xi32, #tpu.memory_space<vmem>>
        %dma_start3A_104 = tpu.memref_squeeze %dma_start3A_103 : memref<1x80xi32, #tpu.memory_space<vmem>> -> memref<80xi32, #tpu.memory_space<vmem>>
        %dma_start3A_105 = arith.constant 0 : i32
        %dma_start3A_106 = arith.constant 0 : i32
        %dma_start3A_107 = tpu.memref_slice %arg9[%dma_start3A_105, %dma_start3A_106] : memref<10240x128xf32, #tpu.memory_space<vmem_shared>> -> memref<10240x128xf32, #tpu.memory_space<vmem_shared>>
        tpu.enqueue_indirect_dma source(%dma_start3A_101 : memref<80x128xf32, #tpu.memory_space<vmem>>) target(%dma_start3A_107 : memref<10240x128xf32, #tpu.memory_space<vmem_shared>>) offsets(%dma_start3A_104 : memref<80xi32, #tpu.memory_space<vmem>>) semaphore(%run_scoped3A_98 : memref<!tpu.dma_semaphore, #tpu.memory_space<semaphore_mem>>) {add = true}
        %dma_wait3A_108 = arith.constant 0 : i32
        %dma_wait3A_109 = arith.constant 0 : i32
        %dma_wait3A_110 = tpu.memref_slice %arg6[%dma_wait3A_108, %dma_wait3A_109] : memref<160x128xf32, #tpu.memory_space<vmem>> -> memref<80x128xf32, #tpu.memory_space<vmem>>
        %dma_wait3A_111 = arith.constant 0 : i32
        %dma_wait3A_112 = tpu.memref_slice %arg5[%run_scoped3A_96, %dma_wait3A_111] : memref<10x80xi32, #tpu.memory_space<vmem>> -> memref<1x80xi32, #tpu.memory_space<vmem>>
        %dma_wait3A_113 = tpu.memref_squeeze %dma_wait3A_112 : memref<1x80xi32, #tpu.memory_space<vmem>> -> memref<80xi32, #tpu.memory_space<vmem>>
        %dma_wait3A_114 = arith.constant 0 : i32
        %dma_wait3A_115 = arith.constant 0 : i32
        %dma_wait3A_116 = tpu.memref_slice %arg9[%dma_wait3A_114, %dma_wait3A_115] : memref<10240x128xf32, #tpu.memory_space<vmem_shared>> -> memref<10240x128xf32, #tpu.memory_space<vmem_shared>>
        tpu.wait_indirect_dma semaphore(%run_scoped3A_98 : memref<!tpu.dma_semaphore, #tpu.memory_space<semaphore_mem>>) src(%dma_wait3A_110 : memref<80x128xf32, #tpu.memory_space<vmem>>) dst(%dma_wait3A_116 : memref<10240x128xf32, #tpu.memory_space<vmem_shared>>)
        tpu.yield
      }) : () -> ()
      %run_scoped3A_97 = arith.constant 9 : i32
      "tpu.region"() ({
        %run_scoped3A_98 = tpu.sem_alloc : memref<!tpu.dma_semaphore, #tpu.memory_space<semaphore_mem>>
        %dma_start3A_99 = arith.constant 80 : i32
        %dma_start3A_100 = arith.constant 0 : i32
        %dma_start3A_101 = tpu.memref_slice %arg6[%dma_start3A_99, %dma_start3A_100] : memref<160x128xf32, #tpu.memory_space<vmem>> -> memref<80x128xf32, #tpu.memory_space<vmem>>
        %dma_start3A_102 = arith.constant 0 : i32
        %dma_start3A_103 = tpu.memref_slice %arg5[%run_scoped3A_97, %dma_start3A_102] : memref<10x80xi32, #tpu.memory_space<vmem>> -> memref<1x80xi32, #tpu.memory_space<vmem>>
        %dma_start3A_104 = tpu.memref_squeeze %dma_start3A_103 : memref<1x80xi32, #tpu.memory_space<vmem>> -> memref<80xi32, #tpu.memory_space<vmem>>
        %dma_start3A_105 = arith.constant 0 : i32
        %dma_start3A_106 = arith.constant 0 : i32
        %dma_start3A_107 = tpu.memref_slice %arg9[%dma_start3A_105, %dma_start3A_106] : memref<10240x128xf32, #tpu.memory_space<vmem_shared>> -> memref<10240x128xf32, #tpu.memory_space<vmem_shared>>
        tpu.enqueue_indirect_dma source(%dma_start3A_101 : memref<80x128xf32, #tpu.memory_space<vmem>>) target(%dma_start3A_107 : memref<10240x128xf32, #tpu.memory_space<vmem_shared>>) offsets(%dma_start3A_104 : memref<80xi32, #tpu.memory_space<vmem>>) semaphore(%run_scoped3A_98 : memref<!tpu.dma_semaphore, #tpu.memory_space<semaphore_mem>>) {add = true}
        %dma_wait3A_108 = arith.constant 80 : i32
        %dma_wait3A_109 = arith.constant 0 : i32
        %dma_wait3A_110 = tpu.memref_slice %arg6[%dma_wait3A_108, %dma_wait3A_109] : memref<160x128xf32, #tpu.memory_space<vmem>> -> memref<80x128xf32, #tpu.memory_space<vmem>>
        %dma_wait3A_111 = arith.constant 0 : i32
        %dma_wait3A_112 = tpu.memref_slice %arg5[%run_scoped3A_97, %dma_wait3A_111] : memref<10x80xi32, #tpu.memory_space<vmem>> -> memref<1x80xi32, #tpu.memory_space<vmem>>
        %dma_wait3A_113 = tpu.memref_squeeze %dma_wait3A_112 : memref<1x80xi32, #tpu.memory_space<vmem>> -> memref<80xi32, #tpu.memory_space<vmem>>
        %dma_wait3A_114 = arith.constant 0 : i32
        %dma_wait3A_115 = arith.constant 0 : i32
        %dma_wait3A_116 = tpu.memref_slice %arg9[%dma_wait3A_114, %dma_wait3A_115] : memref<10240x128xf32, #tpu.memory_space<vmem_shared>> -> memref<10240x128xf32, #tpu.memory_space<vmem_shared>>
        tpu.wait_indirect_dma semaphore(%run_scoped3A_98 : memref<!tpu.dma_semaphore, #tpu.memory_space<semaphore_mem>>) src(%dma_wait3A_110 : memref<80x128xf32, #tpu.memory_space<vmem>>) dst(%dma_wait3A_116 : memref<10240x128xf32, #tpu.memory_space<vmem_shared>>)
        tpu.yield
      }) : () -> ()
    }
    %scan3A_16 = arith.constant 25 : i32
    %barrier3A_17 = arith.constant 0 : index
    tpu.barrier barrier_id(%barrier3A_17)
    %scan3A_18 = arith.constant 0 : i32
    %scan3A_19 = arith.constant 0 : i32
    %scan3A_20 = arith.constant 40 : i32
    %scan3A_21 = arith.addi %scan3A_19, %scan3A_20 : i32
    %scan3A_22 = arith.constant 1 : i32
    scf.for %scan3A_24 = %scan3A_19 to %scan3A_21 step %scan3A_22  : i32 {
      %mul3A = arith.constant 640 : i32
      %mul3A_25 = arith.muli %arg1, %mul3A : i32
      %mul3A_26 = arith.constant 16 : i32
      %mul3A_27 = arith.muli %scan3A_24, %mul3A_26 : i32
      %add3A = arith.addi %mul3A_25, %mul3A_27 : i32
      "tpu.region"() ({
        %run_scoped3A = tpu.sem_alloc : memref<!tpu.dma_semaphore, #tpu.memory_space<semaphore_mem>>
        %dma_start3A = arith.constant 0 : i32
        %dma_start3A_28 = tpu.memref_slice %arg9[%add3A, %dma_start3A] : memref<10240x128xf32, #tpu.memory_space<vmem_shared>> -> memref<16x128xf32, #tpu.memory_space<vmem_shared>>
        %dma_start3A_29 = arith.constant 0 : i32
        %dma_start3A_30 = tpu.memref_slice %arg9[%add3A, %dma_start3A_29] : memref<10240x128xf32, #tpu.memory_space<vmem_shared>> -> memref<16x128xf32, #tpu.memory_space<vmem_shared>>
        tpu.enqueue_dma source(%dma_start3A_30 : memref<16x128xf32, #tpu.memory_space<vmem_shared>>) target(%arg8 : memref<16x128xf32, #tpu.memory_space<vmem>>) target_semaphore(%run_scoped3A : memref<!tpu.dma_semaphore, #tpu.memory_space<semaphore_mem>>)
        %dma_wait3A = arith.constant 0 : i32
        %dma_wait3A_31 = tpu.memref_slice %arg9[%add3A, %dma_wait3A] : memref<10240x128xf32, #tpu.memory_space<vmem_shared>> -> memref<16x128xf32, #tpu.memory_space<vmem_shared>>
        %dma_wait3A_32 = arith.constant 0 : i32
        %dma_wait3A_33 = tpu.memref_slice %arg9[%add3A, %dma_wait3A_32] : memref<10240x128xf32, #tpu.memory_space<vmem_shared>> -> memref<16x128xf32, #tpu.memory_space<vmem_shared>>
        tpu.wait_dma2 semaphore(%run_scoped3A : memref<!tpu.dma_semaphore, #tpu.memory_space<semaphore_mem>>) src(%dma_wait3A_33 : memref<16x128xf32, #tpu.memory_space<vmem_shared>>) dst(%arg8 : memref<16x128xf32, #tpu.memory_space<vmem>>)
        tpu.yield
      }) : () -> ()
      "tpu.region"() ({
        %run_scoped3A = tpu.sem_alloc : memref<!tpu.dma_semaphore, #tpu.memory_space<semaphore_mem>>
        %dma_start3A = arith.constant 0 : i32
        %dma_start3A_28 = tpu.memref_slice %arg4[%add3A, %dma_start3A] : memref<10240x128xf32, #tpu.memory_space<hbm>> -> memref<16x128xf32, #tpu.memory_space<hbm>>
        %dma_start3A_29 = arith.constant 0 : i32
        %dma_start3A_30 = tpu.memref_slice %arg4[%add3A, %dma_start3A_29] : memref<10240x128xf32, #tpu.memory_space<hbm>> -> memref<16x128xf32, #tpu.memory_space<hbm>>
        tpu.enqueue_dma source(%arg8 : memref<16x128xf32, #tpu.memory_space<vmem>>) target(%dma_start3A_30 : memref<16x128xf32, #tpu.memory_space<hbm>>) target_semaphore(%run_scoped3A : memref<!tpu.dma_semaphore, #tpu.memory_space<semaphore_mem>>)
        %dma_wait3A = arith.constant 0 : i32
        %dma_wait3A_31 = tpu.memref_slice %arg4[%add3A, %dma_wait3A] : memref<10240x128xf32, #tpu.memory_space<hbm>> -> memref<16x128xf32, #tpu.memory_space<hbm>>
        %dma_wait3A_32 = arith.constant 0 : i32
        %dma_wait3A_33 = tpu.memref_slice %arg4[%add3A, %dma_wait3A_32] : memref<10240x128xf32, #tpu.memory_space<hbm>> -> memref<16x128xf32, #tpu.memory_space<hbm>>
        tpu.wait_dma2 semaphore(%run_scoped3A : memref<!tpu.dma_semaphore, #tpu.memory_space<semaphore_mem>>) src(%arg8 : memref<16x128xf32, #tpu.memory_space<vmem>>) dst(%dma_wait3A_33 : memref<16x128xf32, #tpu.memory_space<hbm>>)
        tpu.yield
      }) : () -> ()
    }
    %scan3A_23 = arith.constant 40 : i32
    return
  }
}

#map = affine_map<(d0, d1) -> (0, 0)>
#map1 = affine_map<(d0, d1) -> (0)>
module attributes {stable_mosaic.version = 14 : i64} {
  func.func @_gather_body(%arg0: i32, %arg1: i32, %arg2: memref<10000x128xf32, #tpu.memory_space<hbm>>, %arg3: memref<10000x128xf32, #tpu.memory_space<hbm>>, %arg4: memref<320000xi32, #tpu.memory_space<hbm>>, %arg5: memref<320000xi32, #tpu.memory_space<hbm>>, %arg6: memref<320000x128xf32, #tpu.memory_space<hbm>>, %arg7: memref<10000xi32, #tpu.memory_space<vmem>>, %arg8: memref<10000xi32, #tpu.memory_space<vmem>>, %arg9: memref<80x128xf32, #tpu.memory_space<vmem>>, %arg10: memref<80x128xf32, #tpu.memory_space<vmem>>, %arg11: memref<80x128xf32, #tpu.memory_space<vmem>>, %arg12: memref<80x128xf32, #tpu.memory_space<vmem>>, %arg13: memref<!tpu.dma_semaphore, #tpu.memory_space<semaphore_mem>>, %arg14: memref<!tpu.dma_semaphore, #tpu.memory_space<semaphore_mem>>, %arg15: memref<!tpu.dma_semaphore, #tpu.memory_space<semaphore_mem>>, %arg16: memref<!tpu.dma_semaphore, #tpu.memory_space<semaphore_mem>>) attributes {dimension_semantics = [#tpu.dimension_semantics<core_parallel>, #tpu.dimension_semantics<subcore_parallel>], iteration_bounds = array<i64: 2, 16>, scalar_prefetch = 0 : i64, scratch_operands = 10 : i64, tpu.core_type = #tpu.core_type<sc_vector_subcore>, window_params = [{transform_indices = #map}, {transform_indices = #map}, {transform_indices = #map1}, {transform_indices = #map1}, {transform_indices = #map}]} {
    %mul3A = arith.constant 16 : i32
    %mul3A_0 = arith.muli %arg0, %mul3A : i32
    %add3A = arith.addi %mul3A_0, %arg1 : i32
    %mul3A_1 = arith.constant 10000 : i32
    %mul3A_2 = arith.muli %add3A, %mul3A_1 : i32
    "tpu.region"() ({
      %run_scoped3A = tpu.sem_alloc : memref<!tpu.dma_semaphore, #tpu.memory_space<semaphore_mem>>
      %dma_start3A_34 = tpu.memref_slice %arg4[%mul3A_2] : memref<320000xi32, #tpu.memory_space<hbm>> -> memref<10000xi32, #tpu.memory_space<hbm>>
      %dma_start3A_35 = tpu.memref_slice %arg4[%mul3A_2] : memref<320000xi32, #tpu.memory_space<hbm>> -> memref<10000xi32, #tpu.memory_space<hbm>>
      tpu.enqueue_dma source(%dma_start3A_35 : memref<10000xi32, #tpu.memory_space<hbm>>) target(%arg7 : memref<10000xi32, #tpu.memory_space<vmem>>) target_semaphore(%run_scoped3A : memref<!tpu.dma_semaphore, #tpu.memory_space<semaphore_mem>>)
      %dma_wait3A_36 = tpu.memref_slice %arg4[%mul3A_2] : memref<320000xi32, #tpu.memory_space<hbm>> -> memref<10000xi32, #tpu.memory_space<hbm>>
      %dma_wait3A_37 = tpu.memref_slice %arg4[%mul3A_2] : memref<320000xi32, #tpu.memory_space<hbm>> -> memref<10000xi32, #tpu.memory_space<hbm>>
      tpu.wait_dma2 semaphore(%run_scoped3A : memref<!tpu.dma_semaphore, #tpu.memory_space<semaphore_mem>>) src(%dma_wait3A_37 : memref<10000xi32, #tpu.memory_space<hbm>>) dst(%arg7 : memref<10000xi32, #tpu.memory_space<vmem>>)
      tpu.yield
    }) : () -> ()
    "tpu.region"() ({
      %run_scoped3A = tpu.sem_alloc : memref<!tpu.dma_semaphore, #tpu.memory_space<semaphore_mem>>
      %dma_start3A_34 = tpu.memref_slice %arg5[%mul3A_2] : memref<320000xi32, #tpu.memory_space<hbm>> -> memref<10000xi32, #tpu.memory_space<hbm>>
      %dma_start3A_35 = tpu.memref_slice %arg5[%mul3A_2] : memref<320000xi32, #tpu.memory_space<hbm>> -> memref<10000xi32, #tpu.memory_space<hbm>>
      tpu.enqueue_dma source(%dma_start3A_35 : memref<10000xi32, #tpu.memory_space<hbm>>) target(%arg8 : memref<10000xi32, #tpu.memory_space<vmem>>) target_semaphore(%run_scoped3A : memref<!tpu.dma_semaphore, #tpu.memory_space<semaphore_mem>>)
      %dma_wait3A_36 = tpu.memref_slice %arg5[%mul3A_2] : memref<320000xi32, #tpu.memory_space<hbm>> -> memref<10000xi32, #tpu.memory_space<hbm>>
      %dma_wait3A_37 = tpu.memref_slice %arg5[%mul3A_2] : memref<320000xi32, #tpu.memory_space<hbm>> -> memref<10000xi32, #tpu.memory_space<hbm>>
      tpu.wait_dma2 semaphore(%run_scoped3A : memref<!tpu.dma_semaphore, #tpu.memory_space<semaphore_mem>>) src(%dma_wait3A_37 : memref<10000xi32, #tpu.memory_space<hbm>>) dst(%arg8 : memref<10000xi32, #tpu.memory_space<vmem>>)
      tpu.yield
    }) : () -> ()
    %dma_start3A = arith.constant 0 : i32
    %dma_start3A_3 = tpu.memref_slice %arg7[%dma_start3A] : memref<10000xi32, #tpu.memory_space<vmem>> -> memref<80xi32, #tpu.memory_space<vmem>>
    %dma_start3A_4 = arith.constant 0 : i32
    %dma_start3A_5 = arith.constant 0 : i32
    %dma_start3A_6 = tpu.memref_slice %arg2[%dma_start3A_4, %dma_start3A_5] : memref<10000x128xf32, #tpu.memory_space<hbm>> -> memref<10000x128xf32, #tpu.memory_space<hbm>>
    tpu.enqueue_indirect_dma source(%dma_start3A_6 : memref<10000x128xf32, #tpu.memory_space<hbm>>) target(%arg9 : memref<80x128xf32, #tpu.memory_space<vmem>>) offsets(%dma_start3A_3 : memref<80xi32, #tpu.memory_space<vmem>>) semaphore(%arg13 : memref<!tpu.dma_semaphore, #tpu.memory_space<semaphore_mem>>)
    %dma_start3A_7 = arith.constant 0 : i32
    %dma_start3A_8 = tpu.memref_slice %arg8[%dma_start3A_7] : memref<10000xi32, #tpu.memory_space<vmem>> -> memref<80xi32, #tpu.memory_space<vmem>>
    %dma_start3A_9 = arith.constant 0 : i32
    %dma_start3A_10 = arith.constant 0 : i32
    %dma_start3A_11 = tpu.memref_slice %arg3[%dma_start3A_9, %dma_start3A_10] : memref<10000x128xf32, #tpu.memory_space<hbm>> -> memref<10000x128xf32, #tpu.memory_space<hbm>>
    tpu.enqueue_indirect_dma source(%dma_start3A_11 : memref<10000x128xf32, #tpu.memory_space<hbm>>) target(%arg10 : memref<80x128xf32, #tpu.memory_space<vmem>>) offsets(%dma_start3A_8 : memref<80xi32, #tpu.memory_space<vmem>>) semaphore(%arg14 : memref<!tpu.dma_semaphore, #tpu.memory_space<semaphore_mem>>)
    %scan3A = arith.constant 0 : i32
    %scan3A_12 = arith.constant 0 : i32
    %scan3A_13 = arith.constant 62 : i32
    %scan3A_14 = arith.addi %scan3A_12, %scan3A_13 : i32
    %scan3A_15 = arith.constant 1 : i32
    scf.for %scan3A_34 = %scan3A_12 to %scan3A_14 step %scan3A_15  : i32 {
      %mul3A_35 = arith.constant 2 : i32
      %mul3A_36 = arith.muli %mul3A_35, %scan3A_34 : i32
      %mul3A_37 = arith.constant 80 : i32
      %mul3A_38 = arith.muli %mul3A_36, %mul3A_37 : i32
      %dma_wait3A_39 = tpu.memref_slice %arg7[%mul3A_38] : memref<10000xi32, #tpu.memory_space<vmem>> -> memref<80xi32, #tpu.memory_space<vmem>>
      %dma_wait3A_40 = arith.constant 0 : i32
      %dma_wait3A_41 = arith.constant 0 : i32
      %dma_wait3A_42 = tpu.memref_slice %arg2[%dma_wait3A_40, %dma_wait3A_41] : memref<10000x128xf32, #tpu.memory_space<hbm>> -> memref<10000x128xf32, #tpu.memory_space<hbm>>
      tpu.wait_indirect_dma semaphore(%arg13 : memref<!tpu.dma_semaphore, #tpu.memory_space<semaphore_mem>>) src(%dma_wait3A_42 : memref<10000x128xf32, #tpu.memory_space<hbm>>) dst(%arg9 : memref<80x128xf32, #tpu.memory_space<vmem>>)
      %dma_wait3A_43 = tpu.memref_slice %arg8[%mul3A_38] : memref<10000xi32, #tpu.memory_space<vmem>> -> memref<80xi32, #tpu.memory_space<vmem>>
      %dma_wait3A_44 = arith.constant 0 : i32
      %dma_wait3A_45 = arith.constant 0 : i32
      %dma_wait3A_46 = tpu.memref_slice %arg3[%dma_wait3A_44, %dma_wait3A_45] : memref<10000x128xf32, #tpu.memory_space<hbm>> -> memref<10000x128xf32, #tpu.memory_space<hbm>>
      tpu.wait_indirect_dma semaphore(%arg14 : memref<!tpu.dma_semaphore, #tpu.memory_space<semaphore_mem>>) src(%dma_wait3A_46 : memref<10000x128xf32, #tpu.memory_space<hbm>>) dst(%arg10 : memref<80x128xf32, #tpu.memory_space<vmem>>)
      %add3A_47 = arith.constant 1 : i32
      %add3A_48 = arith.addi %mul3A_36, %add3A_47 : i32
      %mul3A_49 = arith.constant 80 : i32
      %mul3A_50 = arith.muli %add3A_48, %mul3A_49 : i32
      %dma_start3A_51 = tpu.memref_slice %arg7[%mul3A_50] : memref<10000xi32, #tpu.memory_space<vmem>> -> memref<80xi32, #tpu.memory_space<vmem>>
      %dma_start3A_52 = arith.constant 0 : i32
      %dma_start3A_53 = arith.constant 0 : i32
      %dma_start3A_54 = tpu.memref_slice %arg2[%dma_start3A_52, %dma_start3A_53] : memref<10000x128xf32, #tpu.memory_space<hbm>> -> memref<10000x128xf32, #tpu.memory_space<hbm>>
      tpu.enqueue_indirect_dma source(%dma_start3A_54 : memref<10000x128xf32, #tpu.memory_space<hbm>>) target(%arg11 : memref<80x128xf32, #tpu.memory_space<vmem>>) offsets(%dma_start3A_51 : memref<80xi32, #tpu.memory_space<vmem>>) semaphore(%arg15 : memref<!tpu.dma_semaphore, #tpu.memory_space<semaphore_mem>>)
      %dma_start3A_55 = tpu.memref_slice %arg8[%mul3A_50] : memref<10000xi32, #tpu.memory_space<vmem>> -> memref<80xi32, #tpu.memory_space<vmem>>
      %dma_start3A_56 = arith.constant 0 : i32
      %dma_start3A_57 = arith.constant 0 : i32
      %dma_start3A_58 = tpu.memref_slice %arg3[%dma_start3A_56, %dma_start3A_57] : memref<10000x128xf32, #tpu.memory_space<hbm>> -> memref<10000x128xf32, #tpu.memory_space<hbm>>
      tpu.enqueue_indirect_dma source(%dma_start3A_58 : memref<10000x128xf32, #tpu.memory_space<hbm>>) target(%arg12 : memref<80x128xf32, #tpu.memory_space<vmem>>) offsets(%dma_start3A_55 : memref<80xi32, #tpu.memory_space<vmem>>) semaphore(%arg16 : memref<!tpu.dma_semaphore, #tpu.memory_space<semaphore_mem>>)
      %scan3A_59 = arith.constant 0 : i32
      %scan3A_60 = arith.constant 0 : i32
      %scan3A_61 = arith.constant 80 : i32
      %scan3A_62 = arith.addi %scan3A_60, %scan3A_61 : i32
      %scan3A_63 = arith.constant 1 : i32
      scf.for %scan3A_103 = %scan3A_60 to %scan3A_62 step %scan3A_63  : i32 {
        %get3A = arith.index_cast %scan3A_103 : i32 to index
        %get3A_104 = arith.constant 0 : index
        %get3A_105 = tpu.vector_load %arg9[%get3A, %get3A_104] {strides = array<i32>} : memref<80x128xf32, #tpu.memory_space<vmem>>, vector<1x16xf32>,
        %get3A_106 = vector.shape_cast %get3A_105 : vector<1x16xf32> to vector<16xf32>
        %get3A_107 = arith.index_cast %scan3A_103 : i32 to index
        %get3A_108 = arith.constant 0 : index
        %get3A_109 = tpu.vector_load %arg10[%get3A_107, %get3A_108] {strides = array<i32>} : memref<80x128xf32, #tpu.memory_space<vmem>>, vector<1x16xf32>,
        %get3A_110 = vector.shape_cast %get3A_109 : vector<1x16xf32> to vector<16xf32>
        %add3A_111 = arith.addf %get3A_106, %get3A_110 : vector<16xf32>
        %swap3A = arith.index_cast %scan3A_103 : i32 to index
        %swap3A_112 = arith.constant 0 : index
        %swap3A_113 = tpu.vector_load %arg9[%swap3A, %swap3A_112] {strides = array<i32>} : memref<80x128xf32, #tpu.memory_space<vmem>>, vector<1x16xf32>,
        %swap3A_114 = vector.shape_cast %swap3A_113 : vector<1x16xf32> to vector<16xf32>
        %swap3A_115 = vector.shape_cast %add3A_111 : vector<16xf32> to vector<1x16xf32>
        tpu.vector_store %arg9[%swap3A, %swap3A_112], %swap3A_115 {strides = array<i32>} : memref<80x128xf32, #tpu.memory_space<vmem>>, vector<1x16xf32>,
        %get3A_116 = arith.index_cast %scan3A_103 : i32 to index
        %get3A_117 = arith.constant 16 : index
        %get3A_118 = tpu.vector_load %arg9[%get3A_116, %get3A_117] {strides = array<i32>} : memref<80x128xf32, #tpu.memory_space<vmem>>, vector<1x16xf32>,
        %get3A_119 = vector.shape_cast %get3A_118 : vector<1x16xf32> to vector<16xf32>
        %get3A_120 = arith.index_cast %scan3A_103 : i32 to index
        %get3A_121 = arith.constant 16 : index
        %get3A_122 = tpu.vector_load %arg10[%get3A_120, %get3A_121] {strides = array<i32>} : memref<80x128xf32, #tpu.memory_space<vmem>>, vector<1x16xf32>,
        %get3A_123 = vector.shape_cast %get3A_122 : vector<1x16xf32> to vector<16xf32>
        %add3A_124 = arith.addf %get3A_119, %get3A_123 : vector<16xf32>
        %swap3A_125 = arith.index_cast %scan3A_103 : i32 to index
        %swap3A_126 = arith.constant 16 : index
        %swap3A_127 = tpu.vector_load %arg9[%swap3A_125, %swap3A_126] {strides = array<i32>} : memref<80x128xf32, #tpu.memory_space<vmem>>, vector<1x16xf32>,
        %swap3A_128 = vector.shape_cast %swap3A_127 : vector<1x16xf32> to vector<16xf32>
        %swap3A_129 = vector.shape_cast %add3A_124 : vector<16xf32> to vector<1x16xf32>
        tpu.vector_store %arg9[%swap3A_125, %swap3A_126], %swap3A_129 {strides = array<i32>} : memref<80x128xf32, #tpu.memory_space<vmem>>, vector<1x16xf32>,
        %get3A_130 = arith.index_cast %scan3A_103 : i32 to index
        %get3A_131 = arith.constant 32 : index
        %get3A_132 = tpu.vector_load %arg9[%get3A_130, %get3A_131] {strides = array<i32>} : memref<80x128xf32, #tpu.memory_space<vmem>>, vector<1x16xf32>,
        %get3A_133 = vector.shape_cast %get3A_132 : vector<1x16xf32> to vector<16xf32>
        %get3A_134 = arith.index_cast %scan3A_103 : i32 to index
        %get3A_135 = arith.constant 32 : index
        %get3A_136 = tpu.vector_load %arg10[%get3A_134, %get3A_135] {strides = array<i32>} : memref<80x128xf32, #tpu.memory_space<vmem>>, vector<1x16xf32>,
        %get3A_137 = vector.shape_cast %get3A_136 : vector<1x16xf32> to vector<16xf32>
        %add3A_138 = arith.addf %get3A_133, %get3A_137 : vector<16xf32>
        %swap3A_139 = arith.index_cast %scan3A_103 : i32 to index
        %swap3A_140 = arith.constant 32 : index
        %swap3A_141 = tpu.vector_load %arg9[%swap3A_139, %swap3A_140] {strides = array<i32>} : memref<80x128xf32, #tpu.memory_space<vmem>>, vector<1x16xf32>,
        %swap3A_142 = vector.shape_cast %swap3A_141 : vector<1x16xf32> to vector<16xf32>
        %swap3A_143 = vector.shape_cast %add3A_138 : vector<16xf32> to vector<1x16xf32>
        tpu.vector_store %arg9[%swap3A_139, %swap3A_140], %swap3A_143 {strides = array<i32>} : memref<80x128xf32, #tpu.memory_space<vmem>>, vector<1x16xf32>,
        %get3A_144 = arith.index_cast %scan3A_103 : i32 to index
        %get3A_145 = arith.constant 48 : index
        %get3A_146 = tpu.vector_load %arg9[%get3A_144, %get3A_145] {strides = array<i32>} : memref<80x128xf32, #tpu.memory_space<vmem>>, vector<1x16xf32>,
        %get3A_147 = vector.shape_cast %get3A_146 : vector<1x16xf32> to vector<16xf32>
        %get3A_148 = arith.index_cast %scan3A_103 : i32 to index
        %get3A_149 = arith.constant 48 : index
        %get3A_150 = tpu.vector_load %arg10[%get3A_148, %get3A_149] {strides = array<i32>} : memref<80x128xf32, #tpu.memory_space<vmem>>, vector<1x16xf32>,
        %get3A_151 = vector.shape_cast %get3A_150 : vector<1x16xf32> to vector<16xf32>
        %add3A_152 = arith.addf %get3A_147, %get3A_151 : vector<16xf32>
        %swap3A_153 = arith.index_cast %scan3A_103 : i32 to index
        %swap3A_154 = arith.constant 48 : index
        %swap3A_155 = tpu.vector_load %arg9[%swap3A_153, %swap3A_154] {strides = array<i32>} : memref<80x128xf32, #tpu.memory_space<vmem>>, vector<1x16xf32>,
        %swap3A_156 = vector.shape_cast %swap3A_155 : vector<1x16xf32> to vector<16xf32>
        %swap3A_157 = vector.shape_cast %add3A_152 : vector<16xf32> to vector<1x16xf32>
        tpu.vector_store %arg9[%swap3A_153, %swap3A_154], %swap3A_157 {strides = array<i32>} : memref<80x128xf32, #tpu.memory_space<vmem>>, vector<1x16xf32>,
        %get3A_158 = arith.index_cast %scan3A_103 : i32 to index
        %get3A_159 = arith.constant 64 : index
        %get3A_160 = tpu.vector_load %arg9[%get3A_158, %get3A_159] {strides = array<i32>} : memref<80x128xf32, #tpu.memory_space<vmem>>, vector<1x16xf32>,
        %get3A_161 = vector.shape_cast %get3A_160 : vector<1x16xf32> to vector<16xf32>
        %get3A_162 = arith.index_cast %scan3A_103 : i32 to index
        %get3A_163 = arith.constant 64 : index
        %get3A_164 = tpu.vector_load %arg10[%get3A_162, %get3A_163] {strides = array<i32>} : memref<80x128xf32, #tpu.memory_space<vmem>>, vector<1x16xf32>,
        %get3A_165 = vector.shape_cast %get3A_164 : vector<1x16xf32> to vector<16xf32>
        %add3A_166 = arith.addf %get3A_161, %get3A_165 : vector<16xf32>
        %swap3A_167 = arith.index_cast %scan3A_103 : i32 to index
        %swap3A_168 = arith.constant 64 : index
        %swap3A_169 = tpu.vector_load %arg9[%swap3A_167, %swap3A_168] {strides = array<i32>} : memref<80x128xf32, #tpu.memory_space<vmem>>, vector<1x16xf32>,
        %swap3A_170 = vector.shape_cast %swap3A_169 : vector<1x16xf32> to vector<16xf32>
        %swap3A_171 = vector.shape_cast %add3A_166 : vector<16xf32> to vector<1x16xf32>
        tpu.vector_store %arg9[%swap3A_167, %swap3A_168], %swap3A_171 {strides = array<i32>} : memref<80x128xf32, #tpu.memory_space<vmem>>, vector<1x16xf32>,
        %get3A_172 = arith.index_cast %scan3A_103 : i32 to index
        %get3A_173 = arith.constant 80 : index
        %get3A_174 = tpu.vector_load %arg9[%get3A_172, %get3A_173] {strides = array<i32>} : memref<80x128xf32, #tpu.memory_space<vmem>>, vector<1x16xf32>,
        %get3A_175 = vector.shape_cast %get3A_174 : vector<1x16xf32> to vector<16xf32>
        %get3A_176 = arith.index_cast %scan3A_103 : i32 to index
        %get3A_177 = arith.constant 80 : index
        %get3A_178 = tpu.vector_load %arg10[%get3A_176, %get3A_177] {strides = array<i32>} : memref<80x128xf32, #tpu.memory_space<vmem>>, vector<1x16xf32>,
        %get3A_179 = vector.shape_cast %get3A_178 : vector<1x16xf32> to vector<16xf32>
        %add3A_180 = arith.addf %get3A_175, %get3A_179 : vector<16xf32>
        %swap3A_181 = arith.index_cast %scan3A_103 : i32 to index
        %swap3A_182 = arith.constant 80 : index
        %swap3A_183 = tpu.vector_load %arg9[%swap3A_181, %swap3A_182] {strides = array<i32>} : memref<80x128xf32, #tpu.memory_space<vmem>>, vector<1x16xf32>,
        %swap3A_184 = vector.shape_cast %swap3A_183 : vector<1x16xf32> to vector<16xf32>
        %swap3A_185 = vector.shape_cast %add3A_180 : vector<16xf32> to vector<1x16xf32>
        tpu.vector_store %arg9[%swap3A_181, %swap3A_182], %swap3A_185 {strides = array<i32>} : memref<80x128xf32, #tpu.memory_space<vmem>>, vector<1x16xf32>,
        %get3A_186 = arith.index_cast %scan3A_103 : i32 to index
        %get3A_187 = arith.constant 96 : index
        %get3A_188 = tpu.vector_load %arg9[%get3A_186, %get3A_187] {strides = array<i32>} : memref<80x128xf32, #tpu.memory_space<vmem>>, vector<1x16xf32>,
        %get3A_189 = vector.shape_cast %get3A_188 : vector<1x16xf32> to vector<16xf32>
        %get3A_190 = arith.index_cast %scan3A_103 : i32 to index
        %get3A_191 = arith.constant 96 : index
        %get3A_192 = tpu.vector_load %arg10[%get3A_190, %get3A_191] {strides = array<i32>} : memref<80x128xf32, #tpu.memory_space<vmem>>, vector<1x16xf32>,
        %get3A_193 = vector.shape_cast %get3A_192 : vector<1x16xf32> to vector<16xf32>
        %add3A_194 = arith.addf %get3A_189, %get3A_193 : vector<16xf32>
        %swap3A_195 = arith.index_cast %scan3A_103 : i32 to index
        %swap3A_196 = arith.constant 96 : index
        %swap3A_197 = tpu.vector_load %arg9[%swap3A_195, %swap3A_196] {strides = array<i32>} : memref<80x128xf32, #tpu.memory_space<vmem>>, vector<1x16xf32>,
        %swap3A_198 = vector.shape_cast %swap3A_197 : vector<1x16xf32> to vector<16xf32>
        %swap3A_199 = vector.shape_cast %add3A_194 : vector<16xf32> to vector<1x16xf32>
        tpu.vector_store %arg9[%swap3A_195, %swap3A_196], %swap3A_199 {strides = array<i32>} : memref<80x128xf32, #tpu.memory_space<vmem>>, vector<1x16xf32>,
        %get3A_200 = arith.index_cast %scan3A_103 : i32 to index
        %get3A_201 = arith.constant 112 : index
        %get3A_202 = tpu.vector_load %arg9[%get3A_200, %get3A_201] {strides = array<i32>} : memref<80x128xf32, #tpu.memory_space<vmem>>, vector<1x16xf32>,
        %get3A_203 = vector.shape_cast %get3A_202 : vector<1x16xf32> to vector<16xf32>
        %get3A_204 = arith.index_cast %scan3A_103 : i32 to index
        %get3A_205 = arith.constant 112 : index
        %get3A_206 = tpu.vector_load %arg10[%get3A_204, %get3A_205] {strides = array<i32>} : memref<80x128xf32, #tpu.memory_space<vmem>>, vector<1x16xf32>,
        %get3A_207 = vector.shape_cast %get3A_206 : vector<1x16xf32> to vector<16xf32>
        %add3A_208 = arith.addf %get3A_203, %get3A_207 : vector<16xf32>
        %swap3A_209 = arith.index_cast %scan3A_103 : i32 to index
        %swap3A_210 = arith.constant 112 : index
        %swap3A_211 = tpu.vector_load %arg9[%swap3A_209, %swap3A_210] {strides = array<i32>} : memref<80x128xf32, #tpu.memory_space<vmem>>, vector<1x16xf32>,
        %swap3A_212 = vector.shape_cast %swap3A_211 : vector<1x16xf32> to vector<16xf32>
        %swap3A_213 = vector.shape_cast %add3A_208 : vector<16xf32> to vector<1x16xf32>
        tpu.vector_store %arg9[%swap3A_209, %swap3A_210], %swap3A_213 {strides = array<i32>} : memref<80x128xf32, #tpu.memory_space<vmem>>, vector<1x16xf32>,
      }
      %scan3A_64 = arith.constant 80 : i32
      %mul3A_65 = arith.constant 80 : i32
      %mul3A_66 = arith.muli %mul3A_36, %mul3A_65 : i32
      %add3A_67 = arith.addi %mul3A_2, %mul3A_66 : i32
      "tpu.region"() ({
        %run_scoped3A = tpu.sem_alloc : memref<!tpu.dma_semaphore, #tpu.memory_space<semaphore_mem>>
        %dma_start3A_103 = arith.constant 0 : i32
        %dma_start3A_104 = tpu.memref_slice %arg6[%add3A_67, %dma_start3A_103] : memref<320000x128xf32, #tpu.memory_space<hbm>> -> memref<80x128xf32, #tpu.memory_space<hbm>>
        %dma_start3A_105 = arith.constant 0 : i32
        %dma_start3A_106 = tpu.memref_slice %arg6[%add3A_67, %dma_start3A_105] : memref<320000x128xf32, #tpu.memory_space<hbm>> -> memref<80x128xf32, #tpu.memory_space<hbm>>
        tpu.enqueue_dma source(%arg9 : memref<80x128xf32, #tpu.memory_space<vmem>>) target(%dma_start3A_106 : memref<80x128xf32, #tpu.memory_space<hbm>>) target_semaphore(%run_scoped3A : memref<!tpu.dma_semaphore, #tpu.memory_space<semaphore_mem>>)
        %dma_wait3A_107 = arith.constant 0 : i32
        %dma_wait3A_108 = tpu.memref_slice %arg6[%add3A_67, %dma_wait3A_107] : memref<320000x128xf32, #tpu.memory_space<hbm>> -> memref<80x128xf32, #tpu.memory_space<hbm>>
        %dma_wait3A_109 = arith.constant 0 : i32
        %dma_wait3A_110 = tpu.memref_slice %arg6[%add3A_67, %dma_wait3A_109] : memref<320000x128xf32, #tpu.memory_space<hbm>> -> memref<80x128xf32, #tpu.memory_space<hbm>>
        tpu.wait_dma2 semaphore(%run_scoped3A : memref<!tpu.dma_semaphore, #tpu.memory_space<semaphore_mem>>) src(%arg9 : memref<80x128xf32, #tpu.memory_space<vmem>>) dst(%dma_wait3A_110 : memref<80x128xf32, #tpu.memory_space<hbm>>)
        tpu.yield
      }) : () -> ()
      %add3A_68 = arith.constant 1 : i32
      %add3A_69 = arith.addi %mul3A_36, %add3A_68 : i32
      %mul3A_70 = arith.constant 80 : i32
      %mul3A_71 = arith.muli %add3A_69, %mul3A_70 : i32
      %dma_wait3A_72 = tpu.memref_slice %arg7[%mul3A_71] : memref<10000xi32, #tpu.memory_space<vmem>> -> memref<80xi32, #tpu.memory_space<vmem>>
      %dma_wait3A_73 = arith.constant 0 : i32
      %dma_wait3A_74 = arith.constant 0 : i32
      %dma_wait3A_75 = tpu.memref_slice %arg2[%dma_wait3A_73, %dma_wait3A_74] : memref<10000x128xf32, #tpu.memory_space<hbm>> -> memref<10000x128xf32, #tpu.memory_space<hbm>>
      tpu.wait_indirect_dma semaphore(%arg15 : memref<!tpu.dma_semaphore, #tpu.memory_space<semaphore_mem>>) src(%dma_wait3A_75 : memref<10000x128xf32, #tpu.memory_space<hbm>>) dst(%arg11 : memref<80x128xf32, #tpu.memory_space<vmem>>)
      %dma_wait3A_76 = tpu.memref_slice %arg8[%mul3A_71] : memref<10000xi32, #tpu.memory_space<vmem>> -> memref<80xi32, #tpu.memory_space<vmem>>
      %dma_wait3A_77 = arith.constant 0 : i32
      %dma_wait3A_78 = arith.constant 0 : i32
      %dma_wait3A_79 = tpu.memref_slice %arg3[%dma_wait3A_77, %dma_wait3A_78] : memref<10000x128xf32, #tpu.memory_space<hbm>> -> memref<10000x128xf32, #tpu.memory_space<hbm>>
      tpu.wait_indirect_dma semaphore(%arg16 : memref<!tpu.dma_semaphore, #tpu.memory_space<semaphore_mem>>) src(%dma_wait3A_79 : memref<10000x128xf32, #tpu.memory_space<hbm>>) dst(%arg12 : memref<80x128xf32, #tpu.memory_space<vmem>>)
      %add3A_80 = arith.constant 2 : i32
      %add3A_81 = arith.addi %mul3A_36, %add3A_80 : i32
      %mul3A_82 = arith.constant 80 : i32
      %mul3A_83 = arith.muli %add3A_81, %mul3A_82 : i32
      %dma_start3A_84 = tpu.memref_slice %arg7[%mul3A_83] : memref<10000xi32, #tpu.memory_space<vmem>> -> memref<80xi32, #tpu.memory_space<vmem>>
      %dma_start3A_85 = arith.constant 0 : i32
      %dma_start3A_86 = arith.constant 0 : i32
      %dma_start3A_87 = tpu.memref_slice %arg2[%dma_start3A_85, %dma_start3A_86] : memref<10000x128xf32, #tpu.memory_space<hbm>> -> memref<10000x128xf32, #tpu.memory_space<hbm>>
      tpu.enqueue_indirect_dma source(%dma_start3A_87 : memref<10000x128xf32, #tpu.memory_space<hbm>>) target(%arg9 : memref<80x128xf32, #tpu.memory_space<vmem>>) offsets(%dma_start3A_84 : memref<80xi32, #tpu.memory_space<vmem>>) semaphore(%arg13 : memref<!tpu.dma_semaphore, #tpu.memory_space<semaphore_mem>>)
      %dma_start3A_88 = tpu.memref_slice %arg8[%mul3A_83] : memref<10000xi32, #tpu.memory_space<vmem>> -> memref<80xi32, #tpu.memory_space<vmem>>
      %dma_start3A_89 = arith.constant 0 : i32
      %dma_start3A_90 = arith.constant 0 : i32
      %dma_start3A_91 = tpu.memref_slice %arg3[%dma_start3A_89, %dma_start3A_90] : memref<10000x128xf32, #tpu.memory_space<hbm>> -> memref<10000x128xf32, #tpu.memory_space<hbm>>
      tpu.enqueue_indirect_dma source(%dma_start3A_91 : memref<10000x128xf32, #tpu.memory_space<hbm>>) target(%arg10 : memref<80x128xf32, #tpu.memory_space<vmem>>) offsets(%dma_start3A_88 : memref<80xi32, #tpu.memory_space<vmem>>) semaphore(%arg14 : memref<!tpu.dma_semaphore, #tpu.memory_space<semaphore_mem>>)
      %add3A_92 = arith.constant 1 : i32
      %add3A_93 = arith.addi %mul3A_36, %add3A_92 : i32
      %scan3A_94 = arith.constant 0 : i32
      %scan3A_95 = arith.constant 0 : i32
      %scan3A_96 = arith.constant 80 : i32
      %scan3A_97 = arith.addi %scan3A_95, %scan3A_96 : i32
      %scan3A_98 = arith.constant 1 : i32
      scf.for %scan3A_103 = %scan3A_95 to %scan3A_97 step %scan3A_98  : i32 {
        %get3A = arith.index_cast %scan3A_103 : i32 to index
        %get3A_104 = arith.constant 0 : index
        %get3A_105 = tpu.vector_load %arg11[%get3A, %get3A_104] {strides = array<i32>} : memref<80x128xf32, #tpu.memory_space<vmem>>, vector<1x16xf32>,
        %get3A_106 = vector.shape_cast %get3A_105 : vector<1x16xf32> to vector<16xf32>
        %get3A_107 = arith.index_cast %scan3A_103 : i32 to index
        %get3A_108 = arith.constant 0 : index
        %get3A_109 = tpu.vector_load %arg12[%get3A_107, %get3A_108] {strides = array<i32>} : memref<80x128xf32, #tpu.memory_space<vmem>>, vector<1x16xf32>,
        %get3A_110 = vector.shape_cast %get3A_109 : vector<1x16xf32> to vector<16xf32>
        %add3A_111 = arith.addf %get3A_106, %get3A_110 : vector<16xf32>
        %swap3A = arith.index_cast %scan3A_103 : i32 to index
        %swap3A_112 = arith.constant 0 : index
        %swap3A_113 = tpu.vector_load %arg11[%swap3A, %swap3A_112] {strides = array<i32>} : memref<80x128xf32, #tpu.memory_space<vmem>>, vector<1x16xf32>,
        %swap3A_114 = vector.shape_cast %swap3A_113 : vector<1x16xf32> to vector<16xf32>
        %swap3A_115 = vector.shape_cast %add3A_111 : vector<16xf32> to vector<1x16xf32>
        tpu.vector_store %arg11[%swap3A, %swap3A_112], %swap3A_115 {strides = array<i32>} : memref<80x128xf32, #tpu.memory_space<vmem>>, vector<1x16xf32>,
        %get3A_116 = arith.index_cast %scan3A_103 : i32 to index
        %get3A_117 = arith.constant 16 : index
        %get3A_118 = tpu.vector_load %arg11[%get3A_116, %get3A_117] {strides = array<i32>} : memref<80x128xf32, #tpu.memory_space<vmem>>, vector<1x16xf32>,
        %get3A_119 = vector.shape_cast %get3A_118 : vector<1x16xf32> to vector<16xf32>
        %get3A_120 = arith.index_cast %scan3A_103 : i32 to index
        %get3A_121 = arith.constant 16 : index
        %get3A_122 = tpu.vector_load %arg12[%get3A_120, %get3A_121] {strides = array<i32>} : memref<80x128xf32, #tpu.memory_space<vmem>>, vector<1x16xf32>,
        %get3A_123 = vector.shape_cast %get3A_122 : vector<1x16xf32> to vector<16xf32>
        %add3A_124 = arith.addf %get3A_119, %get3A_123 : vector<16xf32>
        %swap3A_125 = arith.index_cast %scan3A_103 : i32 to index
        %swap3A_126 = arith.constant 16 : index
        %swap3A_127 = tpu.vector_load %arg11[%swap3A_125, %swap3A_126] {strides = array<i32>} : memref<80x128xf32, #tpu.memory_space<vmem>>, vector<1x16xf32>,
        %swap3A_128 = vector.shape_cast %swap3A_127 : vector<1x16xf32> to vector<16xf32>
        %swap3A_129 = vector.shape_cast %add3A_124 : vector<16xf32> to vector<1x16xf32>
        tpu.vector_store %arg11[%swap3A_125, %swap3A_126], %swap3A_129 {strides = array<i32>} : memref<80x128xf32, #tpu.memory_space<vmem>>, vector<1x16xf32>,
        %get3A_130 = arith.index_cast %scan3A_103 : i32 to index
        %get3A_131 = arith.constant 32 : index
        %get3A_132 = tpu.vector_load %arg11[%get3A_130, %get3A_131] {strides = array<i32>} : memref<80x128xf32, #tpu.memory_space<vmem>>, vector<1x16xf32>,
        %get3A_133 = vector.shape_cast %get3A_132 : vector<1x16xf32> to vector<16xf32>
        %get3A_134 = arith.index_cast %scan3A_103 : i32 to index
        %get3A_135 = arith.constant 32 : index
        %get3A_136 = tpu.vector_load %arg12[%get3A_134, %get3A_135] {strides = array<i32>} : memref<80x128xf32, #tpu.memory_space<vmem>>, vector<1x16xf32>,
        %get3A_137 = vector.shape_cast %get3A_136 : vector<1x16xf32> to vector<16xf32>
        %add3A_138 = arith.addf %get3A_133, %get3A_137 : vector<16xf32>
        %swap3A_139 = arith.index_cast %scan3A_103 : i32 to index
        %swap3A_140 = arith.constant 32 : index
        %swap3A_141 = tpu.vector_load %arg11[%swap3A_139, %swap3A_140] {strides = array<i32>} : memref<80x128xf32, #tpu.memory_space<vmem>>, vector<1x16xf32>,
        %swap3A_142 = vector.shape_cast %swap3A_141 : vector<1x16xf32> to vector<16xf32>
        %swap3A_143 = vector.shape_cast %add3A_138 : vector<16xf32> to vector<1x16xf32>
        tpu.vector_store %arg11[%swap3A_139, %swap3A_140], %swap3A_143 {strides = array<i32>} : memref<80x128xf32, #tpu.memory_space<vmem>>, vector<1x16xf32>,
        %get3A_144 = arith.index_cast %scan3A_103 : i32 to index
        %get3A_145 = arith.constant 48 : index
        %get3A_146 = tpu.vector_load %arg11[%get3A_144, %get3A_145] {strides = array<i32>} : memref<80x128xf32, #tpu.memory_space<vmem>>, vector<1x16xf32>,
        %get3A_147 = vector.shape_cast %get3A_146 : vector<1x16xf32> to vector<16xf32>
        %get3A_148 = arith.index_cast %scan3A_103 : i32 to index
        %get3A_149 = arith.constant 48 : index
        %get3A_150 = tpu.vector_load %arg12[%get3A_148, %get3A_149] {strides = array<i32>} : memref<80x128xf32, #tpu.memory_space<vmem>>, vector<1x16xf32>,
        %get3A_151 = vector.shape_cast %get3A_150 : vector<1x16xf32> to vector<16xf32>
        %add3A_152 = arith.addf %get3A_147, %get3A_151 : vector<16xf32>
        %swap3A_153 = arith.index_cast %scan3A_103 : i32 to index
        %swap3A_154 = arith.constant 48 : index
        %swap3A_155 = tpu.vector_load %arg11[%swap3A_153, %swap3A_154] {strides = array<i32>} : memref<80x128xf32, #tpu.memory_space<vmem>>, vector<1x16xf32>,
        %swap3A_156 = vector.shape_cast %swap3A_155 : vector<1x16xf32> to vector<16xf32>
        %swap3A_157 = vector.shape_cast %add3A_152 : vector<16xf32> to vector<1x16xf32>
        tpu.vector_store %arg11[%swap3A_153, %swap3A_154], %swap3A_157 {strides = array<i32>} : memref<80x128xf32, #tpu.memory_space<vmem>>, vector<1x16xf32>,
        %get3A_158 = arith.index_cast %scan3A_103 : i32 to index
        %get3A_159 = arith.constant 64 : index
        %get3A_160 = tpu.vector_load %arg11[%get3A_158, %get3A_159] {strides = array<i32>} : memref<80x128xf32, #tpu.memory_space<vmem>>, vector<1x16xf32>,
        %get3A_161 = vector.shape_cast %get3A_160 : vector<1x16xf32> to vector<16xf32>
        %get3A_162 = arith.index_cast %scan3A_103 : i32 to index
        %get3A_163 = arith.constant 64 : index
        %get3A_164 = tpu.vector_load %arg12[%get3A_162, %get3A_163] {strides = array<i32>} : memref<80x128xf32, #tpu.memory_space<vmem>>, vector<1x16xf32>,
        %get3A_165 = vector.shape_cast %get3A_164 : vector<1x16xf32> to vector<16xf32>
        %add3A_166 = arith.addf %get3A_161, %get3A_165 : vector<16xf32>
        %swap3A_167 = arith.index_cast %scan3A_103 : i32 to index
        %swap3A_168 = arith.constant 64 : index
        %swap3A_169 = tpu.vector_load %arg11[%swap3A_167, %swap3A_168] {strides = array<i32>} : memref<80x128xf32, #tpu.memory_space<vmem>>, vector<1x16xf32>,
        %swap3A_170 = vector.shape_cast %swap3A_169 : vector<1x16xf32> to vector<16xf32>
        %swap3A_171 = vector.shape_cast %add3A_166 : vector<16xf32> to vector<1x16xf32>
        tpu.vector_store %arg11[%swap3A_167, %swap3A_168], %swap3A_171 {strides = array<i32>} : memref<80x128xf32, #tpu.memory_space<vmem>>, vector<1x16xf32>,
        %get3A_172 = arith.index_cast %scan3A_103 : i32 to index
        %get3A_173 = arith.constant 80 : index
        %get3A_174 = tpu.vector_load %arg11[%get3A_172, %get3A_173] {strides = array<i32>} : memref<80x128xf32, #tpu.memory_space<vmem>>, vector<1x16xf32>,
        %get3A_175 = vector.shape_cast %get3A_174 : vector<1x16xf32> to vector<16xf32>
        %get3A_176 = arith.index_cast %scan3A_103 : i32 to index
        %get3A_177 = arith.constant 80 : index
        %get3A_178 = tpu.vector_load %arg12[%get3A_176, %get3A_177] {strides = array<i32>} : memref<80x128xf32, #tpu.memory_space<vmem>>, vector<1x16xf32>,
        %get3A_179 = vector.shape_cast %get3A_178 : vector<1x16xf32> to vector<16xf32>
        %add3A_180 = arith.addf %get3A_175, %get3A_179 : vector<16xf32>
        %swap3A_181 = arith.index_cast %scan3A_103 : i32 to index
        %swap3A_182 = arith.constant 80 : index
        %swap3A_183 = tpu.vector_load %arg11[%swap3A_181, %swap3A_182] {strides = array<i32>} : memref<80x128xf32, #tpu.memory_space<vmem>>, vector<1x16xf32>,
        %swap3A_184 = vector.shape_cast %swap3A_183 : vector<1x16xf32> to vector<16xf32>
        %swap3A_185 = vector.shape_cast %add3A_180 : vector<16xf32> to vector<1x16xf32>
        tpu.vector_store %arg11[%swap3A_181, %swap3A_182], %swap3A_185 {strides = array<i32>} : memref<80x128xf32, #tpu.memory_space<vmem>>, vector<1x16xf32>,
        %get3A_186 = arith.index_cast %scan3A_103 : i32 to index
        %get3A_187 = arith.constant 96 : index
        %get3A_188 = tpu.vector_load %arg11[%get3A_186, %get3A_187] {strides = array<i32>} : memref<80x128xf32, #tpu.memory_space<vmem>>, vector<1x16xf32>,
        %get3A_189 = vector.shape_cast %get3A_188 : vector<1x16xf32> to vector<16xf32>
        %get3A_190 = arith.index_cast %scan3A_103 : i32 to index
        %get3A_191 = arith.constant 96 : index
        %get3A_192 = tpu.vector_load %arg12[%get3A_190, %get3A_191] {strides = array<i32>} : memref<80x128xf32, #tpu.memory_space<vmem>>, vector<1x16xf32>,
        %get3A_193 = vector.shape_cast %get3A_192 : vector<1x16xf32> to vector<16xf32>
        %add3A_194 = arith.addf %get3A_189, %get3A_193 : vector<16xf32>
        %swap3A_195 = arith.index_cast %scan3A_103 : i32 to index
        %swap3A_196 = arith.constant 96 : index
        %swap3A_197 = tpu.vector_load %arg11[%swap3A_195, %swap3A_196] {strides = array<i32>} : memref<80x128xf32, #tpu.memory_space<vmem>>, vector<1x16xf32>,
        %swap3A_198 = vector.shape_cast %swap3A_197 : vector<1x16xf32> to vector<16xf32>
        %swap3A_199 = vector.shape_cast %add3A_194 : vector<16xf32> to vector<1x16xf32>
        tpu.vector_store %arg11[%swap3A_195, %swap3A_196], %swap3A_199 {strides = array<i32>} : memref<80x128xf32, #tpu.memory_space<vmem>>, vector<1x16xf32>,
        %get3A_200 = arith.index_cast %scan3A_103 : i32 to index
        %get3A_201 = arith.constant 112 : index
        %get3A_202 = tpu.vector_load %arg11[%get3A_200, %get3A_201] {strides = array<i32>} : memref<80x128xf32, #tpu.memory_space<vmem>>, vector<1x16xf32>,
        %get3A_203 = vector.shape_cast %get3A_202 : vector<1x16xf32> to vector<16xf32>
        %get3A_204 = arith.index_cast %scan3A_103 : i32 to index
        %get3A_205 = arith.constant 112 : index
        %get3A_206 = tpu.vector_load %arg12[%get3A_204, %get3A_205] {strides = array<i32>} : memref<80x128xf32, #tpu.memory_space<vmem>>, vector<1x16xf32>,
        %get3A_207 = vector.shape_cast %get3A_206 : vector<1x16xf32> to vector<16xf32>
        %add3A_208 = arith.addf %get3A_203, %get3A_207 : vector<16xf32>
        %swap3A_209 = arith.index_cast %scan3A_103 : i32 to index
        %swap3A_210 = arith.constant 112 : index
        %swap3A_211 = tpu.vector_load %arg11[%swap3A_209, %swap3A_210] {strides = array<i32>} : memref<80x128xf32, #tpu.memory_space<vmem>>, vector<1x16xf32>,
        %swap3A_212 = vector.shape_cast %swap3A_211 : vector<1x16xf32> to vector<16xf32>
        %swap3A_213 = vector.shape_cast %add3A_208 : vector<16xf32> to vector<1x16xf32>
        tpu.vector_store %arg11[%swap3A_209, %swap3A_210], %swap3A_213 {strides = array<i32>} : memref<80x128xf32, #tpu.memory_space<vmem>>, vector<1x16xf32>,
      }
      %scan3A_99 = arith.constant 80 : i32
      %mul3A_100 = arith.constant 80 : i32
      %mul3A_101 = arith.muli %add3A_93, %mul3A_100 : i32
      %add3A_102 = arith.addi %mul3A_2, %mul3A_101 : i32
      "tpu.region"() ({
        %run_scoped3A = tpu.sem_alloc : memref<!tpu.dma_semaphore, #tpu.memory_space<semaphore_mem>>
        %dma_start3A_103 = arith.constant 0 : i32
        %dma_start3A_104 = tpu.memref_slice %arg6[%add3A_102, %dma_start3A_103] : memref<320000x128xf32, #tpu.memory_space<hbm>> -> memref<80x128xf32, #tpu.memory_space<hbm>>
        %dma_start3A_105 = arith.constant 0 : i32
        %dma_start3A_106 = tpu.memref_slice %arg6[%add3A_102, %dma_start3A_105] : memref<320000x128xf32, #tpu.memory_space<hbm>> -> memref<80x128xf32, #tpu.memory_space<hbm>>
        tpu.enqueue_dma source(%arg11 : memref<80x128xf32, #tpu.memory_space<vmem>>) target(%dma_start3A_106 : memref<80x128xf32, #tpu.memory_space<hbm>>) target_semaphore(%run_scoped3A : memref<!tpu.dma_semaphore, #tpu.memory_space<semaphore_mem>>)
        %dma_wait3A_107 = arith.constant 0 : i32
        %dma_wait3A_108 = tpu.memref_slice %arg6[%add3A_102, %dma_wait3A_107] : memref<320000x128xf32, #tpu.memory_space<hbm>> -> memref<80x128xf32, #tpu.memory_space<hbm>>
        %dma_wait3A_109 = arith.constant 0 : i32
        %dma_wait3A_110 = tpu.memref_slice %arg6[%add3A_102, %dma_wait3A_109] : memref<320000x128xf32, #tpu.memory_space<hbm>> -> memref<80x128xf32, #tpu.memory_space<hbm>>
        tpu.wait_dma2 semaphore(%run_scoped3A : memref<!tpu.dma_semaphore, #tpu.memory_space<semaphore_mem>>) src(%arg11 : memref<80x128xf32, #tpu.memory_space<vmem>>) dst(%dma_wait3A_110 : memref<80x128xf32, #tpu.memory_space<hbm>>)
        tpu.yield
      }) : () -> ()
    }
    %scan3A_16 = arith.constant 62 : i32
    %dma_wait3A = arith.constant 9920 : i32
    %dma_wait3A_17 = tpu.memref_slice %arg7[%dma_wait3A] : memref<10000xi32, #tpu.memory_space<vmem>> -> memref<80xi32, #tpu.memory_space<vmem>>
    %dma_wait3A_18 = arith.constant 0 : i32
    %dma_wait3A_19 = arith.constant 0 : i32
    %dma_wait3A_20 = tpu.memref_slice %arg2[%dma_wait3A_18, %dma_wait3A_19] : memref<10000x128xf32, #tpu.memory_space<hbm>> -> memref<10000x128xf32, #tpu.memory_space<hbm>>
    tpu.wait_indirect_dma semaphore(%arg13 : memref<!tpu.dma_semaphore, #tpu.memory_space<semaphore_mem>>) src(%dma_wait3A_20 : memref<10000x128xf32, #tpu.memory_space<hbm>>) dst(%arg9 : memref<80x128xf32, #tpu.memory_space<vmem>>)
    %dma_wait3A_21 = arith.constant 9920 : i32
    %dma_wait3A_22 = tpu.memref_slice %arg8[%dma_wait3A_21] : memref<10000xi32, #tpu.memory_space<vmem>> -> memref<80xi32, #tpu.memory_space<vmem>>
    %dma_wait3A_23 = arith.constant 0 : i32
    %dma_wait3A_24 = arith.constant 0 : i32
    %dma_wait3A_25 = tpu.memref_slice %arg3[%dma_wait3A_23, %dma_wait3A_24] : memref<10000x128xf32, #tpu.memory_space<hbm>> -> memref<10000x128xf32, #tpu.memory_space<hbm>>
    tpu.wait_indirect_dma semaphore(%arg14 : memref<!tpu.dma_semaphore, #tpu.memory_space<semaphore_mem>>) src(%dma_wait3A_25 : memref<10000x128xf32, #tpu.memory_space<hbm>>) dst(%arg10 : memref<80x128xf32, #tpu.memory_space<vmem>>)
    %scan3A_26 = arith.constant 0 : i32
    %scan3A_27 = arith.constant 0 : i32
    %scan3A_28 = arith.constant 80 : i32
    %scan3A_29 = arith.addi %scan3A_27, %scan3A_28 : i32
    %scan3A_30 = arith.constant 1 : i32
    scf.for %scan3A_34 = %scan3A_27 to %scan3A_29 step %scan3A_30  : i32 {
      %get3A = arith.index_cast %scan3A_34 : i32 to index
      %get3A_35 = arith.constant 0 : index
      %get3A_36 = tpu.vector_load %arg9[%get3A, %get3A_35] {strides = array<i32>} : memref<80x128xf32, #tpu.memory_space<vmem>>, vector<1x16xf32>,
      %get3A_37 = vector.shape_cast %get3A_36 : vector<1x16xf32> to vector<16xf32>
      %get3A_38 = arith.index_cast %scan3A_34 : i32 to index
      %get3A_39 = arith.constant 0 : index
      %get3A_40 = tpu.vector_load %arg10[%get3A_38, %get3A_39] {strides = array<i32>} : memref<80x128xf32, #tpu.memory_space<vmem>>, vector<1x16xf32>,
      %get3A_41 = vector.shape_cast %get3A_40 : vector<1x16xf32> to vector<16xf32>
      %add3A_42 = arith.addf %get3A_37, %get3A_41 : vector<16xf32>
      %swap3A = arith.index_cast %scan3A_34 : i32 to index
      %swap3A_43 = arith.constant 0 : index
      %swap3A_44 = tpu.vector_load %arg9[%swap3A, %swap3A_43] {strides = array<i32>} : memref<80x128xf32, #tpu.memory_space<vmem>>, vector<1x16xf32>,
      %swap3A_45 = vector.shape_cast %swap3A_44 : vector<1x16xf32> to vector<16xf32>
      %swap3A_46 = vector.shape_cast %add3A_42 : vector<16xf32> to vector<1x16xf32>
      tpu.vector_store %arg9[%swap3A, %swap3A_43], %swap3A_46 {strides = array<i32>} : memref<80x128xf32, #tpu.memory_space<vmem>>, vector<1x16xf32>,
      %get3A_47 = arith.index_cast %scan3A_34 : i32 to index
      %get3A_48 = arith.constant 16 : index
      %get3A_49 = tpu.vector_load %arg9[%get3A_47, %get3A_48] {strides = array<i32>} : memref<80x128xf32, #tpu.memory_space<vmem>>, vector<1x16xf32>,
      %get3A_50 = vector.shape_cast %get3A_49 : vector<1x16xf32> to vector<16xf32>
      %get3A_51 = arith.index_cast %scan3A_34 : i32 to index
      %get3A_52 = arith.constant 16 : index
      %get3A_53 = tpu.vector_load %arg10[%get3A_51, %get3A_52] {strides = array<i32>} : memref<80x128xf32, #tpu.memory_space<vmem>>, vector<1x16xf32>,
      %get3A_54 = vector.shape_cast %get3A_53 : vector<1x16xf32> to vector<16xf32>
      %add3A_55 = arith.addf %get3A_50, %get3A_54 : vector<16xf32>
      %swap3A_56 = arith.index_cast %scan3A_34 : i32 to index
      %swap3A_57 = arith.constant 16 : index
      %swap3A_58 = tpu.vector_load %arg9[%swap3A_56, %swap3A_57] {strides = array<i32>} : memref<80x128xf32, #tpu.memory_space<vmem>>, vector<1x16xf32>,
      %swap3A_59 = vector.shape_cast %swap3A_58 : vector<1x16xf32> to vector<16xf32>
      %swap3A_60 = vector.shape_cast %add3A_55 : vector<16xf32> to vector<1x16xf32>
      tpu.vector_store %arg9[%swap3A_56, %swap3A_57], %swap3A_60 {strides = array<i32>} : memref<80x128xf32, #tpu.memory_space<vmem>>, vector<1x16xf32>,
      %get3A_61 = arith.index_cast %scan3A_34 : i32 to index
      %get3A_62 = arith.constant 32 : index
      %get3A_63 = tpu.vector_load %arg9[%get3A_61, %get3A_62] {strides = array<i32>} : memref<80x128xf32, #tpu.memory_space<vmem>>, vector<1x16xf32>,
      %get3A_64 = vector.shape_cast %get3A_63 : vector<1x16xf32> to vector<16xf32>
      %get3A_65 = arith.index_cast %scan3A_34 : i32 to index
      %get3A_66 = arith.constant 32 : index
      %get3A_67 = tpu.vector_load %arg10[%get3A_65, %get3A_66] {strides = array<i32>} : memref<80x128xf32, #tpu.memory_space<vmem>>, vector<1x16xf32>,
      %get3A_68 = vector.shape_cast %get3A_67 : vector<1x16xf32> to vector<16xf32>
      %add3A_69 = arith.addf %get3A_64, %get3A_68 : vector<16xf32>
      %swap3A_70 = arith.index_cast %scan3A_34 : i32 to index
      %swap3A_71 = arith.constant 32 : index
      %swap3A_72 = tpu.vector_load %arg9[%swap3A_70, %swap3A_71] {strides = array<i32>} : memref<80x128xf32, #tpu.memory_space<vmem>>, vector<1x16xf32>,
      %swap3A_73 = vector.shape_cast %swap3A_72 : vector<1x16xf32> to vector<16xf32>
      %swap3A_74 = vector.shape_cast %add3A_69 : vector<16xf32> to vector<1x16xf32>
      tpu.vector_store %arg9[%swap3A_70, %swap3A_71], %swap3A_74 {strides = array<i32>} : memref<80x128xf32, #tpu.memory_space<vmem>>, vector<1x16xf32>,
      %get3A_75 = arith.index_cast %scan3A_34 : i32 to index
      %get3A_76 = arith.constant 48 : index
      %get3A_77 = tpu.vector_load %arg9[%get3A_75, %get3A_76] {strides = array<i32>} : memref<80x128xf32, #tpu.memory_space<vmem>>, vector<1x16xf32>,
      %get3A_78 = vector.shape_cast %get3A_77 : vector<1x16xf32> to vector<16xf32>
      %get3A_79 = arith.index_cast %scan3A_34 : i32 to index
      %get3A_80 = arith.constant 48 : index
      %get3A_81 = tpu.vector_load %arg10[%get3A_79, %get3A_80] {strides = array<i32>} : memref<80x128xf32, #tpu.memory_space<vmem>>, vector<1x16xf32>,
      %get3A_82 = vector.shape_cast %get3A_81 : vector<1x16xf32> to vector<16xf32>
      %add3A_83 = arith.addf %get3A_78, %get3A_82 : vector<16xf32>
      %swap3A_84 = arith.index_cast %scan3A_34 : i32 to index
      %swap3A_85 = arith.constant 48 : index
      %swap3A_86 = tpu.vector_load %arg9[%swap3A_84, %swap3A_85] {strides = array<i32>} : memref<80x128xf32, #tpu.memory_space<vmem>>, vector<1x16xf32>,
      %swap3A_87 = vector.shape_cast %swap3A_86 : vector<1x16xf32> to vector<16xf32>
      %swap3A_88 = vector.shape_cast %add3A_83 : vector<16xf32> to vector<1x16xf32>
      tpu.vector_store %arg9[%swap3A_84, %swap3A_85], %swap3A_88 {strides = array<i32>} : memref<80x128xf32, #tpu.memory_space<vmem>>, vector<1x16xf32>,
      %get3A_89 = arith.index_cast %scan3A_34 : i32 to index
      %get3A_90 = arith.constant 64 : index
      %get3A_91 = tpu.vector_load %arg9[%get3A_89, %get3A_90] {strides = array<i32>} : memref<80x128xf32, #tpu.memory_space<vmem>>, vector<1x16xf32>,
      %get3A_92 = vector.shape_cast %get3A_91 : vector<1x16xf32> to vector<16xf32>
      %get3A_93 = arith.index_cast %scan3A_34 : i32 to index
      %get3A_94 = arith.constant 64 : index
      %get3A_95 = tpu.vector_load %arg10[%get3A_93, %get3A_94] {strides = array<i32>} : memref<80x128xf32, #tpu.memory_space<vmem>>, vector<1x16xf32>,
      %get3A_96 = vector.shape_cast %get3A_95 : vector<1x16xf32> to vector<16xf32>
      %add3A_97 = arith.addf %get3A_92, %get3A_96 : vector<16xf32>
      %swap3A_98 = arith.index_cast %scan3A_34 : i32 to index
      %swap3A_99 = arith.constant 64 : index
      %swap3A_100 = tpu.vector_load %arg9[%swap3A_98, %swap3A_99] {strides = array<i32>} : memref<80x128xf32, #tpu.memory_space<vmem>>, vector<1x16xf32>,
      %swap3A_101 = vector.shape_cast %swap3A_100 : vector<1x16xf32> to vector<16xf32>
      %swap3A_102 = vector.shape_cast %add3A_97 : vector<16xf32> to vector<1x16xf32>
      tpu.vector_store %arg9[%swap3A_98, %swap3A_99], %swap3A_102 {strides = array<i32>} : memref<80x128xf32, #tpu.memory_space<vmem>>, vector<1x16xf32>,
      %get3A_103 = arith.index_cast %scan3A_34 : i32 to index
      %get3A_104 = arith.constant 80 : index
      %get3A_105 = tpu.vector_load %arg9[%get3A_103, %get3A_104] {strides = array<i32>} : memref<80x128xf32, #tpu.memory_space<vmem>>, vector<1x16xf32>,
      %get3A_106 = vector.shape_cast %get3A_105 : vector<1x16xf32> to vector<16xf32>
      %get3A_107 = arith.index_cast %scan3A_34 : i32 to index
      %get3A_108 = arith.constant 80 : index
      %get3A_109 = tpu.vector_load %arg10[%get3A_107, %get3A_108] {strides = array<i32>} : memref<80x128xf32, #tpu.memory_space<vmem>>, vector<1x16xf32>,
      %get3A_110 = vector.shape_cast %get3A_109 : vector<1x16xf32> to vector<16xf32>
      %add3A_111 = arith.addf %get3A_106, %get3A_110 : vector<16xf32>
      %swap3A_112 = arith.index_cast %scan3A_34 : i32 to index
      %swap3A_113 = arith.constant 80 : index
      %swap3A_114 = tpu.vector_load %arg9[%swap3A_112, %swap3A_113] {strides = array<i32>} : memref<80x128xf32, #tpu.memory_space<vmem>>, vector<1x16xf32>,
      %swap3A_115 = vector.shape_cast %swap3A_114 : vector<1x16xf32> to vector<16xf32>
      %swap3A_116 = vector.shape_cast %add3A_111 : vector<16xf32> to vector<1x16xf32>
      tpu.vector_store %arg9[%swap3A_112, %swap3A_113], %swap3A_116 {strides = array<i32>} : memref<80x128xf32, #tpu.memory_space<vmem>>, vector<1x16xf32>,
      %get3A_117 = arith.index_cast %scan3A_34 : i32 to index
      %get3A_118 = arith.constant 96 : index
      %get3A_119 = tpu.vector_load %arg9[%get3A_117, %get3A_118] {strides = array<i32>} : memref<80x128xf32, #tpu.memory_space<vmem>>, vector<1x16xf32>,
      %get3A_120 = vector.shape_cast %get3A_119 : vector<1x16xf32> to vector<16xf32>
      %get3A_121 = arith.index_cast %scan3A_34 : i32 to index
      %get3A_122 = arith.constant 96 : index
      %get3A_123 = tpu.vector_load %arg10[%get3A_121, %get3A_122] {strides = array<i32>} : memref<80x128xf32, #tpu.memory_space<vmem>>, vector<1x16xf32>,
      %get3A_124 = vector.shape_cast %get3A_123 : vector<1x16xf32> to vector<16xf32>
      %add3A_125 = arith.addf %get3A_120, %get3A_124 : vector<16xf32>
      %swap3A_126 = arith.index_cast %scan3A_34 : i32 to index
      %swap3A_127 = arith.constant 96 : index
      %swap3A_128 = tpu.vector_load %arg9[%swap3A_126, %swap3A_127] {strides = array<i32>} : memref<80x128xf32, #tpu.memory_space<vmem>>, vector<1x16xf32>,
      %swap3A_129 = vector.shape_cast %swap3A_128 : vector<1x16xf32> to vector<16xf32>
      %swap3A_130 = vector.shape_cast %add3A_125 : vector<16xf32> to vector<1x16xf32>
      tpu.vector_store %arg9[%swap3A_126, %swap3A_127], %swap3A_130 {strides = array<i32>} : memref<80x128xf32, #tpu.memory_space<vmem>>, vector<1x16xf32>,
      %get3A_131 = arith.index_cast %scan3A_34 : i32 to index
      %get3A_132 = arith.constant 112 : index
      %get3A_133 = tpu.vector_load %arg9[%get3A_131, %get3A_132] {strides = array<i32>} : memref<80x128xf32, #tpu.memory_space<vmem>>, vector<1x16xf32>,
      %get3A_134 = vector.shape_cast %get3A_133 : vector<1x16xf32> to vector<16xf32>
      %get3A_135 = arith.index_cast %scan3A_34 : i32 to index
      %get3A_136 = arith.constant 112 : index
      %get3A_137 = tpu.vector_load %arg10[%get3A_135, %get3A_136] {strides = array<i32>} : memref<80x128xf32, #tpu.memory_space<vmem>>, vector<1x16xf32>,
      %get3A_138 = vector.shape_cast %get3A_137 : vector<1x16xf32> to vector<16xf32>
      %add3A_139 = arith.addf %get3A_134, %get3A_138 : vector<16xf32>
      %swap3A_140 = arith.index_cast %scan3A_34 : i32 to index
      %swap3A_141 = arith.constant 112 : index
      %swap3A_142 = tpu.vector_load %arg9[%swap3A_140, %swap3A_141] {strides = array<i32>} : memref<80x128xf32, #tpu.memory_space<vmem>>, vector<1x16xf32>,
      %swap3A_143 = vector.shape_cast %swap3A_142 : vector<1x16xf32> to vector<16xf32>
      %swap3A_144 = vector.shape_cast %add3A_139 : vector<16xf32> to vector<1x16xf32>
      tpu.vector_store %arg9[%swap3A_140, %swap3A_141], %swap3A_144 {strides = array<i32>} : memref<80x128xf32, #tpu.memory_space<vmem>>, vector<1x16xf32>,
    }
    %scan3A_31 = arith.constant 80 : i32
    %add3A_32 = arith.constant 9920 : i32
    %add3A_33 = arith.addi %mul3A_2, %add3A_32 : i32
    "tpu.region"() ({
      %run_scoped3A = tpu.sem_alloc : memref<!tpu.dma_semaphore, #tpu.memory_space<semaphore_mem>>
      %dma_start3A_34 = arith.constant 0 : i32
      %dma_start3A_35 = tpu.memref_slice %arg6[%add3A_33, %dma_start3A_34] : memref<320000x128xf32, #tpu.memory_space<hbm>> -> memref<80x128xf32, #tpu.memory_space<hbm>>
      %dma_start3A_36 = arith.constant 0 : i32
      %dma_start3A_37 = tpu.memref_slice %arg6[%add3A_33, %dma_start3A_36] : memref<320000x128xf32, #tpu.memory_space<hbm>> -> memref<80x128xf32, #tpu.memory_space<hbm>>
      tpu.enqueue_dma source(%arg9 : memref<80x128xf32, #tpu.memory_space<vmem>>) target(%dma_start3A_37 : memref<80x128xf32, #tpu.memory_space<hbm>>) target_semaphore(%run_scoped3A : memref<!tpu.dma_semaphore, #tpu.memory_space<semaphore_mem>>)
      %dma_wait3A_38 = arith.constant 0 : i32
      %dma_wait3A_39 = tpu.memref_slice %arg6[%add3A_33, %dma_wait3A_38] : memref<320000x128xf32, #tpu.memory_space<hbm>> -> memref<80x128xf32, #tpu.memory_space<hbm>>
      %dma_wait3A_40 = arith.constant 0 : i32
      %dma_wait3A_41 = tpu.memref_slice %arg6[%add3A_33, %dma_wait3A_40] : memref<320000x128xf32, #tpu.memory_space<hbm>> -> memref<80x128xf32, #tpu.memory_space<hbm>>
      tpu.wait_dma2 semaphore(%run_scoped3A : memref<!tpu.dma_semaphore, #tpu.memory_space<semaphore_mem>>) src(%arg9 : memref<80x128xf32, #tpu.memory_space<vmem>>) dst(%dma_wait3A_41 : memref<80x128xf32, #tpu.memory_space<hbm>>)
      tpu.yield
    }) : () -> ()
    return
  }
}

#map = affine_map<(d0, d1) -> (0, 0)>
#map1 = affine_map<(d0, d1) -> (0, 0, 0)>
module attributes {stable_mosaic.version = 14 : i64} {
  func.func @_scatter_body(%arg0: i32, %arg1: i32, %arg2: memref<320000x128xf32, #tpu.memory_space<hbm>>, %arg3: memref<400x10x80xi32, #tpu.memory_space<hbm>>, %arg4: memref<10240x128xf32, #tpu.memory_space<hbm>>, %arg5: memref<10x80xi32, #tpu.memory_space<vmem>>, %arg6: memref<160x128xf32, #tpu.memory_space<vmem>>, %arg7: memref<160x128xf32, #tpu.memory_space<vmem>>, %arg8: memref<16x128xf32, #tpu.memory_space<vmem>>, %arg9: memref<10240x128xf32, #tpu.memory_space<vmem_shared>>, %arg10: memref<!tpu.dma_semaphore, #tpu.memory_space<semaphore_mem>>, %arg11: memref<!tpu.dma_semaphore, #tpu.memory_space<semaphore_mem>>) attributes {dimension_semantics = [#tpu.dimension_semantics<core_parallel>, #tpu.dimension_semantics<subcore_parallel>], iteration_bounds = array<i64: 1, 16>, scalar_prefetch = 0 : i64, scratch_operands = 7 : i64, tpu.core_type = #tpu.core_type<sc_vector_subcore>, window_params = [{transform_indices = #map}, {transform_indices = #map1}, {transform_indices = #map}]} {
    %scan3A = arith.constant 0 : i32
    %scan3A_0 = arith.constant 0 : i32
    %scan3A_1 = arith.constant 16 : i32
    %scan3A_2 = arith.addi %scan3A_0, %scan3A_1 : i32
    %scan3A_3 = arith.constant 1 : i32
    scf.for %scan3A_24 = %scan3A_0 to %scan3A_2 step %scan3A_3  : i32 {
      %broadcast_in_dim3A = arith.constant 0.000000e+00 : f32
      %broadcast_in_dim3A_25 = vector.broadcast %broadcast_in_dim3A : f32 to vector<16xf32>
      %swap3A = arith.index_cast %scan3A_24 : i32 to index
      %swap3A_26 = arith.constant 0 : index
      %swap3A_27 = tpu.vector_load %arg8[%swap3A, %swap3A_26] {strides = array<i32>} : memref<16x128xf32, #tpu.memory_space<vmem>>, vector<1x16xf32>,
      %swap3A_28 = vector.shape_cast %swap3A_27 : vector<1x16xf32> to vector<16xf32>
      %swap3A_29 = vector.shape_cast %broadcast_in_dim3A_25 : vector<16xf32> to vector<1x16xf32>
      tpu.vector_store %arg8[%swap3A, %swap3A_26], %swap3A_29 {strides = array<i32>} : memref<16x128xf32, #tpu.memory_space<vmem>>, vector<1x16xf32>,
      %broadcast_in_dim3A_30 = arith.constant 0.000000e+00 : f32
      %broadcast_in_dim3A_31 = vector.broadcast %broadcast_in_dim3A_30 : f32 to vector<16xf32>
      %swap3A_32 = arith.index_cast %scan3A_24 : i32 to index
      %swap3A_33 = arith.constant 16 : index
      %swap3A_34 = tpu.vector_load %arg8[%swap3A_32, %swap3A_33] {strides = array<i32>} : memref<16x128xf32, #tpu.memory_space<vmem>>, vector<1x16xf32>,
      %swap3A_35 = vector.shape_cast %swap3A_34 : vector<1x16xf32> to vector<16xf32>
      %swap3A_36 = vector.shape_cast %broadcast_in_dim3A_31 : vector<16xf32> to vector<1x16xf32>
      tpu.vector_store %arg8[%swap3A_32, %swap3A_33], %swap3A_36 {strides = array<i32>} : memref<16x128xf32, #tpu.memory_space<vmem>>, vector<1x16xf32>,
      %broadcast_in_dim3A_37 = arith.constant 0.000000e+00 : f32
      %broadcast_in_dim3A_38 = vector.broadcast %broadcast_in_dim3A_37 : f32 to vector<16xf32>
      %swap3A_39 = arith.index_cast %scan3A_24 : i32 to index
      %swap3A_40 = arith.constant 32 : index
      %swap3A_41 = tpu.vector_load %arg8[%swap3A_39, %swap3A_40] {strides = array<i32>} : memref<16x128xf32, #tpu.memory_space<vmem>>, vector<1x16xf32>,
      %swap3A_42 = vector.shape_cast %swap3A_41 : vector<1x16xf32> to vector<16xf32>
      %swap3A_43 = vector.shape_cast %broadcast_in_dim3A_38 : vector<16xf32> to vector<1x16xf32>
      tpu.vector_store %arg8[%swap3A_39, %swap3A_40], %swap3A_43 {strides = array<i32>} : memref<16x128xf32, #tpu.memory_space<vmem>>, vector<1x16xf32>,
      %broadcast_in_dim3A_44 = arith.constant 0.000000e+00 : f32
      %broadcast_in_dim3A_45 = vector.broadcast %broadcast_in_dim3A_44 : f32 to vector<16xf32>
      %swap3A_46 = arith.index_cast %scan3A_24 : i32 to index
      %swap3A_47 = arith.constant 48 : index
      %swap3A_48 = tpu.vector_load %arg8[%swap3A_46, %swap3A_47] {strides = array<i32>} : memref<16x128xf32, #tpu.memory_space<vmem>>, vector<1x16xf32>,
      %swap3A_49 = vector.shape_cast %swap3A_48 : vector<1x16xf32> to vector<16xf32>
      %swap3A_50 = vector.shape_cast %broadcast_in_dim3A_45 : vector<16xf32> to vector<1x16xf32>
      tpu.vector_store %arg8[%swap3A_46, %swap3A_47], %swap3A_50 {strides = array<i32>} : memref<16x128xf32, #tpu.memory_space<vmem>>, vector<1x16xf32>,
      %broadcast_in_dim3A_51 = arith.constant 0.000000e+00 : f32
      %broadcast_in_dim3A_52 = vector.broadcast %broadcast_in_dim3A_51 : f32 to vector<16xf32>
      %swap3A_53 = arith.index_cast %scan3A_24 : i32 to index
      %swap3A_54 = arith.constant 64 : index
      %swap3A_55 = tpu.vector_load %arg8[%swap3A_53, %swap3A_54] {strides = array<i32>} : memref<16x128xf32, #tpu.memory_space<vmem>>, vector<1x16xf32>,
      %swap3A_56 = vector.shape_cast %swap3A_55 : vector<1x16xf32> to vector<16xf32>
      %swap3A_57 = vector.shape_cast %broadcast_in_dim3A_52 : vector<16xf32> to vector<1x16xf32>
      tpu.vector_store %arg8[%swap3A_53, %swap3A_54], %swap3A_57 {strides = array<i32>} : memref<16x128xf32, #tpu.memory_space<vmem>>, vector<1x16xf32>,
      %broadcast_in_dim3A_58 = arith.constant 0.000000e+00 : f32
      %broadcast_in_dim3A_59 = vector.broadcast %broadcast_in_dim3A_58 : f32 to vector<16xf32>
      %swap3A_60 = arith.index_cast %scan3A_24 : i32 to index
      %swap3A_61 = arith.constant 80 : index
      %swap3A_62 = tpu.vector_load %arg8[%swap3A_60, %swap3A_61] {strides = array<i32>} : memref<16x128xf32, #tpu.memory_space<vmem>>, vector<1x16xf32>,
      %swap3A_63 = vector.shape_cast %swap3A_62 : vector<1x16xf32> to vector<16xf32>
      %swap3A_64 = vector.shape_cast %broadcast_in_dim3A_59 : vector<16xf32> to vector<1x16xf32>
      tpu.vector_store %arg8[%swap3A_60, %swap3A_61], %swap3A_64 {strides = array<i32>} : memref<16x128xf32, #tpu.memory_space<vmem>>, vector<1x16xf32>,
      %broadcast_in_dim3A_65 = arith.constant 0.000000e+00 : f32
      %broadcast_in_dim3A_66 = vector.broadcast %broadcast_in_dim3A_65 : f32 to vector<16xf32>
      %swap3A_67 = arith.index_cast %scan3A_24 : i32 to index
      %swap3A_68 = arith.constant 96 : index
      %swap3A_69 = tpu.vector_load %arg8[%swap3A_67, %swap3A_68] {strides = array<i32>} : memref<16x128xf32, #tpu.memory_space<vmem>>, vector<1x16xf32>,
      %swap3A_70 = vector.shape_cast %swap3A_69 : vector<1x16xf32> to vector<16xf32>
      %swap3A_71 = vector.shape_cast %broadcast_in_dim3A_66 : vector<16xf32> to vector<1x16xf32>
      tpu.vector_store %arg8[%swap3A_67, %swap3A_68], %swap3A_71 {strides = array<i32>} : memref<16x128xf32, #tpu.memory_space<vmem>>, vector<1x16xf32>,
      %broadcast_in_dim3A_72 = arith.constant 0.000000e+00 : f32
      %broadcast_in_dim3A_73 = vector.broadcast %broadcast_in_dim3A_72 : f32 to vector<16xf32>
      %swap3A_74 = arith.index_cast %scan3A_24 : i32 to index
      %swap3A_75 = arith.constant 112 : index
      %swap3A_76 = tpu.vector_load %arg8[%swap3A_74, %swap3A_75] {strides = array<i32>} : memref<16x128xf32, #tpu.memory_space<vmem>>, vector<1x16xf32>,
      %swap3A_77 = vector.shape_cast %swap3A_76 : vector<1x16xf32> to vector<16xf32>
      %swap3A_78 = vector.shape_cast %broadcast_in_dim3A_73 : vector<16xf32> to vector<1x16xf32>
      tpu.vector_store %arg8[%swap3A_74, %swap3A_75], %swap3A_78 {strides = array<i32>} : memref<16x128xf32, #tpu.memory_space<vmem>>, vector<1x16xf32>,
    }
    %scan3A_4 = arith.constant 16 : i32
    %scan3A_5 = arith.constant 0 : i32
    %scan3A_6 = arith.constant 0 : i32
    %scan3A_7 = arith.constant 40 : i32
    %scan3A_8 = arith.addi %scan3A_6, %scan3A_7 : i32
    %scan3A_9 = arith.constant 1 : i32
    scf.for %scan3A_24 = %scan3A_6 to %scan3A_8 step %scan3A_9  : i32 {
      %mul3A = arith.constant 640 : i32
      %mul3A_25 = arith.muli %arg1, %mul3A : i32
      %mul3A_26 = arith.constant 16 : i32
      %mul3A_27 = arith.muli %scan3A_24, %mul3A_26 : i32
      %add3A = arith.addi %mul3A_25, %mul3A_27 : i32
      "tpu.region"() ({
        %run_scoped3A = tpu.sem_alloc : memref<!tpu.dma_semaphore, #tpu.memory_space<semaphore_mem>>
        %dma_start3A = arith.constant 0 : i32
        %dma_start3A_28 = tpu.memref_slice %arg9[%add3A, %dma_start3A] : memref<10240x128xf32, #tpu.memory_space<vmem_shared>> -> memref<16x128xf32, #tpu.memory_space<vmem_shared>>
        %dma_start3A_29 = arith.constant 0 : i32
        %dma_start3A_30 = tpu.memref_slice %arg9[%add3A, %dma_start3A_29] : memref<10240x128xf32, #tpu.memory_space<vmem_shared>> -> memref<16x128xf32, #tpu.memory_space<vmem_shared>>
        tpu.enqueue_dma source(%arg8 : memref<16x128xf32, #tpu.memory_space<vmem>>) target(%dma_start3A_30 : memref<16x128xf32, #tpu.memory_space<vmem_shared>>) target_semaphore(%run_scoped3A : memref<!tpu.dma_semaphore, #tpu.memory_space<semaphore_mem>>)
        %dma_wait3A = arith.constant 0 : i32
        %dma_wait3A_31 = tpu.memref_slice %arg9[%add3A, %dma_wait3A] : memref<10240x128xf32, #tpu.memory_space<vmem_shared>> -> memref<16x128xf32, #tpu.memory_space<vmem_shared>>
        %dma_wait3A_32 = arith.constant 0 : i32
        %dma_wait3A_33 = tpu.memref_slice %arg9[%add3A, %dma_wait3A_32] : memref<10240x128xf32, #tpu.memory_space<vmem_shared>> -> memref<16x128xf32, #tpu.memory_space<vmem_shared>>
        tpu.wait_dma2 semaphore(%run_scoped3A : memref<!tpu.dma_semaphore, #tpu.memory_space<semaphore_mem>>) src(%arg8 : memref<16x128xf32, #tpu.memory_space<vmem>>) dst(%dma_wait3A_33 : memref<16x128xf32, #tpu.memory_space<vmem_shared>>)
        tpu.yield
      }) : () -> ()
    }
    %scan3A_10 = arith.constant 40 : i32
    %barrier3A = arith.constant 0 : index
    tpu.barrier barrier_id(%barrier3A)
    %scan3A_11 = arith.constant 0 : i32
    %scan3A_12 = arith.constant 0 : i32
    %scan3A_13 = arith.constant 25 : i32
    %scan3A_14 = arith.addi %scan3A_12, %scan3A_13 : i32
    %scan3A_15 = arith.constant 1 : i32
    scf.for %scan3A_24 = %scan3A_12 to %scan3A_14 step %scan3A_15  : i32 {
      %mul3A = arith.constant 20000 : i32
      %mul3A_25 = arith.muli %arg1, %mul3A : i32
      %mul3A_26 = arith.constant 10 : i32
      %mul3A_27 = arith.muli %scan3A_24, %mul3A_26 : i32
      %mul3A_28 = arith.constant 80 : i32
      %mul3A_29 = arith.muli %mul3A_27, %mul3A_28 : i32
      %add3A = arith.addi %mul3A_25, %mul3A_29 : i32
      %mul3A_30 = arith.constant 25 : i32
      %mul3A_31 = arith.muli %arg1, %mul3A_30 : i32
      %add3A_32 = arith.addi %mul3A_31, %scan3A_24 : i32
      "tpu.region"() ({
        %run_scoped3A_98 = tpu.sem_alloc : memref<!tpu.dma_semaphore, #tpu.memory_space<semaphore_mem>>
        %dma_start3A_99 = arith.constant 0 : i32
        %dma_start3A_100 = arith.constant 0 : i32
        %dma_start3A_101 = tpu.memref_slice %arg3[%add3A_32, %dma_start3A_99, %dma_start3A_100] : memref<400x10x80xi32, #tpu.memory_space<hbm>> -> memref<1x10x80xi32, #tpu.memory_space<hbm>>
        %dma_start3A_102 = tpu.memref_squeeze %dma_start3A_101 : memref<1x10x80xi32, #tpu.memory_space<hbm>> -> memref<10x80xi32, #tpu.memory_space<hbm>>
        %dma_start3A_103 = arith.constant 0 : i32
        %dma_start3A_104 = arith.constant 0 : i32
        %dma_start3A_105 = tpu.memref_slice %arg3[%add3A_32, %dma_start3A_103, %dma_start3A_104] : memref<400x10x80xi32, #tpu.memory_space<hbm>> -> memref<1x10x80xi32, #tpu.memory_space<hbm>>
        %dma_start3A_106 = tpu.memref_squeeze %dma_start3A_105 : memref<1x10x80xi32, #tpu.memory_space<hbm>> -> memref<10x80xi32, #tpu.memory_space<hbm>>
        tpu.enqueue_dma source(%dma_start3A_106 : memref<10x80xi32, #tpu.memory_space<hbm>>) target(%arg5 : memref<10x80xi32, #tpu.memory_space<vmem>>) target_semaphore(%run_scoped3A_98 : memref<!tpu.dma_semaphore, #tpu.memory_space<semaphore_mem>>)
        %dma_wait3A_107 = arith.constant 0 : i32
        %dma_wait3A_108 = arith.constant 0 : i32
        %dma_wait3A_109 = tpu.memref_slice %arg3[%add3A_32, %dma_wait3A_107, %dma_wait3A_108] : memref<400x10x80xi32, #tpu.memory_space<hbm>> -> memref<1x10x80xi32, #tpu.memory_space<hbm>>
        %dma_wait3A_110 = tpu.memref_squeeze %dma_wait3A_109 : memref<1x10x80xi32, #tpu.memory_space<hbm>> -> memref<10x80xi32, #tpu.memory_space<hbm>>
        %dma_wait3A_111 = arith.constant 0 : i32
        %dma_wait3A_112 = arith.constant 0 : i32
        %dma_wait3A_113 = tpu.memref_slice %arg3[%add3A_32, %dma_wait3A_111, %dma_wait3A_112] : memref<400x10x80xi32, #tpu.memory_space<hbm>> -> memref<1x10x80xi32, #tpu.memory_space<hbm>>
        %dma_wait3A_114 = tpu.memref_squeeze %dma_wait3A_113 : memref<1x10x80xi32, #tpu.memory_space<hbm>> -> memref<10x80xi32, #tpu.memory_space<hbm>>
        tpu.wait_dma2 semaphore(%run_scoped3A_98 : memref<!tpu.dma_semaphore, #tpu.memory_space<semaphore_mem>>) src(%dma_wait3A_114 : memref<10x80xi32, #tpu.memory_space<hbm>>) dst(%arg5 : memref<10x80xi32, #tpu.memory_space<vmem>>)
        tpu.yield
      }) : () -> ()
      %dma_start3A = arith.constant 0 : i32
      %dma_start3A_33 = tpu.memref_slice %arg2[%add3A, %dma_start3A] : memref<320000x128xf32, #tpu.memory_space<hbm>> -> memref<160x128xf32, #tpu.memory_space<hbm>>
      %dma_start3A_34 = arith.constant 0 : i32
      %dma_start3A_35 = tpu.memref_slice %arg2[%add3A, %dma_start3A_34] : memref<320000x128xf32, #tpu.memory_space<hbm>> -> memref<160x128xf32, #tpu.memory_space<hbm>>
      tpu.enqueue_dma source(%dma_start3A_35 : memref<160x128xf32, #tpu.memory_space<hbm>>) target(%arg6 : memref<160x128xf32, #tpu.memory_space<vmem>>) target_semaphore(%arg10 : memref<!tpu.dma_semaphore, #tpu.memory_space<semaphore_mem>>)
      %add3A_36 = arith.constant 0 : i32
      %add3A_37 = arith.addi %add3A, %add3A_36 : i32
      %dma_wait3A = arith.constant 0 : i32
      %dma_wait3A_38 = tpu.memref_slice %arg2[%add3A_37, %dma_wait3A] : memref<320000x128xf32, #tpu.memory_space<hbm>> -> memref<160x128xf32, #tpu.memory_space<hbm>>
      %dma_wait3A_39 = arith.constant 0 : i32
      %dma_wait3A_40 = tpu.memref_slice %arg2[%add3A_37, %dma_wait3A_39] : memref<320000x128xf32, #tpu.memory_space<hbm>> -> memref<160x128xf32, #tpu.memory_space<hbm>>
      tpu.wait_dma2 semaphore(%arg10 : memref<!tpu.dma_semaphore, #tpu.memory_space<semaphore_mem>>) src(%dma_wait3A_40 : memref<160x128xf32, #tpu.memory_space<hbm>>) dst(%arg6 : memref<160x128xf32, #tpu.memory_space<vmem>>)
      %add3A_41 = arith.constant 160 : i32
      %add3A_42 = arith.addi %add3A_37, %add3A_41 : i32
      %dma_start3A_43 = arith.constant 0 : i32
      %dma_start3A_44 = tpu.memref_slice %arg2[%add3A_42, %dma_start3A_43] : memref<320000x128xf32, #tpu.memory_space<hbm>> -> memref<160x128xf32, #tpu.memory_space<hbm>>
      %dma_start3A_45 = arith.constant 0 : i32
      %dma_start3A_46 = tpu.memref_slice %arg2[%add3A_42, %dma_start3A_45] : memref<320000x128xf32, #tpu.memory_space<hbm>> -> memref<160x128xf32, #tpu.memory_space<hbm>>
      tpu.enqueue_dma source(%dma_start3A_46 : memref<160x128xf32, #tpu.memory_space<hbm>>) target(%arg7 : memref<160x128xf32, #tpu.memory_space<vmem>>) target_semaphore(%arg11 : memref<!tpu.dma_semaphore, #tpu.memory_space<semaphore_mem>>)
      %run_scoped3A = arith.constant 0 : i32
      "tpu.region"() ({
        %run_scoped3A_98 = tpu.sem_alloc : memref<!tpu.dma_semaphore, #tpu.memory_space<semaphore_mem>>
        %dma_start3A_99 = arith.constant 0 : i32
        %dma_start3A_100 = arith.constant 0 : i32
        %dma_start3A_101 = tpu.memref_slice %arg6[%dma_start3A_99, %dma_start3A_100] : memref<160x128xf32, #tpu.memory_space<vmem>> -> memref<80x128xf32, #tpu.memory_space<vmem>>
        %dma_start3A_102 = arith.constant 0 : i32
        %dma_start3A_103 = tpu.memref_slice %arg5[%run_scoped3A, %dma_start3A_102] : memref<10x80xi32, #tpu.memory_space<vmem>> -> memref<1x80xi32, #tpu.memory_space<vmem>>
        %dma_start3A_104 = tpu.memref_squeeze %dma_start3A_103 : memref<1x80xi32, #tpu.memory_space<vmem>> -> memref<80xi32, #tpu.memory_space<vmem>>
        %dma_start3A_105 = arith.constant 0 : i32
        %dma_start3A_106 = arith.constant 0 : i32
        %dma_start3A_107 = tpu.memref_slice %arg9[%dma_start3A_105, %dma_start3A_106] : memref<10240x128xf32, #tpu.memory_space<vmem_shared>> -> memref<10240x128xf32, #tpu.memory_space<vmem_shared>>
        tpu.enqueue_indirect_dma source(%dma_start3A_101 : memref<80x128xf32, #tpu.memory_space<vmem>>) target(%dma_start3A_107 : memref<10240x128xf32, #tpu.memory_space<vmem_shared>>) offsets(%dma_start3A_104 : memref<80xi32, #tpu.memory_space<vmem>>) semaphore(%run_scoped3A_98 : memref<!tpu.dma_semaphore, #tpu.memory_space<semaphore_mem>>) {add = true}
        %dma_wait3A_108 = arith.constant 0 : i32
        %dma_wait3A_109 = arith.constant 0 : i32
        %dma_wait3A_110 = tpu.memref_slice %arg6[%dma_wait3A_108, %dma_wait3A_109] : memref<160x128xf32, #tpu.memory_space<vmem>> -> memref<80x128xf32, #tpu.memory_space<vmem>>
        %dma_wait3A_111 = arith.constant 0 : i32
        %dma_wait3A_112 = tpu.memref_slice %arg5[%run_scoped3A, %dma_wait3A_111] : memref<10x80xi32, #tpu.memory_space<vmem>> -> memref<1x80xi32, #tpu.memory_space<vmem>>
        %dma_wait3A_113 = tpu.memref_squeeze %dma_wait3A_112 : memref<1x80xi32, #tpu.memory_space<vmem>> -> memref<80xi32, #tpu.memory_space<vmem>>
        %dma_wait3A_114 = arith.constant 0 : i32
        %dma_wait3A_115 = arith.constant 0 : i32
        %dma_wait3A_116 = tpu.memref_slice %arg9[%dma_wait3A_114, %dma_wait3A_115] : memref<10240x128xf32, #tpu.memory_space<vmem_shared>> -> memref<10240x128xf32, #tpu.memory_space<vmem_shared>>
        tpu.wait_indirect_dma semaphore(%run_scoped3A_98 : memref<!tpu.dma_semaphore, #tpu.memory_space<semaphore_mem>>) src(%dma_wait3A_110 : memref<80x128xf32, #tpu.memory_space<vmem>>) dst(%dma_wait3A_116 : memref<10240x128xf32, #tpu.memory_space<vmem_shared>>)
        tpu.yield
      }) : () -> ()
      %run_scoped3A_47 = arith.constant 1 : i32
      "tpu.region"() ({
        %run_scoped3A_98 = tpu.sem_alloc : memref<!tpu.dma_semaphore, #tpu.memory_space<semaphore_mem>>
        %dma_start3A_99 = arith.constant 80 : i32
        %dma_start3A_100 = arith.constant 0 : i32
        %dma_start3A_101 = tpu.memref_slice %arg6[%dma_start3A_99, %dma_start3A_100] : memref<160x128xf32, #tpu.memory_space<vmem>> -> memref<80x128xf32, #tpu.memory_space<vmem>>
        %dma_start3A_102 = arith.constant 0 : i32
        %dma_start3A_103 = tpu.memref_slice %arg5[%run_scoped3A_47, %dma_start3A_102] : memref<10x80xi32, #tpu.memory_space<vmem>> -> memref<1x80xi32, #tpu.memory_space<vmem>>
        %dma_start3A_104 = tpu.memref_squeeze %dma_start3A_103 : memref<1x80xi32, #tpu.memory_space<vmem>> -> memref<80xi32, #tpu.memory_space<vmem>>
        %dma_start3A_105 = arith.constant 0 : i32
        %dma_start3A_106 = arith.constant 0 : i32
        %dma_start3A_107 = tpu.memref_slice %arg9[%dma_start3A_105, %dma_start3A_106] : memref<10240x128xf32, #tpu.memory_space<vmem_shared>> -> memref<10240x128xf32, #tpu.memory_space<vmem_shared>>
        tpu.enqueue_indirect_dma source(%dma_start3A_101 : memref<80x128xf32, #tpu.memory_space<vmem>>) target(%dma_start3A_107 : memref<10240x128xf32, #tpu.memory_space<vmem_shared>>) offsets(%dma_start3A_104 : memref<80xi32, #tpu.memory_space<vmem>>) semaphore(%run_scoped3A_98 : memref<!tpu.dma_semaphore, #tpu.memory_space<semaphore_mem>>) {add = true}
        %dma_wait3A_108 = arith.constant 80 : i32
        %dma_wait3A_109 = arith.constant 0 : i32
        %dma_wait3A_110 = tpu.memref_slice %arg6[%dma_wait3A_108, %dma_wait3A_109] : memref<160x128xf32, #tpu.memory_space<vmem>> -> memref<80x128xf32, #tpu.memory_space<vmem>>
        %dma_wait3A_111 = arith.constant 0 : i32
        %dma_wait3A_112 = tpu.memref_slice %arg5[%run_scoped3A_47, %dma_wait3A_111] : memref<10x80xi32, #tpu.memory_space<vmem>> -> memref<1x80xi32, #tpu.memory_space<vmem>>
        %dma_wait3A_113 = tpu.memref_squeeze %dma_wait3A_112 : memref<1x80xi32, #tpu.memory_space<vmem>> -> memref<80xi32, #tpu.memory_space<vmem>>
        %dma_wait3A_114 = arith.constant 0 : i32
        %dma_wait3A_115 = arith.constant 0 : i32
        %dma_wait3A_116 = tpu.memref_slice %arg9[%dma_wait3A_114, %dma_wait3A_115] : memref<10240x128xf32, #tpu.memory_space<vmem_shared>> -> memref<10240x128xf32, #tpu.memory_space<vmem_shared>>
        tpu.wait_indirect_dma semaphore(%run_scoped3A_98 : memref<!tpu.dma_semaphore, #tpu.memory_space<semaphore_mem>>) src(%dma_wait3A_110 : memref<80x128xf32, #tpu.memory_space<vmem>>) dst(%dma_wait3A_116 : memref<10240x128xf32, #tpu.memory_space<vmem_shared>>)
        tpu.yield
      }) : () -> ()
      %add3A_48 = arith.constant 160 : i32
      %add3A_49 = arith.addi %add3A, %add3A_48 : i32
      %dma_wait3A_50 = arith.constant 0 : i32
      %dma_wait3A_51 = tpu.memref_slice %arg2[%add3A_49, %dma_wait3A_50] : memref<320000x128xf32, #tpu.memory_space<hbm>> -> memref<160x128xf32, #tpu.memory_space<hbm>>
      %dma_wait3A_52 = arith.constant 0 : i32
      %dma_wait3A_53 = tpu.memref_slice %arg2[%add3A_49, %dma_wait3A_52] : memref<320000x128xf32, #tpu.memory_space<hbm>> -> memref<160x128xf32, #tpu.memory_space<hbm>>
      tpu.wait_dma2 semaphore(%arg11 : memref<!tpu.dma_semaphore, #tpu.memory_space<semaphore_mem>>) src(%dma_wait3A_53 : memref<160x128xf32, #tpu.memory_space<hbm>>) dst(%arg7 : memref<160x128xf32, #tpu.memory_space<vmem>>)
      %add3A_54 = arith.constant 160 : i32
      %add3A_55 = arith.addi %add3A_49, %add3A_54 : i32
      %dma_start3A_56 = arith.constant 0 : i32
      %dma_start3A_57 = tpu.memref_slice %arg2[%add3A_55, %dma_start3A_56] : memref<320000x128xf32, #tpu.memory_space<hbm>> -> memref<160x128xf32, #tpu.memory_space<hbm>>
      %dma_start3A_58 = arith.constant 0 : i32
      %dma_start3A_59 = tpu.memref_slice %arg2[%add3A_55, %dma_start3A_58] : memref<320000x128xf32, #tpu.memory_space<hbm>> -> memref<160x128xf32, #tpu.memory_space<hbm>>
      tpu.enqueue_dma source(%dma_start3A_59 : memref<160x128xf32, #tpu.memory_space<hbm>>) target(%arg6 : memref<160x128xf32, #tpu.memory_space<vmem>>) target_semaphore(%arg10 : memref<!tpu.dma_semaphore, #tpu.memory_space<semaphore_mem>>)
      %run_scoped3A_60 = arith.constant 2 : i32
      "tpu.region"() ({
        %run_scoped3A_98 = tpu.sem_alloc : memref<!tpu.dma_semaphore, #tpu.memory_space<semaphore_mem>>
        %dma_start3A_99 = arith.constant 0 : i32
        %dma_start3A_100 = arith.constant 0 : i32
        %dma_start3A_101 = tpu.memref_slice %arg7[%dma_start3A_99, %dma_start3A_100] : memref<160x128xf32, #tpu.memory_space<vmem>> -> memref<80x128xf32, #tpu.memory_space<vmem>>
        %dma_start3A_102 = arith.constant 0 : i32
        %dma_start3A_103 = tpu.memref_slice %arg5[%run_scoped3A_60, %dma_start3A_102] : memref<10x80xi32, #tpu.memory_space<vmem>> -> memref<1x80xi32, #tpu.memory_space<vmem>>
        %dma_start3A_104 = tpu.memref_squeeze %dma_start3A_103 : memref<1x80xi32, #tpu.memory_space<vmem>> -> memref<80xi32, #tpu.memory_space<vmem>>
        %dma_start3A_105 = arith.constant 0 : i32
        %dma_start3A_106 = arith.constant 0 : i32
        %dma_start3A_107 = tpu.memref_slice %arg9[%dma_start3A_105, %dma_start3A_106] : memref<10240x128xf32, #tpu.memory_space<vmem_shared>> -> memref<10240x128xf32, #tpu.memory_space<vmem_shared>>
        tpu.enqueue_indirect_dma source(%dma_start3A_101 : memref<80x128xf32, #tpu.memory_space<vmem>>) target(%dma_start3A_107 : memref<10240x128xf32, #tpu.memory_space<vmem_shared>>) offsets(%dma_start3A_104 : memref<80xi32, #tpu.memory_space<vmem>>) semaphore(%run_scoped3A_98 : memref<!tpu.dma_semaphore, #tpu.memory_space<semaphore_mem>>) {add = true}
        %dma_wait3A_108 = arith.constant 0 : i32
        %dma_wait3A_109 = arith.constant 0 : i32
        %dma_wait3A_110 = tpu.memref_slice %arg7[%dma_wait3A_108, %dma_wait3A_109] : memref<160x128xf32, #tpu.memory_space<vmem>> -> memref<80x128xf32, #tpu.memory_space<vmem>>
        %dma_wait3A_111 = arith.constant 0 : i32
        %dma_wait3A_112 = tpu.memref_slice %arg5[%run_scoped3A_60, %dma_wait3A_111] : memref<10x80xi32, #tpu.memory_space<vmem>> -> memref<1x80xi32, #tpu.memory_space<vmem>>
        %dma_wait3A_113 = tpu.memref_squeeze %dma_wait3A_112 : memref<1x80xi32, #tpu.memory_space<vmem>> -> memref<80xi32, #tpu.memory_space<vmem>>
        %dma_wait3A_114 = arith.constant 0 : i32
        %dma_wait3A_115 = arith.constant 0 : i32
        %dma_wait3A_116 = tpu.memref_slice %arg9[%dma_wait3A_114, %dma_wait3A_115] : memref<10240x128xf32, #tpu.memory_space<vmem_shared>> -> memref<10240x128xf32, #tpu.memory_space<vmem_shared>>
        tpu.wait_indirect_dma semaphore(%run_scoped3A_98 : memref<!tpu.dma_semaphore, #tpu.memory_space<semaphore_mem>>) src(%dma_wait3A_110 : memref<80x128xf32, #tpu.memory_space<vmem>>) dst(%dma_wait3A_116 : memref<10240x128xf32, #tpu.memory_space<vmem_shared>>)
        tpu.yield
      }) : () -> ()
      %run_scoped3A_61 = arith.constant 3 : i32
      "tpu.region"() ({
        %run_scoped3A_98 = tpu.sem_alloc : memref<!tpu.dma_semaphore, #tpu.memory_space<semaphore_mem>>
        %dma_start3A_99 = arith.constant 80 : i32
        %dma_start3A_100 = arith.constant 0 : i32
        %dma_start3A_101 = tpu.memref_slice %arg7[%dma_start3A_99, %dma_start3A_100] : memref<160x128xf32, #tpu.memory_space<vmem>> -> memref<80x128xf32, #tpu.memory_space<vmem>>
        %dma_start3A_102 = arith.constant 0 : i32
        %dma_start3A_103 = tpu.memref_slice %arg5[%run_scoped3A_61, %dma_start3A_102] : memref<10x80xi32, #tpu.memory_space<vmem>> -> memref<1x80xi32, #tpu.memory_space<vmem>>
        %dma_start3A_104 = tpu.memref_squeeze %dma_start3A_103 : memref<1x80xi32, #tpu.memory_space<vmem>> -> memref<80xi32, #tpu.memory_space<vmem>>
        %dma_start3A_105 = arith.constant 0 : i32
        %dma_start3A_106 = arith.constant 0 : i32
        %dma_start3A_107 = tpu.memref_slice %arg9[%dma_start3A_105, %dma_start3A_106] : memref<10240x128xf32, #tpu.memory_space<vmem_shared>> -> memref<10240x128xf32, #tpu.memory_space<vmem_shared>>
        tpu.enqueue_indirect_dma source(%dma_start3A_101 : memref<80x128xf32, #tpu.memory_space<vmem>>) target(%dma_start3A_107 : memref<10240x128xf32, #tpu.memory_space<vmem_shared>>) offsets(%dma_start3A_104 : memref<80xi32, #tpu.memory_space<vmem>>) semaphore(%run_scoped3A_98 : memref<!tpu.dma_semaphore, #tpu.memory_space<semaphore_mem>>) {add = true}
        %dma_wait3A_108 = arith.constant 80 : i32
        %dma_wait3A_109 = arith.constant 0 : i32
        %dma_wait3A_110 = tpu.memref_slice %arg7[%dma_wait3A_108, %dma_wait3A_109] : memref<160x128xf32, #tpu.memory_space<vmem>> -> memref<80x128xf32, #tpu.memory_space<vmem>>
        %dma_wait3A_111 = arith.constant 0 : i32
        %dma_wait3A_112 = tpu.memref_slice %arg5[%run_scoped3A_61, %dma_wait3A_111] : memref<10x80xi32, #tpu.memory_space<vmem>> -> memref<1x80xi32, #tpu.memory_space<vmem>>
        %dma_wait3A_113 = tpu.memref_squeeze %dma_wait3A_112 : memref<1x80xi32, #tpu.memory_space<vmem>> -> memref<80xi32, #tpu.memory_space<vmem>>
        %dma_wait3A_114 = arith.constant 0 : i32
        %dma_wait3A_115 = arith.constant 0 : i32
        %dma_wait3A_116 = tpu.memref_slice %arg9[%dma_wait3A_114, %dma_wait3A_115] : memref<10240x128xf32, #tpu.memory_space<vmem_shared>> -> memref<10240x128xf32, #tpu.memory_space<vmem_shared>>
        tpu.wait_indirect_dma semaphore(%run_scoped3A_98 : memref<!tpu.dma_semaphore, #tpu.memory_space<semaphore_mem>>) src(%dma_wait3A_110 : memref<80x128xf32, #tpu.memory_space<vmem>>) dst(%dma_wait3A_116 : memref<10240x128xf32, #tpu.memory_space<vmem_shared>>)
        tpu.yield
      }) : () -> ()
      %add3A_62 = arith.constant 320 : i32
      %add3A_63 = arith.addi %add3A, %add3A_62 : i32
      %dma_wait3A_64 = arith.constant 0 : i32
      %dma_wait3A_65 = tpu.memref_slice %arg2[%add3A_63, %dma_wait3A_64] : memref<320000x128xf32, #tpu.memory_space<hbm>> -> memref<160x128xf32, #tpu.memory_space<hbm>>
      %dma_wait3A_66 = arith.constant 0 : i32
      %dma_wait3A_67 = tpu.memref_slice %arg2[%add3A_63, %dma_wait3A_66] : memref<320000x128xf32, #tpu.memory_space<hbm>> -> memref<160x128xf32, #tpu.memory_space<hbm>>
      tpu.wait_dma2 semaphore(%arg10 : memref<!tpu.dma_semaphore, #tpu.memory_space<semaphore_mem>>) src(%dma_wait3A_67 : memref<160x128xf32, #tpu.memory_space<hbm>>) dst(%arg6 : memref<160x128xf32, #tpu.memory_space<vmem>>)
      %add3A_68 = arith.constant 160 : i32
      %add3A_69 = arith.addi %add3A_63, %add3A_68 : i32
      %dma_start3A_70 = arith.constant 0 : i32
      %dma_start3A_71 = tpu.memref_slice %arg2[%add3A_69, %dma_start3A_70] : memref<320000x128xf32, #tpu.memory_space<hbm>> -> memref<160x128xf32, #tpu.memory_space<hbm>>
      %dma_start3A_72 = arith.constant 0 : i32
      %dma_start3A_73 = tpu.memref_slice %arg2[%add3A_69, %dma_start3A_72] : memref<320000x128xf32, #tpu.memory_space<hbm>> -> memref<160x128xf32, #tpu.memory_space<hbm>>
      tpu.enqueue_dma source(%dma_start3A_73 : memref<160x128xf32, #tpu.memory_space<hbm>>) target(%arg7 : memref<160x128xf32, #tpu.memory_space<vmem>>) target_semaphore(%arg11 : memref<!tpu.dma_semaphore, #tpu.memory_space<semaphore_mem>>)
      %run_scoped3A_74 = arith.constant 4 : i32
      "tpu.region"() ({
        %run_scoped3A_98 = tpu.sem_alloc : memref<!tpu.dma_semaphore, #tpu.memory_space<semaphore_mem>>
        %dma_start3A_99 = arith.constant 0 : i32
        %dma_start3A_100 = arith.constant 0 : i32
        %dma_start3A_101 = tpu.memref_slice %arg6[%dma_start3A_99, %dma_start3A_100] : memref<160x128xf32, #tpu.memory_space<vmem>> -> memref<80x128xf32, #tpu.memory_space<vmem>>
        %dma_start3A_102 = arith.constant 0 : i32
        %dma_start3A_103 = tpu.memref_slice %arg5[%run_scoped3A_74, %dma_start3A_102] : memref<10x80xi32, #tpu.memory_space<vmem>> -> memref<1x80xi32, #tpu.memory_space<vmem>>
        %dma_start3A_104 = tpu.memref_squeeze %dma_start3A_103 : memref<1x80xi32, #tpu.memory_space<vmem>> -> memref<80xi32, #tpu.memory_space<vmem>>
        %dma_start3A_105 = arith.constant 0 : i32
        %dma_start3A_106 = arith.constant 0 : i32
        %dma_start3A_107 = tpu.memref_slice %arg9[%dma_start3A_105, %dma_start3A_106] : memref<10240x128xf32, #tpu.memory_space<vmem_shared>> -> memref<10240x128xf32, #tpu.memory_space<vmem_shared>>
        tpu.enqueue_indirect_dma source(%dma_start3A_101 : memref<80x128xf32, #tpu.memory_space<vmem>>) target(%dma_start3A_107 : memref<10240x128xf32, #tpu.memory_space<vmem_shared>>) offsets(%dma_start3A_104 : memref<80xi32, #tpu.memory_space<vmem>>) semaphore(%run_scoped3A_98 : memref<!tpu.dma_semaphore, #tpu.memory_space<semaphore_mem>>) {add = true}
        %dma_wait3A_108 = arith.constant 0 : i32
        %dma_wait3A_109 = arith.constant 0 : i32
        %dma_wait3A_110 = tpu.memref_slice %arg6[%dma_wait3A_108, %dma_wait3A_109] : memref<160x128xf32, #tpu.memory_space<vmem>> -> memref<80x128xf32, #tpu.memory_space<vmem>>
        %dma_wait3A_111 = arith.constant 0 : i32
        %dma_wait3A_112 = tpu.memref_slice %arg5[%run_scoped3A_74, %dma_wait3A_111] : memref<10x80xi32, #tpu.memory_space<vmem>> -> memref<1x80xi32, #tpu.memory_space<vmem>>
        %dma_wait3A_113 = tpu.memref_squeeze %dma_wait3A_112 : memref<1x80xi32, #tpu.memory_space<vmem>> -> memref<80xi32, #tpu.memory_space<vmem>>
        %dma_wait3A_114 = arith.constant 0 : i32
        %dma_wait3A_115 = arith.constant 0 : i32
        %dma_wait3A_116 = tpu.memref_slice %arg9[%dma_wait3A_114, %dma_wait3A_115] : memref<10240x128xf32, #tpu.memory_space<vmem_shared>> -> memref<10240x128xf32, #tpu.memory_space<vmem_shared>>
        tpu.wait_indirect_dma semaphore(%run_scoped3A_98 : memref<!tpu.dma_semaphore, #tpu.memory_space<semaphore_mem>>) src(%dma_wait3A_110 : memref<80x128xf32, #tpu.memory_space<vmem>>) dst(%dma_wait3A_116 : memref<10240x128xf32, #tpu.memory_space<vmem_shared>>)
        tpu.yield
      }) : () -> ()
      %run_scoped3A_75 = arith.constant 5 : i32
      "tpu.region"() ({
        %run_scoped3A_98 = tpu.sem_alloc : memref<!tpu.dma_semaphore, #tpu.memory_space<semaphore_mem>>
        %dma_start3A_99 = arith.constant 80 : i32
        %dma_start3A_100 = arith.constant 0 : i32
        %dma_start3A_101 = tpu.memref_slice %arg6[%dma_start3A_99, %dma_start3A_100] : memref<160x128xf32, #tpu.memory_space<vmem>> -> memref<80x128xf32, #tpu.memory_space<vmem>>
        %dma_start3A_102 = arith.constant 0 : i32
        %dma_start3A_103 = tpu.memref_slice %arg5[%run_scoped3A_75, %dma_start3A_102] : memref<10x80xi32, #tpu.memory_space<vmem>> -> memref<1x80xi32, #tpu.memory_space<vmem>>
        %dma_start3A_104 = tpu.memref_squeeze %dma_start3A_103 : memref<1x80xi32, #tpu.memory_space<vmem>> -> memref<80xi32, #tpu.memory_space<vmem>>
        %dma_start3A_105 = arith.constant 0 : i32
        %dma_start3A_106 = arith.constant 0 : i32
        %dma_start3A_107 = tpu.memref_slice %arg9[%dma_start3A_105, %dma_start3A_106] : memref<10240x128xf32, #tpu.memory_space<vmem_shared>> -> memref<10240x128xf32, #tpu.memory_space<vmem_shared>>
        tpu.enqueue_indirect_dma source(%dma_start3A_101 : memref<80x128xf32, #tpu.memory_space<vmem>>) target(%dma_start3A_107 : memref<10240x128xf32, #tpu.memory_space<vmem_shared>>) offsets(%dma_start3A_104 : memref<80xi32, #tpu.memory_space<vmem>>) semaphore(%run_scoped3A_98 : memref<!tpu.dma_semaphore, #tpu.memory_space<semaphore_mem>>) {add = true}
        %dma_wait3A_108 = arith.constant 80 : i32
        %dma_wait3A_109 = arith.constant 0 : i32
        %dma_wait3A_110 = tpu.memref_slice %arg6[%dma_wait3A_108, %dma_wait3A_109] : memref<160x128xf32, #tpu.memory_space<vmem>> -> memref<80x128xf32, #tpu.memory_space<vmem>>
        %dma_wait3A_111 = arith.constant 0 : i32
        %dma_wait3A_112 = tpu.memref_slice %arg5[%run_scoped3A_75, %dma_wait3A_111] : memref<10x80xi32, #tpu.memory_space<vmem>> -> memref<1x80xi32, #tpu.memory_space<vmem>>
        %dma_wait3A_113 = tpu.memref_squeeze %dma_wait3A_112 : memref<1x80xi32, #tpu.memory_space<vmem>> -> memref<80xi32, #tpu.memory_space<vmem>>
        %dma_wait3A_114 = arith.constant 0 : i32
        %dma_wait3A_115 = arith.constant 0 : i32
        %dma_wait3A_116 = tpu.memref_slice %arg9[%dma_wait3A_114, %dma_wait3A_115] : memref<10240x128xf32, #tpu.memory_space<vmem_shared>> -> memref<10240x128xf32, #tpu.memory_space<vmem_shared>>
        tpu.wait_indirect_dma semaphore(%run_scoped3A_98 : memref<!tpu.dma_semaphore, #tpu.memory_space<semaphore_mem>>) src(%dma_wait3A_110 : memref<80x128xf32, #tpu.memory_space<vmem>>) dst(%dma_wait3A_116 : memref<10240x128xf32, #tpu.memory_space<vmem_shared>>)
        tpu.yield
      }) : () -> ()
      %add3A_76 = arith.constant 480 : i32
      %add3A_77 = arith.addi %add3A, %add3A_76 : i32
      %dma_wait3A_78 = arith.constant 0 : i32
      %dma_wait3A_79 = tpu.memref_slice %arg2[%add3A_77, %dma_wait3A_78] : memref<320000x128xf32, #tpu.memory_space<hbm>> -> memref<160x128xf32, #tpu.memory_space<hbm>>
      %dma_wait3A_80 = arith.constant 0 : i32
      %dma_wait3A_81 = tpu.memref_slice %arg2[%add3A_77, %dma_wait3A_80] : memref<320000x128xf32, #tpu.memory_space<hbm>> -> memref<160x128xf32, #tpu.memory_space<hbm>>
      tpu.wait_dma2 semaphore(%arg11 : memref<!tpu.dma_semaphore, #tpu.memory_space<semaphore_mem>>) src(%dma_wait3A_81 : memref<160x128xf32, #tpu.memory_space<hbm>>) dst(%arg7 : memref<160x128xf32, #tpu.memory_space<vmem>>)
      %add3A_82 = arith.constant 160 : i32
      %add3A_83 = arith.addi %add3A_77, %add3A_82 : i32
      %dma_start3A_84 = arith.constant 0 : i32
      %dma_start3A_85 = tpu.memref_slice %arg2[%add3A_83, %dma_start3A_84] : memref<320000x128xf32, #tpu.memory_space<hbm>> -> memref<160x128xf32, #tpu.memory_space<hbm>>
      %dma_start3A_86 = arith.constant 0 : i32
      %dma_start3A_87 = tpu.memref_slice %arg2[%add3A_83, %dma_start3A_86] : memref<320000x128xf32, #tpu.memory_space<hbm>> -> memref<160x128xf32, #tpu.memory_space<hbm>>
      tpu.enqueue_dma source(%dma_start3A_87 : memref<160x128xf32, #tpu.memory_space<hbm>>) target(%arg6 : memref<160x128xf32, #tpu.memory_space<vmem>>) target_semaphore(%arg10 : memref<!tpu.dma_semaphore, #tpu.memory_space<semaphore_mem>>)
      %run_scoped3A_88 = arith.constant 6 : i32
      "tpu.region"() ({
        %run_scoped3A_98 = tpu.sem_alloc : memref<!tpu.dma_semaphore, #tpu.memory_space<semaphore_mem>>
        %dma_start3A_99 = arith.constant 0 : i32
        %dma_start3A_100 = arith.constant 0 : i32
        %dma_start3A_101 = tpu.memref_slice %arg7[%dma_start3A_99, %dma_start3A_100] : memref<160x128xf32, #tpu.memory_space<vmem>> -> memref<80x128xf32, #tpu.memory_space<vmem>>
        %dma_start3A_102 = arith.constant 0 : i32
        %dma_start3A_103 = tpu.memref_slice %arg5[%run_scoped3A_88, %dma_start3A_102] : memref<10x80xi32, #tpu.memory_space<vmem>> -> memref<1x80xi32, #tpu.memory_space<vmem>>
        %dma_start3A_104 = tpu.memref_squeeze %dma_start3A_103 : memref<1x80xi32, #tpu.memory_space<vmem>> -> memref<80xi32, #tpu.memory_space<vmem>>
        %dma_start3A_105 = arith.constant 0 : i32
        %dma_start3A_106 = arith.constant 0 : i32
        %dma_start3A_107 = tpu.memref_slice %arg9[%dma_start3A_105, %dma_start3A_106] : memref<10240x128xf32, #tpu.memory_space<vmem_shared>> -> memref<10240x128xf32, #tpu.memory_space<vmem_shared>>
        tpu.enqueue_indirect_dma source(%dma_start3A_101 : memref<80x128xf32, #tpu.memory_space<vmem>>) target(%dma_start3A_107 : memref<10240x128xf32, #tpu.memory_space<vmem_shared>>) offsets(%dma_start3A_104 : memref<80xi32, #tpu.memory_space<vmem>>) semaphore(%run_scoped3A_98 : memref<!tpu.dma_semaphore, #tpu.memory_space<semaphore_mem>>) {add = true}
        %dma_wait3A_108 = arith.constant 0 : i32
        %dma_wait3A_109 = arith.constant 0 : i32
        %dma_wait3A_110 = tpu.memref_slice %arg7[%dma_wait3A_108, %dma_wait3A_109] : memref<160x128xf32, #tpu.memory_space<vmem>> -> memref<80x128xf32, #tpu.memory_space<vmem>>
        %dma_wait3A_111 = arith.constant 0 : i32
        %dma_wait3A_112 = tpu.memref_slice %arg5[%run_scoped3A_88, %dma_wait3A_111] : memref<10x80xi32, #tpu.memory_space<vmem>> -> memref<1x80xi32, #tpu.memory_space<vmem>>
        %dma_wait3A_113 = tpu.memref_squeeze %dma_wait3A_112 : memref<1x80xi32, #tpu.memory_space<vmem>> -> memref<80xi32, #tpu.memory_space<vmem>>
        %dma_wait3A_114 = arith.constant 0 : i32
        %dma_wait3A_115 = arith.constant 0 : i32
        %dma_wait3A_116 = tpu.memref_slice %arg9[%dma_wait3A_114, %dma_wait3A_115] : memref<10240x128xf32, #tpu.memory_space<vmem_shared>> -> memref<10240x128xf32, #tpu.memory_space<vmem_shared>>
        tpu.wait_indirect_dma semaphore(%run_scoped3A_98 : memref<!tpu.dma_semaphore, #tpu.memory_space<semaphore_mem>>) src(%dma_wait3A_110 : memref<80x128xf32, #tpu.memory_space<vmem>>) dst(%dma_wait3A_116 : memref<10240x128xf32, #tpu.memory_space<vmem_shared>>)
        tpu.yield
      }) : () -> ()
      %run_scoped3A_89 = arith.constant 7 : i32
      "tpu.region"() ({
        %run_scoped3A_98 = tpu.sem_alloc : memref<!tpu.dma_semaphore, #tpu.memory_space<semaphore_mem>>
        %dma_start3A_99 = arith.constant 80 : i32
        %dma_start3A_100 = arith.constant 0 : i32
        %dma_start3A_101 = tpu.memref_slice %arg7[%dma_start3A_99, %dma_start3A_100] : memref<160x128xf32, #tpu.memory_space<vmem>> -> memref<80x128xf32, #tpu.memory_space<vmem>>
        %dma_start3A_102 = arith.constant 0 : i32
        %dma_start3A_103 = tpu.memref_slice %arg5[%run_scoped3A_89, %dma_start3A_102] : memref<10x80xi32, #tpu.memory_space<vmem>> -> memref<1x80xi32, #tpu.memory_space<vmem>>
        %dma_start3A_104 = tpu.memref_squeeze %dma_start3A_103 : memref<1x80xi32, #tpu.memory_space<vmem>> -> memref<80xi32, #tpu.memory_space<vmem>>
        %dma_start3A_105 = arith.constant 0 : i32
        %dma_start3A_106 = arith.constant 0 : i32
        %dma_start3A_107 = tpu.memref_slice %arg9[%dma_start3A_105, %dma_start3A_106] : memref<10240x128xf32, #tpu.memory_space<vmem_shared>> -> memref<10240x128xf32, #tpu.memory_space<vmem_shared>>
        tpu.enqueue_indirect_dma source(%dma_start3A_101 : memref<80x128xf32, #tpu.memory_space<vmem>>) target(%dma_start3A_107 : memref<10240x128xf32, #tpu.memory_space<vmem_shared>>) offsets(%dma_start3A_104 : memref<80xi32, #tpu.memory_space<vmem>>) semaphore(%run_scoped3A_98 : memref<!tpu.dma_semaphore, #tpu.memory_space<semaphore_mem>>) {add = true}
        %dma_wait3A_108 = arith.constant 80 : i32
        %dma_wait3A_109 = arith.constant 0 : i32
        %dma_wait3A_110 = tpu.memref_slice %arg7[%dma_wait3A_108, %dma_wait3A_109] : memref<160x128xf32, #tpu.memory_space<vmem>> -> memref<80x128xf32, #tpu.memory_space<vmem>>
        %dma_wait3A_111 = arith.constant 0 : i32
        %dma_wait3A_112 = tpu.memref_slice %arg5[%run_scoped3A_89, %dma_wait3A_111] : memref<10x80xi32, #tpu.memory_space<vmem>> -> memref<1x80xi32, #tpu.memory_space<vmem>>
        %dma_wait3A_113 = tpu.memref_squeeze %dma_wait3A_112 : memref<1x80xi32, #tpu.memory_space<vmem>> -> memref<80xi32, #tpu.memory_space<vmem>>
        %dma_wait3A_114 = arith.constant 0 : i32
        %dma_wait3A_115 = arith.constant 0 : i32
        %dma_wait3A_116 = tpu.memref_slice %arg9[%dma_wait3A_114, %dma_wait3A_115] : memref<10240x128xf32, #tpu.memory_space<vmem_shared>> -> memref<10240x128xf32, #tpu.memory_space<vmem_shared>>
        tpu.wait_indirect_dma semaphore(%run_scoped3A_98 : memref<!tpu.dma_semaphore, #tpu.memory_space<semaphore_mem>>) src(%dma_wait3A_110 : memref<80x128xf32, #tpu.memory_space<vmem>>) dst(%dma_wait3A_116 : memref<10240x128xf32, #tpu.memory_space<vmem_shared>>)
        tpu.yield
      }) : () -> ()
      %add3A_90 = arith.constant 640 : i32
      %add3A_91 = arith.addi %add3A, %add3A_90 : i32
      %dma_wait3A_92 = arith.constant 0 : i32
      %dma_wait3A_93 = tpu.memref_slice %arg2[%add3A_91, %dma_wait3A_92] : memref<320000x128xf32, #tpu.memory_space<hbm>> -> memref<160x128xf32, #tpu.memory_space<hbm>>
      %dma_wait3A_94 = arith.constant 0 : i32
      %dma_wait3A_95 = tpu.memref_slice %arg2[%add3A_91, %dma_wait3A_94] : memref<320000x128xf32, #tpu.memory_space<hbm>> -> memref<160x128xf32, #tpu.memory_space<hbm>>
      tpu.wait_dma2 semaphore(%arg10 : memref<!tpu.dma_semaphore, #tpu.memory_space<semaphore_mem>>) src(%dma_wait3A_95 : memref<160x128xf32, #tpu.memory_space<hbm>>) dst(%arg6 : memref<160x128xf32, #tpu.memory_space<vmem>>)
      %run_scoped3A_96 = arith.constant 8 : i32
      "tpu.region"() ({
        %run_scoped3A_98 = tpu.sem_alloc : memref<!tpu.dma_semaphore, #tpu.memory_space<semaphore_mem>>
        %dma_start3A_99 = arith.constant 0 : i32
        %dma_start3A_100 = arith.constant 0 : i32
        %dma_start3A_101 = tpu.memref_slice %arg6[%dma_start3A_99, %dma_start3A_100] : memref<160x128xf32, #tpu.memory_space<vmem>> -> memref<80x128xf32, #tpu.memory_space<vmem>>
        %dma_start3A_102 = arith.constant 0 : i32
        %dma_start3A_103 = tpu.memref_slice %arg5[%run_scoped3A_96, %dma_start3A_102] : memref<10x80xi32, #tpu.memory_space<vmem>> -> memref<1x80xi32, #tpu.memory_space<vmem>>
        %dma_start3A_104 = tpu.memref_squeeze %dma_start3A_103 : memref<1x80xi32, #tpu.memory_space<vmem>> -> memref<80xi32, #tpu.memory_space<vmem>>
        %dma_start3A_105 = arith.constant 0 : i32
        %dma_start3A_106 = arith.constant 0 : i32
        %dma_start3A_107 = tpu.memref_slice %arg9[%dma_start3A_105, %dma_start3A_106] : memref<10240x128xf32, #tpu.memory_space<vmem_shared>> -> memref<10240x128xf32, #tpu.memory_space<vmem_shared>>
        tpu.enqueue_indirect_dma source(%dma_start3A_101 : memref<80x128xf32, #tpu.memory_space<vmem>>) target(%dma_start3A_107 : memref<10240x128xf32, #tpu.memory_space<vmem_shared>>) offsets(%dma_start3A_104 : memref<80xi32, #tpu.memory_space<vmem>>) semaphore(%run_scoped3A_98 : memref<!tpu.dma_semaphore, #tpu.memory_space<semaphore_mem>>) {add = true}
        %dma_wait3A_108 = arith.constant 0 : i32
        %dma_wait3A_109 = arith.constant 0 : i32
        %dma_wait3A_110 = tpu.memref_slice %arg6[%dma_wait3A_108, %dma_wait3A_109] : memref<160x128xf32, #tpu.memory_space<vmem>> -> memref<80x128xf32, #tpu.memory_space<vmem>>
        %dma_wait3A_111 = arith.constant 0 : i32
        %dma_wait3A_112 = tpu.memref_slice %arg5[%run_scoped3A_96, %dma_wait3A_111] : memref<10x80xi32, #tpu.memory_space<vmem>> -> memref<1x80xi32, #tpu.memory_space<vmem>>
        %dma_wait3A_113 = tpu.memref_squeeze %dma_wait3A_112 : memref<1x80xi32, #tpu.memory_space<vmem>> -> memref<80xi32, #tpu.memory_space<vmem>>
        %dma_wait3A_114 = arith.constant 0 : i32
        %dma_wait3A_115 = arith.constant 0 : i32
        %dma_wait3A_116 = tpu.memref_slice %arg9[%dma_wait3A_114, %dma_wait3A_115] : memref<10240x128xf32, #tpu.memory_space<vmem_shared>> -> memref<10240x128xf32, #tpu.memory_space<vmem_shared>>
        tpu.wait_indirect_dma semaphore(%run_scoped3A_98 : memref<!tpu.dma_semaphore, #tpu.memory_space<semaphore_mem>>) src(%dma_wait3A_110 : memref<80x128xf32, #tpu.memory_space<vmem>>) dst(%dma_wait3A_116 : memref<10240x128xf32, #tpu.memory_space<vmem_shared>>)
        tpu.yield
      }) : () -> ()
      %run_scoped3A_97 = arith.constant 9 : i32
      "tpu.region"() ({
        %run_scoped3A_98 = tpu.sem_alloc : memref<!tpu.dma_semaphore, #tpu.memory_space<semaphore_mem>>
        %dma_start3A_99 = arith.constant 80 : i32
        %dma_start3A_100 = arith.constant 0 : i32
        %dma_start3A_101 = tpu.memref_slice %arg6[%dma_start3A_99, %dma_start3A_100] : memref<160x128xf32, #tpu.memory_space<vmem>> -> memref<80x128xf32, #tpu.memory_space<vmem>>
        %dma_start3A_102 = arith.constant 0 : i32
        %dma_start3A_103 = tpu.memref_slice %arg5[%run_scoped3A_97, %dma_start3A_102] : memref<10x80xi32, #tpu.memory_space<vmem>> -> memref<1x80xi32, #tpu.memory_space<vmem>>
        %dma_start3A_104 = tpu.memref_squeeze %dma_start3A_103 : memref<1x80xi32, #tpu.memory_space<vmem>> -> memref<80xi32, #tpu.memory_space<vmem>>
        %dma_start3A_105 = arith.constant 0 : i32
        %dma_start3A_106 = arith.constant 0 : i32
        %dma_start3A_107 = tpu.memref_slice %arg9[%dma_start3A_105, %dma_start3A_106] : memref<10240x128xf32, #tpu.memory_space<vmem_shared>> -> memref<10240x128xf32, #tpu.memory_space<vmem_shared>>
        tpu.enqueue_indirect_dma source(%dma_start3A_101 : memref<80x128xf32, #tpu.memory_space<vmem>>) target(%dma_start3A_107 : memref<10240x128xf32, #tpu.memory_space<vmem_shared>>) offsets(%dma_start3A_104 : memref<80xi32, #tpu.memory_space<vmem>>) semaphore(%run_scoped3A_98 : memref<!tpu.dma_semaphore, #tpu.memory_space<semaphore_mem>>) {add = true}
        %dma_wait3A_108 = arith.constant 80 : i32
        %dma_wait3A_109 = arith.constant 0 : i32
        %dma_wait3A_110 = tpu.memref_slice %arg6[%dma_wait3A_108, %dma_wait3A_109] : memref<160x128xf32, #tpu.memory_space<vmem>> -> memref<80x128xf32, #tpu.memory_space<vmem>>
        %dma_wait3A_111 = arith.constant 0 : i32
        %dma_wait3A_112 = tpu.memref_slice %arg5[%run_scoped3A_97, %dma_wait3A_111] : memref<10x80xi32, #tpu.memory_space<vmem>> -> memref<1x80xi32, #tpu.memory_space<vmem>>
        %dma_wait3A_113 = tpu.memref_squeeze %dma_wait3A_112 : memref<1x80xi32, #tpu.memory_space<vmem>> -> memref<80xi32, #tpu.memory_space<vmem>>
        %dma_wait3A_114 = arith.constant 0 : i32
        %dma_wait3A_115 = arith.constant 0 : i32
        %dma_wait3A_116 = tpu.memref_slice %arg9[%dma_wait3A_114, %dma_wait3A_115] : memref<10240x128xf32, #tpu.memory_space<vmem_shared>> -> memref<10240x128xf32, #tpu.memory_space<vmem_shared>>
        tpu.wait_indirect_dma semaphore(%run_scoped3A_98 : memref<!tpu.dma_semaphore, #tpu.memory_space<semaphore_mem>>) src(%dma_wait3A_110 : memref<80x128xf32, #tpu.memory_space<vmem>>) dst(%dma_wait3A_116 : memref<10240x128xf32, #tpu.memory_space<vmem_shared>>)
        tpu.yield
      }) : () -> ()
    }
    %scan3A_16 = arith.constant 25 : i32
    %barrier3A_17 = arith.constant 0 : index
    tpu.barrier barrier_id(%barrier3A_17)
    %scan3A_18 = arith.constant 0 : i32
    %scan3A_19 = arith.constant 0 : i32
    %scan3A_20 = arith.constant 40 : i32
    %scan3A_21 = arith.addi %scan3A_19, %scan3A_20 : i32
    %scan3A_22 = arith.constant 1 : i32
    scf.for %scan3A_24 = %scan3A_19 to %scan3A_21 step %scan3A_22  : i32 {
      %mul3A = arith.constant 640 : i32
      %mul3A_25 = arith.muli %arg1, %mul3A : i32
      %mul3A_26 = arith.constant 16 : i32
      %mul3A_27 = arith.muli %scan3A_24, %mul3A_26 : i32
      %add3A = arith.addi %mul3A_25, %mul3A_27 : i32
      "tpu.region"() ({
        %run_scoped3A = tpu.sem_alloc : memref<!tpu.dma_semaphore, #tpu.memory_space<semaphore_mem>>
        %dma_start3A = arith.constant 0 : i32
        %dma_start3A_28 = tpu.memref_slice %arg9[%add3A, %dma_start3A] : memref<10240x128xf32, #tpu.memory_space<vmem_shared>> -> memref<16x128xf32, #tpu.memory_space<vmem_shared>>
        %dma_start3A_29 = arith.constant 0 : i32
        %dma_start3A_30 = tpu.memref_slice %arg9[%add3A, %dma_start3A_29] : memref<10240x128xf32, #tpu.memory_space<vmem_shared>> -> memref<16x128xf32, #tpu.memory_space<vmem_shared>>
        tpu.enqueue_dma source(%dma_start3A_30 : memref<16x128xf32, #tpu.memory_space<vmem_shared>>) target(%arg8 : memref<16x128xf32, #tpu.memory_space<vmem>>) target_semaphore(%run_scoped3A : memref<!tpu.dma_semaphore, #tpu.memory_space<semaphore_mem>>)
        %dma_wait3A = arith.constant 0 : i32
        %dma_wait3A_31 = tpu.memref_slice %arg9[%add3A, %dma_wait3A] : memref<10240x128xf32, #tpu.memory_space<vmem_shared>> -> memref<16x128xf32, #tpu.memory_space<vmem_shared>>
        %dma_wait3A_32 = arith.constant 0 : i32
        %dma_wait3A_33 = tpu.memref_slice %arg9[%add3A, %dma_wait3A_32] : memref<10240x128xf32, #tpu.memory_space<vmem_shared>> -> memref<16x128xf32, #tpu.memory_space<vmem_shared>>
        tpu.wait_dma2 semaphore(%run_scoped3A : memref<!tpu.dma_semaphore, #tpu.memory_space<semaphore_mem>>) src(%dma_wait3A_33 : memref<16x128xf32, #tpu.memory_space<vmem_shared>>) dst(%arg8 : memref<16x128xf32, #tpu.memory_space<vmem>>)
        tpu.yield
      }) : () -> ()
      "tpu.region"() ({
        %run_scoped3A = tpu.sem_alloc : memref<!tpu.dma_semaphore, #tpu.memory_space<semaphore_mem>>
        %dma_start3A = arith.constant 0 : i32
        %dma_start3A_28 = tpu.memref_slice %arg4[%add3A, %dma_start3A] : memref<10240x128xf32, #tpu.memory_space<hbm>> -> memref<16x128xf32, #tpu.memory_space<hbm>>
        %dma_start3A_29 = arith.constant 0 : i32
        %dma_start3A_30 = tpu.memref_slice %arg4[%add3A, %dma_start3A_29] : memref<10240x128xf32, #tpu.memory_space<hbm>> -> memref<16x128xf32, #tpu.memory_space<hbm>>
        tpu.enqueue_dma source(%arg8 : memref<16x128xf32, #tpu.memory_space<vmem>>) target(%dma_start3A_30 : memref<16x128xf32, #tpu.memory_space<hbm>>) target_semaphore(%run_scoped3A : memref<!tpu.dma_semaphore, #tpu.memory_space<semaphore_mem>>)
        %dma_wait3A = arith.constant 0 : i32
        %dma_wait3A_31 = tpu.memref_slice %arg4[%add3A, %dma_wait3A] : memref<10240x128xf32, #tpu.memory_space<hbm>> -> memref<16x128xf32, #tpu.memory_space<hbm>>
        %dma_wait3A_32 = arith.constant 0 : i32
        %dma_wait3A_33 = tpu.memref_slice %arg4[%add3A, %dma_wait3A_32] : memref<10240x128xf32, #tpu.memory_space<hbm>> -> memref<16x128xf32, #tpu.memory_space<hbm>>
        tpu.wait_dma2 semaphore(%run_scoped3A : memref<!tpu.dma_semaphore, #tpu.memory_space<semaphore_mem>>) src(%arg8 : memref<16x128xf32, #tpu.memory_space<vmem>>) dst(%dma_wait3A_33 : memref<16x128xf32, #tpu.memory_space<hbm>>)
        tpu.yield
      }) : () -> ()
    }
    %scan3A_23 = arith.constant 40 : i32
    return
  }
}

module attributes {stable_mosaic.version = 14 : i64} {
  func.func @_node_feats_body(%arg0: i32, %arg1: memref<1000x128xf32, #tpu.memory_space<vmem>>, %arg2: memref<128x128xf32, #tpu.memory_space<vmem>>, %arg3: memref<1x128xf32, #tpu.memory_space<vmem>>, %arg4: memref<128x128xf32, #tpu.memory_space<vmem>>, %arg5: memref<1x128xf32, #tpu.memory_space<vmem>>, %arg6: memref<1000x128xf32, #tpu.memory_space<vmem>>, %arg7: memref<1000x128xf32, #tpu.memory_space<vmem>>) attributes {dimension_semantics = [#tpu.dimension_semantics<arbitrary>], iteration_bounds = array<i64: 10>, scalar_prefetch = 0 : i64, scratch_operands = 0 : i64, tpu.core_type = #tpu.core_type<tc>, window_params = [{transform_indices = @transform_0, window_bounds = array<i64: 1000, 128>}, {pipeline_mode = #tpu.pipeline_mode<synchronous>, transform_indices = @transform_1, window_bounds = array<i64: 128, 128>}, {pipeline_mode = #tpu.pipeline_mode<synchronous>, transform_indices = @transform_2, window_bounds = array<i64: 1, 128>}, {pipeline_mode = #tpu.pipeline_mode<synchronous>, transform_indices = @transform_3, window_bounds = array<i64: 128, 128>}, {pipeline_mode = #tpu.pipeline_mode<synchronous>, transform_indices = @transform_4, window_bounds = array<i64: 1, 128>}, {transform_indices = @transform_5, window_bounds = array<i64: 1000, 128>}, {transform_indices = @transform_6, window_bounds = array<i64: 1000, 128>}]} {
    %get3A = arith.constant 0 : index
    %get3A_0 = arith.constant 0 : index
    %get3A_1 = vector.load %arg1[%get3A, %get3A_0] : memref<1000x128xf32, #tpu.memory_space<vmem>>, vector<1000x128xf32>
    %get3A_2 = arith.constant 0 : index
    %get3A_3 = arith.constant 0 : index
    %get3A_4 = vector.load %arg2[%get3A_2, %get3A_3] : memref<128x128xf32, #tpu.memory_space<vmem>>, vector<128x128xf32>
    %dot_general3A = arith.constant dense<0.000000e+00> : vector<1000x128xf32>
    %dot_general3A_5 = tpu.matmul %get3A_1, %get3A_4, %dot_general3A {dimension_numbers = #tpu.dot_dimension_numbers<[1], [0], [0], [1], [0, 0, 1, 1], [], []>, transpose_lhs_hint = false} : vector<1000x128xf32>, vector<128x128xf32>, vector<1000x128xf32> -> vector<1000x128xf32>
    %get3A_6 = arith.constant 0 : index
    %get3A_7 = arith.constant 0 : index
    %get3A_8 = vector.load %arg3[%get3A_6, %get3A_7] : memref<1x128xf32, #tpu.memory_space<vmem>>, vector<1x128xf32>
    %add3A = vector.broadcast %get3A_8 : vector<1x128xf32> to vector<1000x128xf32>
    %add3A_9 = arith.addf %dot_general3A_5, %add3A : vector<1000x128xf32>
    %swap3A = arith.constant 0 : index
    %swap3A_10 = arith.constant 0 : index
    %swap3A_11 = vector.load %arg6[%swap3A, %swap3A_10] : memref<1000x128xf32, #tpu.memory_space<vmem>>, vector<1000x128xf32>
    tpu.vector_store %arg6[%swap3A, %swap3A_10], %add3A_9 {strides = array<i32>} : memref<1000x128xf32, #tpu.memory_space<vmem>>, vector<1000x128xf32>,
    %get3A_12 = arith.constant 0 : index
    %get3A_13 = arith.constant 0 : index
    %get3A_14 = vector.load %arg4[%get3A_12, %get3A_13] : memref<128x128xf32, #tpu.memory_space<vmem>>, vector<128x128xf32>
    %dot_general3A_15 = arith.constant dense<0.000000e+00> : vector<1000x128xf32>
    %dot_general3A_16 = tpu.matmul %get3A_1, %get3A_14, %dot_general3A_15 {dimension_numbers = #tpu.dot_dimension_numbers<[1], [0], [0], [1], [0, 0, 1, 1], [], []>, transpose_lhs_hint = false} : vector<1000x128xf32>, vector<128x128xf32>, vector<1000x128xf32> -> vector<1000x128xf32>
    %get3A_17 = arith.constant 0 : index
    %get3A_18 = arith.constant 0 : index
    %get3A_19 = vector.load %arg5[%get3A_17, %get3A_18] : memref<1x128xf32, #tpu.memory_space<vmem>>, vector<1x128xf32>
    %add3A_20 = vector.broadcast %get3A_19 : vector<1x128xf32> to vector<1000x128xf32>
    %add3A_21 = arith.addf %dot_general3A_16, %add3A_20 : vector<1000x128xf32>
    %swap3A_22 = arith.constant 0 : index
    %swap3A_23 = arith.constant 0 : index
    %swap3A_24 = vector.load %arg7[%swap3A_22, %swap3A_23] : memref<1000x128xf32, #tpu.memory_space<vmem>>, vector<1000x128xf32>
    tpu.vector_store %arg7[%swap3A_22, %swap3A_23], %add3A_21 {strides = array<i32>} : memref<1000x128xf32, #tpu.memory_space<vmem>>, vector<1000x128xf32>,
    return
  }
  func.func @transform_0(%arg0: i32) -> (i32, i32) {
    %c0_i32 = arith.constant 0 : i32
    %c0_i32_0 = arith.constant 0 : i32
    return %arg0, %c0_i32 : i32, i32
  }
  func.func @transform_1(%arg0: i32) -> (i32, i32) {
    %c0_i32 = arith.constant 0 : i32
    %c0_i32_0 = arith.constant 0 : i32
    %c0_i32_1 = arith.constant 0 : i32
    return %c0_i32, %c0_i32_0 : i32, i32
  }
  func.func @transform_2(%arg0: i32) -> (i32, i32) {
    %c0_i32 = arith.constant 0 : i32
    %c0_i32_0 = arith.constant 0 : i32
    %c0_i32_1 = arith.constant 0 : i32
    return %c0_i32, %c0_i32_0 : i32, i32
  }
  func.func @transform_3(%arg0: i32) -> (i32, i32) {
    %c0_i32 = arith.constant 0 : i32
    %c0_i32_0 = arith.constant 0 : i32
    %c0_i32_1 = arith.constant 0 : i32
    return %c0_i32, %c0_i32_0 : i32, i32
  }
  func.func @transform_4(%arg0: i32) -> (i32, i32) {
    %c0_i32 = arith.constant 0 : i32
    %c0_i32_0 = arith.constant 0 : i32
    %c0_i32_1 = arith.constant 0 : i32
    return %c0_i32, %c0_i32_0 : i32, i32
  }
  func.func @transform_5(%arg0: i32) -> (i32, i32) {
    %c0_i32 = arith.constant 0 : i32
    %c0_i32_0 = arith.constant 0 : i32
    return %arg0, %c0_i32 : i32, i32
  }
  func.func @transform_6(%arg0: i32) -> (i32, i32) {
    %c0_i32 = arith.constant 0 : i32
    %c0_i32_0 = arith.constant 0 : i32
    return %arg0, %c0_i32 : i32, i32
  }
}

module attributes {stable_mosaic.version = 14 : i64} {
  func.func @_edge_body(%arg0: i32, %arg1: memref<512x128xf32, #tpu.memory_space<vmem>>, %arg2: memref<512x64xf32, #tpu.memory_space<vmem>>, %arg3: memref<512x1xf32, #tpu.memory_space<vmem>>, %arg4: memref<64x64xf32, #tpu.memory_space<vmem>>, %arg5: memref<1x64xf32, #tpu.memory_space<vmem>>, %arg6: memref<1x64xf32, #tpu.memory_space<vmem>>, %arg7: memref<64x64xf32, #tpu.memory_space<vmem>>, %arg8: memref<1x64xf32, #tpu.memory_space<vmem>>, %arg9: memref<1x64xf32, #tpu.memory_space<vmem>>, %arg10: memref<64x128xf32, #tpu.memory_space<vmem>>, %arg11: memref<1x128xf32, #tpu.memory_space<vmem>>, %arg12: memref<128x256xf32, #tpu.memory_space<vmem>>, %arg13: memref<1x256xf32, #tpu.memory_space<vmem>>, %arg14: memref<128x16xf32, #tpu.memory_space<vmem>>, %arg15: memref<16x128xf32, #tpu.memory_space<vmem>>, %arg16: memref<512x128xf32, #tpu.memory_space<vmem>>, %arg17: memref<512x128xf32, #tpu.memory_space<vmem>>) attributes {dimension_semantics = [#tpu.dimension_semantics<arbitrary>], iteration_bounds = array<i64: 625>, scalar_prefetch = 0 : i64, scratch_operands = 0 : i64, tpu.core_type = #tpu.core_type<tc>, window_params = [{transform_indices = @transform_0, window_bounds = array<i64: 512, 128>}, {transform_indices = @transform_1, window_bounds = array<i64: 512, 64>}, {transform_indices = @transform_2, window_bounds = array<i64: 512, 1>}, {pipeline_mode = #tpu.pipeline_mode<synchronous>, transform_indices = @transform_3, window_bounds = array<i64: 64, 64>}, {pipeline_mode = #tpu.pipeline_mode<synchronous>, transform_indices = @transform_4, window_bounds = array<i64: 1, 64>}, {pipeline_mode = #tpu.pipeline_mode<synchronous>, transform_indices = @transform_5, window_bounds = array<i64: 1, 64>}, {pipeline_mode = #tpu.pipeline_mode<synchronous>, transform_indices = @transform_6, window_bounds = array<i64: 64, 64>}, {pipeline_mode = #tpu.pipeline_mode<synchronous>, transform_indices = @transform_7, window_bounds = array<i64: 1, 64>}, {pipeline_mode = #tpu.pipeline_mode<synchronous>, transform_indices = @transform_8, window_bounds = array<i64: 1, 64>}, {pipeline_mode = #tpu.pipeline_mode<synchronous>, transform_indices = @transform_9, window_bounds = array<i64: 64, 128>}, {pipeline_mode = #tpu.pipeline_mode<synchronous>, transform_indices = @transform_10, window_bounds = array<i64: 1, 128>}, {pipeline_mode = #tpu.pipeline_mode<synchronous>, transform_indices = @transform_11, window_bounds = array<i64: 128, 256>}, {pipeline_mode = #tpu.pipeline_mode<synchronous>, transform_indices = @transform_12, window_bounds = array<i64: 1, 256>}, {pipeline_mode = #tpu.pipeline_mode<synchronous>, transform_indices = @transform_13, window_bounds = array<i64: 128, 16>}, {pipeline_mode = #tpu.pipeline_mode<synchronous>, transform_indices = @transform_14, window_bounds = array<i64: 16, 128>}, {transform_indices = @transform_15, window_bounds = array<i64: 512, 128>}, {transform_indices = @transform_16, window_bounds = array<i64: 512, 128>}]} {
    %get3A = arith.constant 0 : index
    %get3A_0 = arith.constant 0 : index
    %get3A_1 = vector.load %arg2[%get3A, %get3A_0] : memref<512x64xf32, #tpu.memory_space<vmem>>, vector<512x64xf32>
    %get3A_2 = arith.constant 0 : index
    %get3A_3 = arith.constant 0 : index
    %get3A_4 = vector.load %arg4[%get3A_2, %get3A_3] : memref<64x64xf32, #tpu.memory_space<vmem>>, vector<64x64xf32>
    %dot_general3A = arith.constant dense<0.000000e+00> : vector<512x64xf32>
    %dot_general3A_5 = tpu.matmul %get3A_1, %get3A_4, %dot_general3A {dimension_numbers = #tpu.dot_dimension_numbers<[1], [0], [0], [1], [0, 0, 1, 1], [], []>, transpose_lhs_hint = false} : vector<512x64xf32>, vector<64x64xf32>, vector<512x64xf32> -> vector<512x64xf32>
    %reduce_sum3A = arith.constant dense<0.000000e+00> : vector<512xf32>
    %reduce_sum3A_6 = vector.multi_reduction <add>, %dot_general3A_5, %reduce_sum3A [1] : vector<512x64xf32> to vector<512xf32>
    %broadcast_in_dim3A = vector.shape_cast %reduce_sum3A_6 : vector<512xf32> to vector<512x1xf32>
    %div3A = arith.constant 6.400000e+01 : f32
    %div3A_7 = vector.broadcast %div3A : f32 to vector<512x1xf32>
    %div3A_8 = arith.divf %broadcast_in_dim3A, %div3A_7 : vector<512x1xf32>
    %mul3A = arith.mulf %dot_general3A_5, %dot_general3A_5 : vector<512x64xf32>
    %reduce_sum3A_9 = arith.constant dense<0.000000e+00> : vector<512xf32>
    %reduce_sum3A_10 = vector.multi_reduction <add>, %mul3A, %reduce_sum3A_9 [1] : vector<512x64xf32> to vector<512xf32>
    %broadcast_in_dim3A_11 = vector.shape_cast %reduce_sum3A_10 : vector<512xf32> to vector<512x1xf32>
    %div3A_12 = arith.constant 6.400000e+01 : f32
    %div3A_13 = vector.broadcast %div3A_12 : f32 to vector<512x1xf32>
    %div3A_14 = arith.divf %broadcast_in_dim3A_11, %div3A_13 : vector<512x1xf32>
    %mul3A_15 = arith.mulf %div3A_8, %div3A_8 : vector<512x1xf32>
    %sub3A = arith.subf %div3A_14, %mul3A_15 : vector<512x1xf32>
    %sub3A_16 = vector.broadcast %div3A_8 : vector<512x1xf32> to vector<512x64xf32>
    %sub3A_17 = arith.subf %dot_general3A_5, %sub3A_16 : vector<512x64xf32>
    %add3A = arith.constant 9.99999974E-6 : f32
    %add3A_18 = vector.broadcast %add3A : f32 to vector<512x1xf32>
    %add3A_19 = arith.addf %sub3A, %add3A_18 : vector<512x1xf32>
    %rsqrt3A = math.rsqrt %add3A_19 : vector<512x1xf32>
    %mul3A_20 = vector.broadcast %rsqrt3A : vector<512x1xf32> to vector<512x64xf32>
    %mul3A_21 = arith.mulf %sub3A_17, %mul3A_20 : vector<512x64xf32>
    %get3A_22 = arith.constant 0 : index
    %get3A_23 = arith.constant 0 : index
    %get3A_24 = vector.load %arg5[%get3A_22, %get3A_23] : memref<1x64xf32, #tpu.memory_space<vmem>>, vector<1x64xf32>
    %mul3A_25 = vector.broadcast %get3A_24 : vector<1x64xf32> to vector<512x64xf32>
    %mul3A_26 = arith.mulf %mul3A_21, %mul3A_25 : vector<512x64xf32>
    %get3A_27 = arith.constant 0 : index
    %get3A_28 = arith.constant 0 : index
    %get3A_29 = vector.load %arg6[%get3A_27, %get3A_28] : memref<1x64xf32, #tpu.memory_space<vmem>>, vector<1x64xf32>
    %add3A_30 = vector.broadcast %get3A_29 : vector<1x64xf32> to vector<512x64xf32>
    %add3A_31 = arith.addf %mul3A_26, %add3A_30 : vector<512x64xf32>
    %logistic3A = arith.negf %add3A_31 : vector<512x64xf32>
    %logistic3A_32 = math.exp %logistic3A : vector<512x64xf32>
    %logistic3A_33 = arith.constant 1.000000e+00 : f32
    %logistic3A_34 = vector.broadcast %logistic3A_33 : f32 to vector<512x64xf32>
    %logistic3A_35 = arith.addf %logistic3A_34, %logistic3A_32 : vector<512x64xf32>
    %logistic3A_36 = arith.divf %logistic3A_34, %logistic3A_35 : vector<512x64xf32>
    %mul3A_37 = arith.mulf %add3A_31, %logistic3A_36 : vector<512x64xf32>
    %get3A_38 = arith.constant 0 : index
    %get3A_39 = arith.constant 0 : index
    %get3A_40 = vector.load %arg7[%get3A_38, %get3A_39] : memref<64x64xf32, #tpu.memory_space<vmem>>, vector<64x64xf32>
    %dot_general3A_41 = arith.constant dense<0.000000e+00> : vector<512x64xf32>
    %dot_general3A_42 = tpu.matmul %mul3A_37, %get3A_40, %dot_general3A_41 {dimension_numbers = #tpu.dot_dimension_numbers<[1], [0], [0], [1], [0, 0, 1, 1], [], []>, transpose_lhs_hint = false} : vector<512x64xf32>, vector<64x64xf32>, vector<512x64xf32> -> vector<512x64xf32>
    %reduce_sum3A_43 = arith.constant dense<0.000000e+00> : vector<512xf32>
    %reduce_sum3A_44 = vector.multi_reduction <add>, %dot_general3A_42, %reduce_sum3A_43 [1] : vector<512x64xf32> to vector<512xf32>
    %broadcast_in_dim3A_45 = vector.shape_cast %reduce_sum3A_44 : vector<512xf32> to vector<512x1xf32>
    %div3A_46 = arith.constant 6.400000e+01 : f32
    %div3A_47 = vector.broadcast %div3A_46 : f32 to vector<512x1xf32>
    %div3A_48 = arith.divf %broadcast_in_dim3A_45, %div3A_47 : vector<512x1xf32>
    %mul3A_49 = arith.mulf %dot_general3A_42, %dot_general3A_42 : vector<512x64xf32>
    %reduce_sum3A_50 = arith.constant dense<0.000000e+00> : vector<512xf32>
    %reduce_sum3A_51 = vector.multi_reduction <add>, %mul3A_49, %reduce_sum3A_50 [1] : vector<512x64xf32> to vector<512xf32>
    %broadcast_in_dim3A_52 = vector.shape_cast %reduce_sum3A_51 : vector<512xf32> to vector<512x1xf32>
    %div3A_53 = arith.constant 6.400000e+01 : f32
    %div3A_54 = vector.broadcast %div3A_53 : f32 to vector<512x1xf32>
    %div3A_55 = arith.divf %broadcast_in_dim3A_52, %div3A_54 : vector<512x1xf32>
    %mul3A_56 = arith.mulf %div3A_48, %div3A_48 : vector<512x1xf32>
    %sub3A_57 = arith.subf %div3A_55, %mul3A_56 : vector<512x1xf32>
    %sub3A_58 = vector.broadcast %div3A_48 : vector<512x1xf32> to vector<512x64xf32>
    %sub3A_59 = arith.subf %dot_general3A_42, %sub3A_58 : vector<512x64xf32>
    %add3A_60 = arith.constant 9.99999974E-6 : f32
    %add3A_61 = vector.broadcast %add3A_60 : f32 to vector<512x1xf32>
    %add3A_62 = arith.addf %sub3A_57, %add3A_61 : vector<512x1xf32>
    %rsqrt3A_63 = math.rsqrt %add3A_62 : vector<512x1xf32>
    %mul3A_64 = vector.broadcast %rsqrt3A_63 : vector<512x1xf32> to vector<512x64xf32>
    %mul3A_65 = arith.mulf %sub3A_59, %mul3A_64 : vector<512x64xf32>
    %get3A_66 = arith.constant 0 : index
    %get3A_67 = arith.constant 0 : index
    %get3A_68 = vector.load %arg8[%get3A_66, %get3A_67] : memref<1x64xf32, #tpu.memory_space<vmem>>, vector<1x64xf32>
    %mul3A_69 = vector.broadcast %get3A_68 : vector<1x64xf32> to vector<512x64xf32>
    %mul3A_70 = arith.mulf %mul3A_65, %mul3A_69 : vector<512x64xf32>
    %get3A_71 = arith.constant 0 : index
    %get3A_72 = arith.constant 0 : index
    %get3A_73 = vector.load %arg9[%get3A_71, %get3A_72] : memref<1x64xf32, #tpu.memory_space<vmem>>, vector<1x64xf32>
    %add3A_74 = vector.broadcast %get3A_73 : vector<1x64xf32> to vector<512x64xf32>
    %add3A_75 = arith.addf %mul3A_70, %add3A_74 : vector<512x64xf32>
    %logistic3A_76 = arith.negf %add3A_75 : vector<512x64xf32>
    %logistic3A_77 = math.exp %logistic3A_76 : vector<512x64xf32>
    %logistic3A_78 = arith.constant 1.000000e+00 : f32
    %logistic3A_79 = vector.broadcast %logistic3A_78 : f32 to vector<512x64xf32>
    %logistic3A_80 = arith.addf %logistic3A_79, %logistic3A_77 : vector<512x64xf32>
    %logistic3A_81 = arith.divf %logistic3A_79, %logistic3A_80 : vector<512x64xf32>
    %mul3A_82 = arith.mulf %add3A_75, %logistic3A_81 : vector<512x64xf32>
    %get3A_83 = arith.constant 0 : index
    %get3A_84 = arith.constant 0 : index
    %get3A_85 = vector.load %arg10[%get3A_83, %get3A_84] : memref<64x128xf32, #tpu.memory_space<vmem>>, vector<64x128xf32>
    %dot_general3A_86 = arith.constant dense<0.000000e+00> : vector<512x128xf32>
    %dot_general3A_87 = tpu.matmul %mul3A_82, %get3A_85, %dot_general3A_86 {dimension_numbers = #tpu.dot_dimension_numbers<[1], [0], [0], [1], [0, 0, 1, 1], [], []>, transpose_lhs_hint = false} : vector<512x64xf32>, vector<64x128xf32>, vector<512x128xf32> -> vector<512x128xf32>
    %get3A_88 = arith.constant 0 : index
    %get3A_89 = arith.constant 0 : index
    %get3A_90 = vector.load %arg11[%get3A_88, %get3A_89] : memref<1x128xf32, #tpu.memory_space<vmem>>, vector<1x128xf32>
    %add3A_91 = vector.broadcast %get3A_90 : vector<1x128xf32> to vector<512x128xf32>
    %add3A_92 = arith.addf %dot_general3A_87, %add3A_91 : vector<512x128xf32>
    %get3A_93 = arith.constant 0 : index
    %get3A_94 = arith.constant 0 : index
    %get3A_95 = vector.load %arg1[%get3A_93, %get3A_94] : memref<512x128xf32, #tpu.memory_space<vmem>>, vector<512x128xf32>
    %get3A_96 = arith.constant 0 : index
    %get3A_97 = arith.constant 0 : index
    %get3A_98 = vector.load %arg3[%get3A_96, %get3A_97] : memref<512x1xf32, #tpu.memory_space<vmem>>, vector<512x1xf32>
    %mul3A_99 = vector.broadcast %get3A_98 : vector<512x1xf32> to vector<512x128xf32>
    %mul3A_100 = arith.mulf %get3A_95, %mul3A_99 : vector<512x128xf32>
    %mul3A_101 = arith.mulf %mul3A_100, %add3A_92 : vector<512x128xf32>
    %get3A_102 = arith.constant 0 : index
    %get3A_103 = arith.constant 0 : index
    %get3A_104 = vector.load %arg12[%get3A_102, %get3A_103] : memref<128x256xf32, #tpu.memory_space<vmem>>, vector<128x256xf32>
    %dot_general3A_105 = arith.constant dense<0.000000e+00> : vector<512x256xf32>
    %dot_general3A_106 = tpu.matmul %mul3A_101, %get3A_104, %dot_general3A_105 {dimension_numbers = #tpu.dot_dimension_numbers<[1], [0], [0], [1], [0, 0, 1, 1], [], []>, transpose_lhs_hint = false} : vector<512x128xf32>, vector<128x256xf32>, vector<512x256xf32> -> vector<512x256xf32>
    %get3A_107 = arith.constant 0 : index
    %get3A_108 = arith.constant 0 : index
    %get3A_109 = vector.load %arg13[%get3A_107, %get3A_108] : memref<1x256xf32, #tpu.memory_space<vmem>>, vector<1x256xf32>
    %add3A_110 = vector.broadcast %get3A_109 : vector<1x256xf32> to vector<512x256xf32>
    %add3A_111 = arith.addf %dot_general3A_106, %add3A_110 : vector<512x256xf32>
    %logistic3A_112 = arith.negf %add3A_111 : vector<512x256xf32>
    %logistic3A_113 = math.exp %logistic3A_112 : vector<512x256xf32>
    %logistic3A_114 = arith.constant 1.000000e+00 : f32
    %logistic3A_115 = vector.broadcast %logistic3A_114 : f32 to vector<512x256xf32>
    %logistic3A_116 = arith.addf %logistic3A_115, %logistic3A_113 : vector<512x256xf32>
    %logistic3A_117 = arith.divf %logistic3A_115, %logistic3A_116 : vector<512x256xf32>
    %mul3A_118 = arith.mulf %add3A_111, %logistic3A_117 : vector<512x256xf32>
    %slice3A = vector.extract_strided_slice %mul3A_118 {offsets = [0, 0], sizes = [512, 128], strides = [1, 1]} : vector<512x256xf32> to vector<512x128xf32>
    %slice3A_119 = vector.extract_strided_slice %mul3A_118 {offsets = [0, 128], sizes = [512, 128], strides = [1, 1]} : vector<512x256xf32> to vector<512x128xf32>
    %mul3A_120 = arith.constant 6.000000e-01 : f32
    %mul3A_121 = vector.broadcast %mul3A_120 : f32 to vector<512x128xf32>
    %mul3A_122 = arith.mulf %mul3A_121, %slice3A : vector<512x128xf32>
    %mul3A_123 = arith.constant 4.000000e-01 : f32
    %mul3A_124 = vector.broadcast %mul3A_123 : f32 to vector<512x128xf32>
    %mul3A_125 = arith.mulf %mul3A_124, %slice3A : vector<512x128xf32>
    %logistic3A_126 = arith.negf %slice3A : vector<512x128xf32>
    %logistic3A_127 = math.exp %logistic3A_126 : vector<512x128xf32>
    %logistic3A_128 = arith.constant 1.000000e+00 : f32
    %logistic3A_129 = vector.broadcast %logistic3A_128 : f32 to vector<512x128xf32>
    %logistic3A_130 = arith.addf %logistic3A_129, %logistic3A_127 : vector<512x128xf32>
    %logistic3A_131 = arith.divf %logistic3A_129, %logistic3A_130 : vector<512x128xf32>
    %mul3A_132 = arith.constant 2.000000e+00 : f32
    %mul3A_133 = vector.broadcast %mul3A_132 : f32 to vector<512x128xf32>
    %mul3A_134 = arith.mulf %mul3A_133, %logistic3A_131 : vector<512x128xf32>
    %sub3A_135 = arith.constant 1.000000e+00 : f32
    %sub3A_136 = vector.broadcast %sub3A_135 : f32 to vector<512x128xf32>
    %sub3A_137 = arith.subf %mul3A_134, %sub3A_136 : vector<512x128xf32>
    %mul3A_138 = arith.mulf %mul3A_125, %sub3A_137 : vector<512x128xf32>
    %add3A_139 = arith.addf %mul3A_122, %mul3A_138 : vector<512x128xf32>
    %get3A_140 = arith.constant 0 : index
    %get3A_141 = arith.constant 0 : index
    %get3A_142 = vector.load %arg14[%get3A_140, %get3A_141] : memref<128x16xf32, #tpu.memory_space<vmem>>, vector<128x16xf32>
    %dot_general3A_143 = arith.constant dense<0.000000e+00> : vector<512x16xf32>
    %dot_general3A_144 = tpu.matmul %add3A_139, %get3A_142, %dot_general3A_143 {dimension_numbers = #tpu.dot_dimension_numbers<[1], [0], [0], [1], [0, 0, 1, 1], [], []>, transpose_lhs_hint = false} : vector<512x128xf32>, vector<128x16xf32>, vector<512x16xf32> -> vector<512x16xf32>
    %exp3A = math.exp %dot_general3A_144 : vector<512x16xf32>
    %get3A_145 = arith.constant 0 : index
    %get3A_146 = arith.constant 0 : index
    %get3A_147 = vector.load %arg15[%get3A_145, %get3A_146] : memref<16x128xf32, #tpu.memory_space<vmem>>, vector<16x128xf32>
    %dot_general3A_148 = arith.constant dense<0.000000e+00> : vector<512x128xf32>
    %dot_general3A_149 = tpu.matmul %exp3A, %get3A_147, %dot_general3A_148 {dimension_numbers = #tpu.dot_dimension_numbers<[1], [0], [0], [1], [0, 0, 1, 1], [], []>, transpose_lhs_hint = false} : vector<512x16xf32>, vector<16x128xf32>, vector<512x128xf32> -> vector<512x128xf32>
    %swap3A = arith.constant 0 : index
    %swap3A_150 = arith.constant 0 : index
    %swap3A_151 = vector.load %arg17[%swap3A, %swap3A_150] : memref<512x128xf32, #tpu.memory_space<vmem>>, vector<512x128xf32>
    tpu.vector_store %arg17[%swap3A, %swap3A_150], %dot_general3A_149 {strides = array<i32>} : memref<512x128xf32, #tpu.memory_space<vmem>>, vector<512x128xf32>,
    %mul3A_152 = arith.mulf %slice3A_119, %dot_general3A_149 : vector<512x128xf32>
    %swap3A_153 = arith.constant 0 : index
    %swap3A_154 = arith.constant 0 : index
    %swap3A_155 = vector.load %arg16[%swap3A_153, %swap3A_154] : memref<512x128xf32, #tpu.memory_space<vmem>>, vector<512x128xf32>
    tpu.vector_store %arg16[%swap3A_153, %swap3A_154], %mul3A_152 {strides = array<i32>} : memref<512x128xf32, #tpu.memory_space<vmem>>, vector<512x128xf32>,
    return
  }
  func.func @transform_0(%arg0: i32) -> (i32, i32) {
    %c0_i32 = arith.constant 0 : i32
    %c0_i32_0 = arith.constant 0 : i32
    return %arg0, %c0_i32 : i32, i32
  }
  func.func @transform_1(%arg0: i32) -> (i32, i32) {
    %c0_i32 = arith.constant 0 : i32
    %c0_i32_0 = arith.constant 0 : i32
    return %arg0, %c0_i32 : i32, i32
  }
  func.func @transform_2(%arg0: i32) -> (i32, i32) {
    %c0_i32 = arith.constant 0 : i32
    %c0_i32_0 = arith.constant 0 : i32
    return %arg0, %c0_i32 : i32, i32
  }
  func.func @transform_3(%arg0: i32) -> (i32, i32) {
    %c0_i32 = arith.constant 0 : i32
    %c0_i32_0 = arith.constant 0 : i32
    %c0_i32_1 = arith.constant 0 : i32
    return %c0_i32, %c0_i32_0 : i32, i32
  }
  func.func @transform_4(%arg0: i32) -> (i32, i32) {
    %c0_i32 = arith.constant 0 : i32
    %c0_i32_0 = arith.constant 0 : i32
    %c0_i32_1 = arith.constant 0 : i32
    return %c0_i32, %c0_i32_0 : i32, i32
  }
  func.func @transform_5(%arg0: i32) -> (i32, i32) {
    %c0_i32 = arith.constant 0 : i32
    %c0_i32_0 = arith.constant 0 : i32
    %c0_i32_1 = arith.constant 0 : i32
    return %c0_i32, %c0_i32_0 : i32, i32
  }
  func.func @transform_6(%arg0: i32) -> (i32, i32) {
    %c0_i32 = arith.constant 0 : i32
    %c0_i32_0 = arith.constant 0 : i32
    %c0_i32_1 = arith.constant 0 : i32
    return %c0_i32, %c0_i32_0 : i32, i32
  }
  func.func @transform_7(%arg0: i32) -> (i32, i32) {
    %c0_i32 = arith.constant 0 : i32
    %c0_i32_0 = arith.constant 0 : i32
    %c0_i32_1 = arith.constant 0 : i32
    return %c0_i32, %c0_i32_0 : i32, i32
  }
  func.func @transform_8(%arg0: i32) -> (i32, i32) {
    %c0_i32 = arith.constant 0 : i32
    %c0_i32_0 = arith.constant 0 : i32
    %c0_i32_1 = arith.constant 0 : i32
    return %c0_i32, %c0_i32_0 : i32, i32
  }
  func.func @transform_9(%arg0: i32) -> (i32, i32) {
    %c0_i32 = arith.constant 0 : i32
    %c0_i32_0 = arith.constant 0 : i32
    %c0_i32_1 = arith.constant 0 : i32
    return %c0_i32, %c0_i32_0 : i32, i32
  }
  func.func @transform_10(%arg0: i32) -> (i32, i32) {
    %c0_i32 = arith.constant 0 : i32
    %c0_i32_0 = arith.constant 0 : i32
    %c0_i32_1 = arith.constant 0 : i32
    return %c0_i32, %c0_i32_0 : i32, i32
  }
  func.func @transform_11(%arg0: i32) -> (i32, i32) {
    %c0_i32 = arith.constant 0 : i32
    %c0_i32_0 = arith.constant 0 : i32
    %c0_i32_1 = arith.constant 0 : i32
    return %c0_i32, %c0_i32_0 : i32, i32
  }
  func.func @transform_12(%arg0: i32) -> (i32, i32) {
    %c0_i32 = arith.constant 0 : i32
    %c0_i32_0 = arith.constant 0 : i32
    %c0_i32_1 = arith.constant 0 : i32
    return %c0_i32, %c0_i32_0 : i32, i32
  }
  func.func @transform_13(%arg0: i32) -> (i32, i32) {
    %c0_i32 = arith.constant 0 : i32
    %c0_i32_0 = arith.constant 0 : i32
    %c0_i32_1 = arith.constant 0 : i32
    return %c0_i32, %c0_i32_0 : i32, i32
  }
  func.func @transform_14(%arg0: i32) -> (i32, i32) {
    %c0_i32 = arith.constant 0 : i32
    %c0_i32_0 = arith.constant 0 : i32
    %c0_i32_1 = arith.constant 0 : i32
    return %c0_i32, %c0_i32_0 : i32, i32
  }
  func.func @transform_15(%arg0: i32) -> (i32, i32) {
    %c0_i32 = arith.constant 0 : i32
    %c0_i32_0 = arith.constant 0 : i32
    return %arg0, %c0_i32 : i32, i32
  }
  func.func @transform_16(%arg0: i32) -> (i32, i32) {
    %c0_i32 = arith.constant 0 : i32
    %c0_i32_0 = arith.constant 0 : i32
    return %arg0, %c0_i32 : i32, i32
  }
}

module attributes {stable_mosaic.version = 14 : i64} {
  func.func @_final_body(%arg0: i32, %arg1: memref<1000x128xf32, #tpu.memory_space<vmem>>, %arg2: memref<1000x128xf32, #tpu.memory_space<vmem>>, %arg3: memref<128x128xf32, #tpu.memory_space<vmem>>, %arg4: memref<1x128xf32, #tpu.memory_space<vmem>>, %arg5: memref<1000x128xf32, #tpu.memory_space<vmem>>) attributes {dimension_semantics = [#tpu.dimension_semantics<arbitrary>], iteration_bounds = array<i64: 10>, scalar_prefetch = 0 : i64, scratch_operands = 0 : i64, tpu.core_type = #tpu.core_type<tc>, window_params = [{transform_indices = @transform_0, window_bounds = array<i64: 1000, 128>}, {transform_indices = @transform_1, window_bounds = array<i64: 1000, 128>}, {pipeline_mode = #tpu.pipeline_mode<synchronous>, transform_indices = @transform_2, window_bounds = array<i64: 128, 128>}, {pipeline_mode = #tpu.pipeline_mode<synchronous>, transform_indices = @transform_3, window_bounds = array<i64: 1, 128>}, {transform_indices = @transform_4, window_bounds = array<i64: 1000, 128>}]} {
    %get3A = arith.constant 0 : index
    %get3A_0 = arith.constant 0 : index
    %get3A_1 = vector.load %arg1[%get3A, %get3A_0] : memref<1000x128xf32, #tpu.memory_space<vmem>>, vector<1000x128xf32>
    %get3A_2 = arith.constant 0 : index
    %get3A_3 = arith.constant 0 : index
    %get3A_4 = vector.load %arg2[%get3A_2, %get3A_3] : memref<1000x128xf32, #tpu.memory_space<vmem>>, vector<1000x128xf32>
    %add3A = arith.constant 1.000000e-16 : f32
    %add3A_5 = vector.broadcast %add3A : f32 to vector<1000x128xf32>
    %add3A_6 = arith.addf %get3A_4, %add3A_5 : vector<1000x128xf32>
    %div3A = arith.divf %get3A_1, %add3A_6 : vector<1000x128xf32>
    %get3A_7 = arith.constant 0 : index
    %get3A_8 = arith.constant 0 : index
    %get3A_9 = vector.load %arg3[%get3A_7, %get3A_8] : memref<128x128xf32, #tpu.memory_space<vmem>>, vector<128x128xf32>
    %dot_general3A = arith.constant dense<0.000000e+00> : vector<1000x128xf32>
    %dot_general3A_10 = tpu.matmul %div3A, %get3A_9, %dot_general3A {dimension_numbers = #tpu.dot_dimension_numbers<[1], [0], [0], [1], [0, 0, 1, 1], [], []>, transpose_lhs_hint = false} : vector<1000x128xf32>, vector<128x128xf32>, vector<1000x128xf32> -> vector<1000x128xf32>
    %get3A_11 = arith.constant 0 : index
    %get3A_12 = arith.constant 0 : index
    %get3A_13 = vector.load %arg4[%get3A_11, %get3A_12] : memref<1x128xf32, #tpu.memory_space<vmem>>, vector<1x128xf32>
    %add3A_14 = vector.broadcast %get3A_13 : vector<1x128xf32> to vector<1000x128xf32>
    %add3A_15 = arith.addf %dot_general3A_10, %add3A_14 : vector<1000x128xf32>
    %swap3A = arith.constant 0 : index
    %swap3A_16 = arith.constant 0 : index
    %swap3A_17 = vector.load %arg5[%swap3A, %swap3A_16] : memref<1000x128xf32, #tpu.memory_space<vmem>>, vector<1000x128xf32>
    tpu.vector_store %arg5[%swap3A, %swap3A_16], %add3A_15 {strides = array<i32>} : memref<1000x128xf32, #tpu.memory_space<vmem>>, vector<1000x128xf32>,
    return
  }
  func.func @transform_0(%arg0: i32) -> (i32, i32) {
    %c0_i32 = arith.constant 0 : i32
    %c0_i32_0 = arith.constant 0 : i32
    return %arg0, %c0_i32 : i32, i32
  }
  func.func @transform_1(%arg0: i32) -> (i32, i32) {
    %c0_i32 = arith.constant 0 : i32
    %c0_i32_0 = arith.constant 0 : i32
    return %arg0, %c0_i32 : i32, i32
  }
  func.func @transform_2(%arg0: i32) -> (i32, i32) {
    %c0_i32 = arith.constant 0 : i32
    %c0_i32_0 = arith.constant 0 : i32
    %c0_i32_1 = arith.constant 0 : i32
    return %c0_i32, %c0_i32_0 : i32, i32
  }
  func.func @transform_3(%arg0: i32) -> (i32, i32) {
    %c0_i32 = arith.constant 0 : i32
    %c0_i32_0 = arith.constant 0 : i32
    %c0_i32_1 = arith.constant 0 : i32
    return %c0_i32, %c0_i32_0 : i32, i32
  }
  func.func @transform_4(%arg0: i32) -> (i32, i32) {
    %c0_i32 = arith.constant 0 : i32
    %c0_i32_0 = arith.constant 0 : i32
    return %arg0, %c0_i32 : i32, i32
  }
}

</mosaic_0001>

<sc_bundles>
// kernel: kernel.11.cloned.1.call-start
scs
__scs_entry_jumppad:
0x0: {  	(pc) =	sbr.rel $0x88, $3  }
0x1: {  	(tag) =	ssettag $0x0;
	lr =	simm.s32 $0x1  }
0x2: {  	[smem:$0x3F8B] =	sst lr;
	_ =	strace $0xD0000000  }
0x3: {  	_ = 	snop  }
0x4: {  	_ = 	snop  }
0x5: {  	_ = 	snop  }
0x6: {  	_ = 	snop  }
0x7: {  	_ = 	snop  }
__scs_overlays_trampoline_lowered:
0x8: {  	[smem:$0x3F9A] =	sst s0  }
0x9: {  	[smem:$0x3F9B] =	sst s1  }
0xa: {  	[smem:$0x3F9C] =	sst s2  }
0xb: {  	[smem:$0x3F9D] =	sst s3  }
0xc: {  	[smem:$0x3F9E] =	sst s4  }
0xd: {  	[smem:$0x3F9F] =	sst s5  }
0xe: {  	[smem:$0x3FA0] =	sst s6  }
0xf: {  	[smem:$0x3FA1] =	sst s7  }
0x10: {  	[smem:$0x3FA2] =	sst s8  }
0x11: {  	[smem:$0x3FA3] =	sst s9;
	s0 =	simm.s32 @!p0 $0x0  }
0x12: {  	s1 =	sld [smem:$0x3F89];
	s0 =	simm.s32 @p0 $0x1  }
0x13: {  	[smem:$0x3FA4] =	sst s0;
	s0 =	simm.s32 @!p1 $0x0  }
0x14: {  	s2 =	sld [smem:$0x3F88];
	s0 =	simm.s32 @p1 $0x1  }
0x15: {  	[smem:$0x3FA5] =	sst s0;
	s0 =	simm.s32 @!p2 $0x0  }
0x16: {  	s3 =	sld [smem:$0x3FDB];
	s0 =	simm.s32 @p2 $0x1  }
0x17: {  	s4 =	simm.s32 $0x1BF5;
	[smem:$0x3FA7] =	sst s0  }
0x18: {  	s0 =	sld [smem:$0x3F8A];
	_ =	swait.ge [sflag:s4], $0x0  }
0x19: {  	s7 =	sld [smem:$0x3F8B]  }
0x1a: {  	s8 =	sadd.s32 $0xFFFFE003, lr  }
0x1b: {  	s9 =	sadd.s32 $0xFFFFFEF7, lr;
	s5 =	simm.s32 $0xFFFFFFFF;
	p2 =	slt.u32 s8, $0xFFFFF086  }
0x1c: {  	p1 =	slt.u32 s9, $0xF7A;
	s5 =	simm.s32 @!p2 $0x0  }
0x1d: {  	s5 =	simm.s32 @p1 $0x1;
	p0 =	seq.s32 s7, s2  }
0x1e: {  	s7 =	smul.u32 @!p0 $0xF7A, s2;
	p2 =	seq.s32 @!p0 s5, $0x0  }
0x1f: {  	s9 =	smul.u32 $0xF7A, s1;
	s8 =	simm.s32 @!p0 $0x1BF5;
	p2 =	por !p2, p0  }
0x20: {  	[sflag:s8] =	ssyncset.s32 @!p0 $0xFFFFF086;
	s6 =	sadd.s32 @!p0 s3, s7;
	s7 =	simm.s32 @!p0 $0x108  }
0x21: {  	s3 =	sadd.s32 s3, s9;
	s6 =	sadd.s32 @!p0 $0x88, s6;
	s7 =	simm.s32 @p2 $0x1082  }
0x22: {  	[simem:s7], [sflag:s8] =	dma.local @!p0 [hbm:s6], $0xF7A  }
0x23: {  	s9 =	sor.u32 $0xD0000000, s2;
	s6 =	simm.s32 $0x108;
	_ =	swait.ge @!p0 [sflag:s8], $0x0  }
0x24: {  	s3 =	sadd.s32 $0x88, s3;
	s6 =	simm.s32 @!p1 $0x1082;
	[sflag:s4] =	ssyncset.s32 $0xFFFFF086  }
0x25: {  	[simem:s6], [sflag:s4] =	dma.local [hbm:s3], $0xF7A  }
0x26: {  	[smem:$0x3F8B] =	sst s1;
	(tag) =	ssettag s2;
	_ =	strace s9  }
0x27: {  	s1 =	sld [smem:$0x3F9B]  }
0x28: {  	s2 =	sld [smem:$0x3F9C]  }
0x29: {  	s4 =	sld [smem:$0x3F9E]  }
0x2a: {  	p0 =	seq.s32 s5, $0x0;
	s5 =	sld [smem:$0x3F9F]  }
0x2b: {  	s6 =	sld [smem:$0x3FA0]  }
0x2c: {  	s7 =	sld [smem:$0x3FA1]  }
0x2d: {  	s3 =	simm.s32 $0x108;
	s8 =	sld [smem:$0x3FA2]  }
0x2e: {  	s3 =	simm.s32 @!p0 $0x1082;
	s9 =	sld [smem:$0x3FA3]  }
0x2f: {  	lr =	sadd.s32 s0, s3;
	s0 =	sld [smem:$0x3F9A]  }
0x30: {  	s3 =	sld [smem:$0x3F9D]  }
0x31: {  	[smem:$0x3FA6] =	sst s10  }
0x32: {  	s10 =	sld [smem:$0x3FA4];
	_ =	sdelay $0x3  }
0x33: {  	p0 =	seq.s32 s10, $0x1;
	s10 =	sld [smem:$0x3FA6];
	_ =	sdelay $0x3  }
0x34: {  	[smem:$0x3FA6] =	sst s10  }
0x35: {  	s10 =	sld [smem:$0x3FA5];
	_ =	sdelay $0x3  }
0x36: {  	p1 =	seq.s32 s10, $0x1;
	s10 =	sld [smem:$0x3FA6];
	_ =	sdelay $0x3  }
0x37: {  	[smem:$0x3FA6] =	sst s10  }
0x38: {  	s10 =	sld [smem:$0x3FA7]  }
0x39: {  	_ = 	snop;
	(pc) =	sbr.ind lr, $3  }
0x3a: {  	_ = 	snop  }
0x3b: {  	_ = 	snop  }
0x3c: {  	p2 =	seq.s32 s10, $0x1;
	s10 =	sld [smem:$0x3FA6]  }
0x3d: {  	_ =	shalt  }
0x3e: {  	_ =	shalt  }
0x3f: {  	_ =	shalt  }
0x40: {  	_ =	shalt  }
0x41: {  	_ =	shalt  }
0x42: {  	_ =	shalt  }
0x43: {  	_ =	shalt  }
0x44: {  	_ =	shalt  }
0x45: {  	_ =	shalt  }
0x46: {  	_ =	shalt  }
0x47: {  	_ =	shalt  }
0x48: {  	_ =	shalt  }
0x49: {  	_ =	shalt  }
0x4a: {  	_ =	shalt  }
0x4b: {  	_ =	shalt  }
0x4c: {  	_ =	shalt  }
0x4d: {  	_ =	shalt  }
0x4e: {  	_ =	shalt  }
0x4f: {  	_ =	shalt  }
0x50: {  	_ =	shalt  }
0x51: {  	_ =	shalt  }
0x52: {  	_ =	shalt  }
0x53: {  	_ =	shalt  }
0x54: {  	_ =	shalt  }
0x55: {  	_ =	shalt  }
0x56: {  	_ =	shalt  }
0x57: {  	_ =	shalt  }
0x58: {  	_ =	shalt  }
0x59: {  	_ =	shalt  }
0x5a: {  	_ =	shalt  }
0x5b: {  	_ =	shalt  }
0x5c: {  	_ =	shalt  }
0x5d: {  	_ =	shalt  }
0x5e: {  	_ =	shalt  }
0x5f: {  	_ =	shalt  }
0x60: {  	_ =	shalt  }
0x61: {  	_ =	shalt  }
0x62: {  	_ =	shalt  }
0x63: {  	_ =	shalt  }
0x64: {  	_ =	shalt  }
0x65: {  	_ =	shalt  }
0x66: {  	_ =	shalt  }
0x67: {  	_ =	shalt  }
0x68: {  	_ =	shalt  }
0x69: {  	_ =	shalt  }
0x6a: {  	_ =	shalt  }
0x6b: {  	_ =	shalt  }
0x6c: {  	_ =	shalt  }
0x6d: {  	_ =	shalt  }
0x6e: {  	_ =	shalt  }
0x6f: {  	_ =	shalt  }
0x70: {  	_ =	shalt  }
0x71: {  	_ =	shalt  }
0x72: {  	_ =	shalt  }
0x73: {  	_ =	shalt  }
0x74: {  	_ =	shalt  }
0x75: {  	_ =	shalt  }
0x76: {  	_ =	shalt  }
0x77: {  	_ =	shalt  }
0x78: {  	_ =	shalt  }
0x79: {  	_ =	shalt  }
0x7a: {  	_ =	shalt  }
0x7b: {  	_ =	shalt  }
0x7c: {  	_ =	shalt  }
0x7d: {  	_ =	shalt  }
0x7e: {  	_ =	shalt  }
0x7f: {  	_ =	shalt  }
0x80: {  	_ =	shalt  }
0x81: {  	_ =	shalt  }
0x82: {  	_ =	shalt  }
0x83: {  	_ =	shalt  }
0x84: {  	_ =	shalt  }
0x85: {  	_ =	shalt  }
0x86: {  	_ =	shalt  }
0x87: {  	_ =	shalt  }
.Lfunc_end0:
.L_simem_size_0:
called_computation.1_lowered:
.L_overlay_start_0:
0x88: {  	s0 =	sld [smem:$0x3FD9]  }
0x89: {  	s1 =	sld [smem:$0x3FFE];
	_ =	sdelay $0x3  }
0x8a: {  	s0 =	sadd.s32 s1, s0  }
0x8b: {  	[smem:$0x3FB2] =	sst s0  }
0x8c: {  	_ = 	snop  }
0x8d: {  	(tm) =	ssettm $0x1  }
0x8e: {  	s15 =	sld [smem:$0x3FFB];
	_ =	sdelay $0x3  }
0x8f: {  	_ =	strace s15  }
0x90: {  	s0 =	sld [smem:$0x3FFC];
	_ =	sdelay $0x3  }
0x91: {  	_ =	strace s0  }
0x92: {  	s0 =	sld [smem:$0x3FFD];
	_ =	sdelay $0x3  }
0x93: {  	_ =	strace s0  }
0x94: {  	_ =	strace $0x8FFFFFFF  }
0x95: {  	s16 =	sld [smem:$0x3FDB];
	_ =	sdelay $0x1  }
0x96: {  	s17 =	simm.s32 $_scs_section_size  }
0x97: {  	s2 =	simm.s32 $_size__tile_overlayer_lowered;
	s3 =	simm.s32 $_tile_overlayer_lowered  }
0x98: {  	s20 =	simm.s32 $0x1BFF;
	s19 =	sshll.u32 s3, $0x1;
	s0 =	sadd.s32 s17, s16  }
0x99: {  	s4 =	simm.s32 $0x0;
	s18 =	sshll.u32 s2, $0x1;
	s2 =	sadd.s32 s19, s0  }
0x9a: {  	[timem:s4], [sflag:s20] =	dma.local [hbm:s2], s18  }
0x9b: {  	_ =	swait.ge [sflag:s20], s18  }
0x9c: {  	s1 =	ssub.s32 $0x0, s18;
	[sflag:s20] =	ssyncset.done $0x0  }
0x9d: {  	[sflag:s20] =	ssyncadd.s32 s1;
	_ =	sdelay $0x1  }
0x9e: {  	s21 =	simm.s32 $0x1B8B  }
0x9f: {  	_ =	swait.ge [sflag:s21], $0x1  }
0xa0: {  	[sflag:s21] =	ssyncset.done $0x0  }
0xa1: {  	s23 =	simm.s32 $0x1B8E;
	s22 =	sld [smem:$0x3FFE];
	[sflag:s21] =	ssyncadd.s32 $0xFFFFFFFF  }
0xa2: {  	s24 =	simm.s32 $execute0_lowered;
	[smem:$0x3FD2] =	sst s23  }
0xa3: {  	s2 =	sshll.u32 s24, $0x1;
	_ =	strace $0x80000049;
	[dreg:$0x1] =	wrdreg $0xFFFFFFFF  }
0xa4: {  	s25 =	simm.s32 $_size_execute0_lowered;
	s0 =	sadd.s32 s0, s2;
	[dreg:$0x0] =	wrdreg $0x0  }
0xa5: {  	s2 =	sshll.u32 s25, $0x1;
	[dreg:$0x2] =	wrdreg s0  }
0xa6: {  	[dreg:$0x3] =	wrdreg s2  }
0xa7: {  	[dreg:$0x4] =	wrdreg $0xC0  }
0xa8: {  	_ =	task [dreg:s4], $0x5FFFF  }
0xa9: {  	[dreg:$0x1] =	wrdreg $0xFFFFFFFF  }
0xaa: {  	[dreg:$0x0] =	wrdreg $0x60  }
0xab: {  	[dreg:$0x2] =	wrdreg s22  }
0xac: {  	[dreg:$0x3] =	wrdreg $0xB0000  }
0xad: {  	[dreg:$0x4] =	wrdreg $0x9  }
0xae: {  	_ =	task.clear_ibuf [dreg:s4], $0x5FFFF;
	_ =	strace $0x90000049  }
0xaf: {  	s26 =	simm.s32 $0x9;
	_ =	strace $0x8000004B  }
0xb0: {  	_ =	swait.ge [sflag:s26], $0x1  }
0xb1: {  	[sflag:s26] =	ssyncadd.s32 $0xFFFFFFFF  }
0xb2: {  	_ =	strace $0x9000004B  }
0xb3: {  	_ =	sfence  }
0xb4: {  	s28 =	sld [smem:$0x0];
	_ =	sdelay $0x1  }
0xb5: {  	s29 =	srdreg.scid  }
0xb6: {  	s30 =	sshll.u32 s29, $0xD;
	s31 =	sshrl.u32 s29, $0x2  }
0xb7: {  	s1 =	sand.u32 $0x1, s29;
	s2 =	sand.u32 $0x4000, s30;
	s0 =	sadd.s32 s31, s28  }
0xb8: {  	s1 =	sor.u32 s2, s1;
	s0 =	sshll.u32 s0, $0x11  }
0xb9: {  	s0 =	sor.u32 s0, s1  }
0xba: {  	s0 =	sadd.s32 $0x8F2B, s0  }
0xbb: {  	[sflag:s0] =	ssyncadd.remote.s32 $0x1  }
0xbc: {  	_ =	sfence.sel $0xFFFF  }
0xbd: {  	[dreg:$0x0] =	wrdreg $0xFFFFFFFF;
	(pc) =	sbr.abs _section_cstart, $3  }
0xbe: {  	[dreg:$0x1] =	wrdreg $0xFFFFFFFF  }
0xbf: {  	_ =	task.clear_ibuf [dreg:s4], $0x2FFFF;
	_ =	strace $0x9FFFFFFF  }
0xc0: {  	(tm) =	ssettm $0x7FFFFFFF  }
0xc1: {  	_ =	shalt  }
tec
execute0_lowered:
.L_overlay_start_1:
0x0: {  	(tag) =	ssettag $0x1  }
0x1: {  	s1 =	rddreg [dreg:$0x0]  }
0x2: {  	s3 =	rddreg [dreg:$0x1]  }
0x3: {  	s0 =	rddreg [dreg:$0x2];
	s2 =	simm.s32 $0x0  }
0x4: {  	s4 =	simm.s32 $0x200;
	[smem:$0x7FF] =	sst s2  }
0x5: {  	s6 =	simm.s32 $0x0;
	s8 =	sadd.s32 $0xEEA400, s1;
	s5 =	sadd.s32 $0x50D400, s1  }
0x6: {  	v0 =	vimm.f32 $0.0e+00;
	s2 =	sadd.s32 $0x4200, s1;
	s1 =	stileid.u32;
	_ =	strace $0x8000004A  }
.LBB2_1:
0x7: {  	p0 =	sne.s32 s4, $0x1E00;
	[tilespmem:s6+$0xA870] =	vst v0  }
0x8: {  	[tilespmem:s6+$0xA800] =	vst v0  }
0x9: {  	[tilespmem:s6+$0xA810] =	vst v0  }
.Ltmp0:
0xa: {  	[tilespmem:s6+$0xA820] =	vst v0;
	(pc) =	sbr.rel @p0 .LBB2_1-.Ltmp0, $4  }
0xb: {  	[tilespmem:s6+$0xA830] =	vst v0  }
0xc: {  	[tilespmem:s6+$0xA840] =	vst v0  }
0xd: {  	[tilespmem:s6+$0xA850] =	vst v0  }
0xe: {  	[tilespmem:s6+$0xA860] =	vst v0;
	s6 =	sshra.s32 s4, $0x2;
	s4 =	sadd.s32 $0x200, s4  }
0xf: {  	[tilespmem:s6+$0xA870] =	vst v0  }
0x10: {  	[tilespmem:s6+$0xA800] =	vst v0  }
0x11: {  	[tilespmem:s6+$0xA810] =	vst v0  }
0x12: {  	[tilespmem:s6+$0xA820] =	vst v0;
	s4 =	smul.u32 $0x50000, s1  }
0x13: {  	[tilespmem:s6+$0xA830] =	vst v0  }
0x14: {  	[tilespmem:s6+$0xA840] =	vst v0;
	s4 =	sshrl.u32 s4, $0x2  }
0x15: {  	[tilespmem:s6+$0xA850] =	vst v0;
	s4 =	sadd.s32 s4, s3  }
0x16: {  	[tilespmem:s6+$0xA860] =	vst v0;
	s7 =	simm.s32 $0xA800;
	s6 =	simm.s32 $0x3;
	s31 =	sadd.s32 $0x0, s4  }
0x17: {  	[spmem:s31] =	stream.linear.scatter [tilespmem:s7], [sflag:$0x3], $0x800, $0x38;
	[tilespmem:$0x1F000] =	vst v63  }
0x18: {  	s9 =	simm.s32 $0x2000;
	_ =	swait.ge [sflag:s6], $0x800  }
.LBB2_3:
0x19: {  	s10 =	sshra.s32 s9, $0x2;
	[sflag:s6] =	ssyncset.done $0x0;
	p0 =	sne.s32 s9, $0x4E000  }
.Ltmp1:
0x1a: {  	s10 =	sadd.s32 s10, s4;
	[sflag:s6] =	ssyncadd.s32 $0xFFFFF800;
	(pc) =	sbr.rel @p0 .LBB2_3-.Ltmp1, $3  }
0x1b: {  	[spmem:s10] =	stream.linear.scatter [tilespmem:s7], [sflag:$0x3], $0x800, $0x38;
	[tilespmem:$0x1F000] =	vst v63  }
0x1c: {  	s9 =	sadd.s32 $0x2000, s9;
	_ =	sdelay $0x1  }
0x1d: {  	_ =	swait.ge [sflag:s6], $0x800  }
0x1e: {  	[sflag:s6] =	ssyncset.done $0x0;
	s7 =	smul.u32 $0x1900, s1  }
0x1f: {  	s9 =	smul.u32 $0x4E200, s1;
	[sflag:s6] =	ssyncadd.s32 $0xFFFFF800;
	s6 =	simm.s32 $0x3  }
0x20: {  	[bflag:$0x0] =	sbarrier.arrive $0xFFFF;
	s5 =	sadd.s32 s7, s5;
	s7 =	simm.s32 $0x0  }
0x21: {  	[tilespmem:s7], [sflag:$0x3] =	stream.linear.gather [hbm4b:s5+s7], $0x500, $0x38;
	[tilespmem:$0x1F000] =	vst v63  }
0x22: {  	_ =	swait.ge [sflag:s6], $0x500  }
0x23: {  	s10 =	simm.s32 $0x1;
	s8 =	sadd.s32 s9, s8;
	[sflag:s6] =	ssyncset.done $0x0  }
0x24: {  	s9 =	simm.s32 $0x800;
	s21 =	sadd.s32 $0x0, s8;
	[sflag:s6] =	ssyncadd.s32 $0xFFFFFB00  }
0x25: {  	[tilespmem:s9], [sflag:$0x1] =	stream.linear.gather [hbm4b:s21+s7], $0x5000, $0x38;
	[tilespmem:$0x1F000] =	vst v63  }
0x26: {  	_ =	swait.ge [sflag:s10], $0x5000  }
0x27: {  	[sflag:s10] =	ssyncset.done $0x0  }
0x28: {  	s11 =	simm.s32 $0x5800;
	s12 =	sadd.s32 $0xA00, s21;
	[sflag:s10] =	ssyncadd.s32 $0xFFFFB000  }
0x29: {  	[tilespmem:s11], [sflag:$0x2] =	stream.linear.gather [hbm4b:s12+s7], $0x5000, $0x38;
	[tilespmem:$0x1F000] =	vst v63  }
0x2a: {  	s12 =	simm.s32 $0x50  }
0x2b: {  	[spmem:s3] =	stream.indirect.scatter.add.f32 [tilespmem:s9], [sflag:$0x3], $0x80, s7, s12, $0xb8;
	[tilespmem:$0x1F000] =	vst v63  }
0x2c: {  	_ =	swait.ge [sflag:s6], $0x2800  }
0x2d: {  	[sflag:s6] =	ssyncset.done $0x0  }
0x2e: {  	s13 =	simm.s32 $0x80;
	s14 =	simm.s32 $0x3000;
	[sflag:s6] =	ssyncadd.s32 $0xFFFFD800  }
0x2f: {  	[spmem:s3] =	stream.indirect.scatter.add.f32 [tilespmem:s14], [sflag:$0x3], $0x80, s13, s12, $0xb8;
	[tilespmem:$0x1F000] =	vst v63  }
0x30: {  	_ =	swait.ge [sflag:s6], $0x2800  }
0x31: {  	[sflag:s6] =	ssyncset.done $0x0  }
0x32: {  	s15 =	simm.s32 $0x2;
	[sflag:s6] =	ssyncadd.s32 $0xFFFFD800  }
0x33: {  	_ =	swait.ge [sflag:s15], $0x5000  }
0x34: {  	[sflag:s15] =	ssyncset.done $0x0  }
0x35: {  	s16 =	sadd.s32 $0x1400, s21;
	[sflag:s15] =	ssyncadd.s32 $0xFFFFB000  }
0x36: {  	[tilespmem:s9], [sflag:$0x1] =	stream.linear.gather [hbm4b:s16+s7], $0x5000, $0x38;
	[tilespmem:$0x1F000] =	vst v63  }
0x37: {  	s16 =	simm.s32 $0x100  }
0x38: {  	[spmem:s3] =	stream.indirect.scatter.add.f32 [tilespmem:s11], [sflag:$0x3], $0x80, s16, s12, $0xb8;
	[tilespmem:$0x1F000] =	vst v63  }
0x39: {  	_ =	swait.ge [sflag:s6], $0x2800  }
0x3a: {  	[sflag:s6] =	ssyncset.done $0x0  }
0x3b: {  	s17 =	simm.s32 $0x180;
	s18 =	simm.s32 $0x8000;
	[sflag:s6] =	ssyncadd.s32 $0xFFFFD800  }
0x3c: {  	[spmem:s3] =	stream.indirect.scatter.add.f32 [tilespmem:s18], [sflag:$0x3], $0x80, s17, s12, $0xb8;
	[tilespmem:$0x1F000] =	vst v63  }
0x3d: {  	_ =	swait.ge [sflag:s6], $0x2800  }
0x3e: {  	[sflag:s6] =	ssyncset.done $0x0  }
0x3f: {  	[sflag:s6] =	ssyncadd.s32 $0xFFFFD800  }
0x40: {  	_ =	swait.ge [sflag:s10], $0x5000  }
0x41: {  	[sflag:s10] =	ssyncset.done $0x0  }
0x42: {  	s19 =	sadd.s32 $0x1E00, s21;
	[sflag:s10] =	ssyncadd.s32 $0xFFFFB000  }
0x43: {  	[tilespmem:s11], [sflag:$0x2] =	stream.linear.gather [hbm4b:s19+s7], $0x5000, $0x38;
	[tilespmem:$0x1F000] =	vst v63  }
0x44: {  	s19 =	simm.s32 $0x200  }
0x45: {  	[spmem:s3] =	stream.indirect.scatter.add.f32 [tilespmem:s9], [sflag:$0x3], $0x80, s19, s12, $0xb8;
	[tilespmem:$0x1F000] =	vst v63  }
0x46: {  	_ =	swait.ge [sflag:s6], $0x2800  }
0x47: {  	[sflag:s6] =	ssyncset.done $0x0  }
0x48: {  	s20 =	simm.s32 $0x280;
	[sflag:s6] =	ssyncadd.s32 $0xFFFFD800  }
0x49: {  	[spmem:s3] =	stream.indirect.scatter.add.f32 [tilespmem:s14], [sflag:$0x3], $0x80, s20, s12, $0xb8;
	[tilespmem:$0x1F000] =	vst v63  }
0x4a: {  	_ =	swait.ge [sflag:s6], $0x2800  }
0x4b: {  	[sflag:s6] =	ssyncset.done $0x0  }
0x4c: {  	[sflag:s6] =	ssyncadd.s32 $0xFFFFD800  }
0x4d: {  	_ =	swait.ge [sflag:s15], $0x5000  }
0x4e: {  	[sflag:s15] =	ssyncset.done $0x0  }
0x4f: {  	s21 =	sadd.s32 $0x2800, s21;
	[sflag:s15] =	ssyncadd.s32 $0xFFFFB000  }
0x50: {  	[tilespmem:s9], [sflag:$0x1] =	stream.linear.gather [hbm4b:s21+s7], $0x5000, $0x38;
	[tilespmem:$0x1F000] =	vst v63  }
0x51: {  	s21 =	simm.s32 $0x300  }
0x52: {  	[spmem:s3] =	stream.indirect.scatter.add.f32 [tilespmem:s11], [sflag:$0x3], $0x80, s21, s12, $0xb8;
	[tilespmem:$0x1F000] =	vst v63  }
0x53: {  	_ =	swait.ge [sflag:s6], $0x2800  }
0x54: {  	[sflag:s6] =	ssyncset.done $0x0  }
0x55: {  	s22 =	simm.s32 $0x380;
	[sflag:s6] =	ssyncadd.s32 $0xFFFFD800  }
0x56: {  	[spmem:s3] =	stream.indirect.scatter.add.f32 [tilespmem:s18], [sflag:$0x3], $0x80, s22, s12, $0xb8;
	[tilespmem:$0x1F000] =	vst v63  }
0x57: {  	_ =	swait.ge [sflag:s6], $0x2800  }
0x58: {  	[sflag:s6] =	ssyncset.done $0x0  }
0x59: {  	[sflag:s6] =	ssyncadd.s32 $0xFFFFD800  }
0x5a: {  	_ =	swait.ge [sflag:s10], $0x5000  }
0x5b: {  	[sflag:s10] =	ssyncset.done $0x0  }
0x5c: {  	s23 =	simm.s32 $0x400;
	[sflag:s10] =	ssyncadd.s32 $0xFFFFB000  }
0x5d: {  	[spmem:s3] =	stream.indirect.scatter.add.f32 [tilespmem:s9], [sflag:$0x3], $0x80, s23, s12, $0xb8;
	[tilespmem:$0x1F000] =	vst v63  }
0x5e: {  	_ =	swait.ge [sflag:s6], $0x2800  }
0x5f: {  	[sflag:s6] =	ssyncset.done $0x0  }
0x60: {  	s24 =	simm.s32 $0x480;
	[sflag:s6] =	ssyncadd.s32 $0xFFFFD800  }
0x61: {  	[spmem:s3] =	stream.indirect.scatter.add.f32 [tilespmem:s14], [sflag:$0x3], $0x80, s24, s12, $0xb8;
	[tilespmem:$0x1F000] =	vst v63  }
0x62: {  	_ =	swait.ge [sflag:s6], $0x2800  }
0x63: {  	s25 =	simm.s32 $0x3200;
	[sflag:s6] =	ssyncset.done $0x0  }
.LBB2_5:
0x64: {  	p0 =	sne.s32 s25, $0x4B000;
	[sflag:s6] =	ssyncadd.s32 $0xFFFFD800;
	s5 =	sadd.s32 $0x100, s5  }
0x65: {  	[tilespmem:s7], [sflag:$0x3] =	stream.linear.gather [hbm4b:s5+s7], $0x500, $0x38;
	[tilespmem:$0x1F000] =	vst v63  }
0x66: {  	s26 =	smov.u32 s25;
	s25 =	sadd.s32 $0x3200, s25;
	_ =	swait.ge [sflag:s6], $0x500  }
0x67: {  	[sflag:s6] =	ssyncset.done $0x0  }
0x68: {  	s26 =	sadd.s32 s26, s8;
	[sflag:s6] =	ssyncadd.s32 $0xFFFFFB00  }
0x69: {  	[tilespmem:s9], [sflag:$0x1] =	stream.linear.gather [hbm4b:s26+s7], $0x5000, $0x38;
	[tilespmem:$0x1F000] =	vst v63  }
0x6a: {  	_ =	swait.ge [sflag:s10], $0x5000  }
0x6b: {  	[sflag:s10] =	ssyncset.done $0x0  }
0x6c: {  	s28 =	sadd.s32 $0xA00, s26;
	[sflag:s10] =	ssyncadd.s32 $0xFFFFB000  }
0x6d: {  	[tilespmem:s11], [sflag:$0x2] =	stream.linear.gather [hbm4b:s28+s7], $0x5000, $0x38;
	[tilespmem:$0x1F000] =	vst v63  }
0x6e: {  	_ = 	snop  }
0x6f: {  	[spmem:s3] =	stream.indirect.scatter.add.f32 [tilespmem:s9], [sflag:$0x3], $0x80, s7, s12, $0xb8;
	[tilespmem:$0x1F000] =	vst v63  }
0x70: {  	_ =	swait.ge [sflag:s6], $0x2800  }
0x71: {  	[sflag:s6] =	ssyncset.done $0x0  }
0x72: {  	[sflag:s6] =	ssyncadd.s32 $0xFFFFD800  }
0x73: {  	[spmem:s3] =	stream.indirect.scatter.add.f32 [tilespmem:s14], [sflag:$0x3], $0x80, s13, s12, $0xb8;
	[tilespmem:$0x1F000] =	vst v63  }
0x74: {  	_ =	swait.ge [sflag:s6], $0x2800  }
0x75: {  	[sflag:s6] =	ssyncset.done $0x0  }
0x76: {  	[sflag:s6] =	ssyncadd.s32 $0xFFFFD800  }
0x77: {  	_ =	swait.ge [sflag:s15], $0x5000  }
0x78: {  	[sflag:s15] =	ssyncset.done $0x0  }
0x79: {  	s28 =	sadd.s32 $0x1400, s26;
	[sflag:s15] =	ssyncadd.s32 $0xFFFFB000  }
0x7a: {  	[tilespmem:s9], [sflag:$0x1] =	stream.linear.gather [hbm4b:s28+s7], $0x5000, $0x38;
	[tilespmem:$0x1F000] =	vst v63  }
0x7b: {  	_ = 	snop  }
0x7c: {  	[spmem:s3] =	stream.indirect.scatter.add.f32 [tilespmem:s11], [sflag:$0x3], $0x80, s16, s12, $0xb8;
	[tilespmem:$0x1F000] =	vst v63  }
0x7d: {  	_ =	swait.ge [sflag:s6], $0x2800  }
0x7e: {  	[sflag:s6] =	ssyncset.done $0x0  }
0x7f: {  	[sflag:s6] =	ssyncadd.s32 $0xFFFFD800  }
0x80: {  	[spmem:s3] =	stream.indirect.scatter.add.f32 [tilespmem:s18], [sflag:$0x3], $0x80, s17, s12, $0xb8;
	[tilespmem:$0x1F000] =	vst v63  }
0x81: {  	_ =	swait.ge [sflag:s6], $0x2800  }
0x82: {  	[sflag:s6] =	ssyncset.done $0x0  }
0x83: {  	[sflag:s6] =	ssyncadd.s32 $0xFFFFD800  }
0x84: {  	_ =	swait.ge [sflag:s10], $0x5000  }
0x85: {  	[sflag:s10] =	ssyncset.done $0x0  }
0x86: {  	s28 =	sadd.s32 $0x1E00, s26;
	[sflag:s10] =	ssyncadd.s32 $0xFFFFB000  }
0x87: {  	[tilespmem:s11], [sflag:$0x2] =	stream.linear.gather [hbm4b:s28+s7], $0x5000, $0x38;
	[tilespmem:$0x1F000] =	vst v63  }
0x88: {  	_ = 	snop  }
0x89: {  	[spmem:s3] =	stream.indirect.scatter.add.f32 [tilespmem:s9], [sflag:$0x3], $0x80, s19, s12, $0xb8;
	[tilespmem:$0x1F000] =	vst v63  }
0x8a: {  	_ =	swait.ge [sflag:s6], $0x2800  }
0x8b: {  	[sflag:s6] =	ssyncset.done $0x0  }
0x8c: {  	[sflag:s6] =	ssyncadd.s32 $0xFFFFD800  }
0x8d: {  	[spmem:s3] =	stream.indirect.scatter.add.f32 [tilespmem:s14], [sflag:$0x3], $0x80, s20, s12, $0xb8;
	[tilespmem:$0x1F000] =	vst v63  }
0x8e: {  	_ =	swait.ge [sflag:s6], $0x2800  }
0x8f: {  	[sflag:s6] =	ssyncset.done $0x0  }
0x90: {  	[sflag:s6] =	ssyncadd.s32 $0xFFFFD800  }
0x91: {  	_ =	swait.ge [sflag:s15], $0x5000  }
0x92: {  	[sflag:s15] =	ssyncset.done $0x0  }
0x93: {  	s26 =	sadd.s32 $0x2800, s26;
	[sflag:s15] =	ssyncadd.s32 $0xFFFFB000  }
0x94: {  	[tilespmem:s9], [sflag:$0x1] =	stream.linear.gather [hbm4b:s26+s7], $0x5000, $0x38;
	[tilespmem:$0x1F000] =	vst v63  }
0x95: {  	_ = 	snop  }
0x96: {  	[spmem:s3] =	stream.indirect.scatter.add.f32 [tilespmem:s11], [sflag:$0x3], $0x80, s21, s12, $0xb8;
	[tilespmem:$0x1F000] =	vst v63  }
0x97: {  	_ =	swait.ge [sflag:s6], $0x2800  }
0x98: {  	[sflag:s6] =	ssyncset.done $0x0  }
0x99: {  	[sflag:s6] =	ssyncadd.s32 $0xFFFFD800  }
0x9a: {  	[spmem:s3] =	stream.indirect.scatter.add.f32 [tilespmem:s18], [sflag:$0x3], $0x80, s22, s12, $0xb8;
	[tilespmem:$0x1F000] =	vst v63  }
0x9b: {  	_ =	swait.ge [sflag:s6], $0x2800  }
0x9c: {  	[sflag:s6] =	ssyncset.done $0x0  }
0x9d: {  	[sflag:s6] =	ssyncadd.s32 $0xFFFFD800  }
0x9e: {  	_ =	swait.ge [sflag:s10], $0x5000  }
0x9f: {  	[sflag:s10] =	ssyncset.done $0x0  }
0xa0: {  	[sflag:s10] =	ssyncadd.s32 $0xFFFFB000  }
0xa1: {  	[spmem:s3] =	stream.indirect.scatter.add.f32 [tilespmem:s9], [sflag:$0x3], $0x80, s23, s12, $0xb8;
	[tilespmem:$0x1F000] =	vst v63  }
0xa2: {  	_ =	swait.ge [sflag:s6], $0x2800  }
.Ltmp2:
0xa3: {  	[sflag:s6] =	ssyncset.done $0x0;
	(pc) =	sbr.rel @p0 .LBB2_5-.Ltmp2, $4  }
0xa4: {  	[sflag:s6] =	ssyncadd.s32 $0xFFFFD800  }
0xa5: {  	[spmem:s3] =	stream.indirect.scatter.add.f32 [tilespmem:s14], [sflag:$0x3], $0x80, s24, s12, $0xb8;
	[tilespmem:$0x1F000] =	vst v63  }
0xa6: {  	_ =	swait.ge [sflag:s6], $0x2800  }
0xa7: {  	[sflag:s6] =	ssyncset.done $0x0  }
0xa8: {  	[sflag:s6] =	ssyncadd.s32 $0xFFFFD800;
	s31 =	smul.u32 $0x2800, s1  }
0xa9: {  	s5 =	simm.s32 $0xA800;
	s3 =	simm.s32 $0x3;
	[bflag:$0x0] =	sbarrier.arrive $0xFFFF  }
0xaa: {  	[tilespmem:s5], [sflag:$0x3] =	stream.linear.gather [spmem:s4], $0x800, $0x38;
	[tilespmem:$0x1F000] =	vst v63  }
0xab: {  	_ =	swait.ge [sflag:s3], $0x800  }
0xac: {  	s2 =	sadd.s32 s31, s2;
	[sflag:s3] =	ssyncset.done $0x0  }
0xad: {  	s6 =	simm.s32 $0x0;
	s7 =	sadd.s32 $0x0, s2;
	[sflag:s3] =	ssyncadd.s32 $0xFFFFF800  }
0xae: {  	[hbm4b:s7+s6] =	stream.linear.scatter [tilespmem:s5], [sflag:$0x3], $0x800, $0x38;
	[tilespmem:$0x1F000] =	vst v63  }
0xaf: {  	_ =	swait.ge [sflag:s3], $0x800  }
0xb0: {  	s7 =	simm.s32 $0x100;
	[sflag:s3] =	ssyncset.done $0x0  }
.LBB2_7:
0xb1: {  	p0 =	sne.s32 s7, $0x2700;
	[sflag:s3] =	ssyncadd.s32 $0xFFFFF800;
	s4 =	sadd.s32 $0x800, s4  }
0xb2: {  	[tilespmem:s5], [sflag:$0x3] =	stream.linear.gather [spmem:s4], $0x800, $0x38;
	[tilespmem:$0x1F000] =	vst v63  }
0xb3: {  	s8 =	smov.u32 s7;
	s7 =	sadd.s32 $0x100, s7;
	_ =	swait.ge [sflag:s3], $0x800  }
.Ltmp3:
0xb4: {  	[sflag:s3] =	ssyncset.done $0x0;
	(pc) =	sbr.rel @p0 .LBB2_7-.Ltmp3, $4  }
0xb5: {  	s8 =	sadd.s32 s8, s2;
	[sflag:s3] =	ssyncadd.s32 $0xFFFFF800  }
0xb6: {  	[hbm4b:s8+s6] =	stream.linear.scatter [tilespmem:s5], [sflag:$0x3], $0x800, $0x38;
	[tilespmem:$0x1F000] =	vst v63  }
0xb7: {  	_ =	swait.ge [sflag:s3], $0x800  }
0xb8: {  	[sflag:s3] =	ssyncset.done $0x0  }
0xb9: {  	[sflag:s3] =	ssyncadd.s32 $0xFFFFF800  }
0xba: {  	_ =	sfence.sel $0x180000  }
0xbb: {  	[bflag:$0x0] =	sbarrier.arrive $0xFFFF  }
0xbc: {  	p0 =	sne.s32 s1, $0x0;
	_ =	strace $0x9000004A  }
0xbd: {  	s0 =	sadd.s32 @!p0 $0x100000, s0;
	[bflag:$0x2] =	sbarrier.arrive $0xFFFF  }
0xbe: {  	[sflag:s0] =	ssyncadd.tile.s32 @!p0 $0x1;
	_ =	shalt  }
.Lfunc_end2:
_tile_overlayer_lowered:
.L_overlay_start_2:
0xbf: {  	(tag) =	ssettag $0x2  }
0xc0: {  	s0 =	rddreg [dreg:$0x0];
	s2 =	stileid.u32  }
0xc1: {  	s1 =	rddreg [dreg:$0x1];
	p0 =	sne.s32 s2, $0x0  }
0xc2: {  	s3 =	rddreg [dreg:$0x2];
	[bflag:$0x3] =	sbarrier.arrive $0xFFFF;
	s2 =	simm.s32 @!p0 $0x1C03  }
0xc3: {  	[timem:s3], [sflag:s2] =	dma.local @!p0 [hbm:s0], s1  }
0xc4: {  	s0 =	simm.s32 @!p0 $0x3  }
0xc5: {  	_ =	swait.ge @!p0 [sflag:s0], s1  }
0xc6: {  	s1 =	ssub.s32 @!p0 $0x0, s1;
	[sflag:s0] =	ssyncset.done @!p0 $0x0  }
0xc7: {  	[sflag:s0] =	ssyncadd.s32 @!p0 s1  }
0xc8: {  	[bflag:$0x3] =	sbarrier.arrive $0xFFFF  }
0xc9: {  	_ =	shalt  }

// kernel: kernel.14.cloned.1.call-start
scs
__scs_entry_jumppad:
0x0: {  	(pc) =	sbr.rel $0x88, $3  }
0x1: {  	(tag) =	ssettag $0x0;
	lr =	simm.s32 $0x1  }
0x2: {  	[smem:$0x3F8B] =	sst lr;
	_ =	strace $0xD0000000  }
0x3: {  	_ = 	snop  }
0x4: {  	_ = 	snop  }
0x5: {  	_ = 	snop  }
0x6: {  	_ = 	snop  }
0x7: {  	_ = 	snop  }
__scs_overlays_trampoline_lowered:
0x8: {  	[smem:$0x3F9A] =	sst s0  }
0x9: {  	[smem:$0x3F9B] =	sst s1  }
0xa: {  	[smem:$0x3F9C] =	sst s2  }
0xb: {  	[smem:$0x3F9D] =	sst s3  }
0xc: {  	[smem:$0x3F9E] =	sst s4  }
0xd: {  	[smem:$0x3F9F] =	sst s5  }
0xe: {  	[smem:$0x3FA0] =	sst s6  }
0xf: {  	[smem:$0x3FA1] =	sst s7  }
0x10: {  	[smem:$0x3FA2] =	sst s8  }
0x11: {  	[smem:$0x3FA3] =	sst s9;
	s0 =	simm.s32 @!p0 $0x0  }
0x12: {  	s1 =	sld [smem:$0x3F89];
	s0 =	simm.s32 @p0 $0x1  }
0x13: {  	[smem:$0x3FA4] =	sst s0;
	s0 =	simm.s32 @!p1 $0x0  }
0x14: {  	s2 =	sld [smem:$0x3F88];
	s0 =	simm.s32 @p1 $0x1  }
0x15: {  	[smem:$0x3FA5] =	sst s0;
	s0 =	simm.s32 @!p2 $0x0  }
0x16: {  	s3 =	sld [smem:$0x3FDB];
	s0 =	simm.s32 @p2 $0x1  }
0x17: {  	s4 =	simm.s32 $0x1BF5;
	[smem:$0x3FA7] =	sst s0  }
0x18: {  	s0 =	sld [smem:$0x3F8A];
	_ =	swait.ge [sflag:s4], $0x0  }
0x19: {  	s7 =	sld [smem:$0x3F8B]  }
0x1a: {  	s8 =	sadd.s32 $0xFFFFE003, lr  }
0x1b: {  	s9 =	sadd.s32 $0xFFFFFEF7, lr;
	s5 =	simm.s32 $0xFFFFFFFF;
	p2 =	slt.u32 s8, $0xFFFFF086  }
0x1c: {  	p1 =	slt.u32 s9, $0xF7A;
	s5 =	simm.s32 @!p2 $0x0  }
0x1d: {  	s5 =	simm.s32 @p1 $0x1;
	p0 =	seq.s32 s7, s2  }
0x1e: {  	s7 =	smul.u32 @!p0 $0xF7A, s2;
	p2 =	seq.s32 @!p0 s5, $0x0  }
0x1f: {  	s9 =	smul.u32 $0xF7A, s1;
	s8 =	simm.s32 @!p0 $0x1BF5;
	p2 =	por !p2, p0  }
0x20: {  	[sflag:s8] =	ssyncset.s32 @!p0 $0xFFFFF086;
	s6 =	sadd.s32 @!p0 s3, s7;
	s7 =	simm.s32 @!p0 $0x108  }
0x21: {  	s3 =	sadd.s32 s3, s9;
	s6 =	sadd.s32 @!p0 $0x88, s6;
	s7 =	simm.s32 @p2 $0x1082  }
0x22: {  	[simem:s7], [sflag:s8] =	dma.local @!p0 [hbm:s6], $0xF7A  }
0x23: {  	s9 =	sor.u32 $0xD0000000, s2;
	s6 =	simm.s32 $0x108;
	_ =	swait.ge @!p0 [sflag:s8], $0x0  }
0x24: {  	s3 =	sadd.s32 $0x88, s3;
	s6 =	simm.s32 @!p1 $0x1082;
	[sflag:s4] =	ssyncset.s32 $0xFFFFF086  }
0x25: {  	[simem:s6], [sflag:s4] =	dma.local [hbm:s3], $0xF7A  }
0x26: {  	[smem:$0x3F8B] =	sst s1;
	(tag) =	ssettag s2;
	_ =	strace s9  }
0x27: {  	s1 =	sld [smem:$0x3F9B]  }
0x28: {  	s2 =	sld [smem:$0x3F9C]  }
0x29: {  	s4 =	sld [smem:$0x3F9E]  }
0x2a: {  	p0 =	seq.s32 s5, $0x0;
	s5 =	sld [smem:$0x3F9F]  }
0x2b: {  	s6 =	sld [smem:$0x3FA0]  }
0x2c: {  	s7 =	sld [smem:$0x3FA1]  }
0x2d: {  	s3 =	simm.s32 $0x108;
	s8 =	sld [smem:$0x3FA2]  }
0x2e: {  	s3 =	simm.s32 @!p0 $0x1082;
	s9 =	sld [smem:$0x3FA3]  }
0x2f: {  	lr =	sadd.s32 s0, s3;
	s0 =	sld [smem:$0x3F9A]  }
0x30: {  	s3 =	sld [smem:$0x3F9D]  }
0x31: {  	[smem:$0x3FA6] =	sst s10  }
0x32: {  	s10 =	sld [smem:$0x3FA4];
	_ =	sdelay $0x3  }
0x33: {  	p0 =	seq.s32 s10, $0x1;
	s10 =	sld [smem:$0x3FA6];
	_ =	sdelay $0x3  }
0x34: {  	[smem:$0x3FA6] =	sst s10  }
0x35: {  	s10 =	sld [smem:$0x3FA5];
	_ =	sdelay $0x3  }
0x36: {  	p1 =	seq.s32 s10, $0x1;
	s10 =	sld [smem:$0x3FA6];
	_ =	sdelay $0x3  }
0x37: {  	[smem:$0x3FA6] =	sst s10  }
0x38: {  	s10 =	sld [smem:$0x3FA7]  }
0x39: {  	_ = 	snop;
	(pc) =	sbr.ind lr, $3  }
0x3a: {  	_ = 	snop  }
0x3b: {  	_ = 	snop  }
0x3c: {  	p2 =	seq.s32 s10, $0x1;
	s10 =	sld [smem:$0x3FA6]  }
0x3d: {  	_ =	shalt  }
0x3e: {  	_ =	shalt  }
0x3f: {  	_ =	shalt  }
0x40: {  	_ =	shalt  }
0x41: {  	_ =	shalt  }
0x42: {  	_ =	shalt  }
0x43: {  	_ =	shalt  }
0x44: {  	_ =	shalt  }
0x45: {  	_ =	shalt  }
0x46: {  	_ =	shalt  }
0x47: {  	_ =	shalt  }
0x48: {  	_ =	shalt  }
0x49: {  	_ =	shalt  }
0x4a: {  	_ =	shalt  }
0x4b: {  	_ =	shalt  }
0x4c: {  	_ =	shalt  }
0x4d: {  	_ =	shalt  }
0x4e: {  	_ =	shalt  }
0x4f: {  	_ =	shalt  }
0x50: {  	_ =	shalt  }
0x51: {  	_ =	shalt  }
0x52: {  	_ =	shalt  }
0x53: {  	_ =	shalt  }
0x54: {  	_ =	shalt  }
0x55: {  	_ =	shalt  }
0x56: {  	_ =	shalt  }
0x57: {  	_ =	shalt  }
0x58: {  	_ =	shalt  }
0x59: {  	_ =	shalt  }
0x5a: {  	_ =	shalt  }
0x5b: {  	_ =	shalt  }
0x5c: {  	_ =	shalt  }
0x5d: {  	_ =	shalt  }
0x5e: {  	_ =	shalt  }
0x5f: {  	_ =	shalt  }
0x60: {  	_ =	shalt  }
0x61: {  	_ =	shalt  }
0x62: {  	_ =	shalt  }
0x63: {  	_ =	shalt  }
0x64: {  	_ =	shalt  }
0x65: {  	_ =	shalt  }
0x66: {  	_ =	shalt  }
0x67: {  	_ =	shalt  }
0x68: {  	_ =	shalt  }
0x69: {  	_ =	shalt  }
0x6a: {  	_ =	shalt  }
0x6b: {  	_ =	shalt  }
0x6c: {  	_ =	shalt  }
0x6d: {  	_ =	shalt  }
0x6e: {  	_ =	shalt  }
0x6f: {  	_ =	shalt  }
0x70: {  	_ =	shalt  }
0x71: {  	_ =	shalt  }
0x72: {  	_ =	shalt  }
0x73: {  	_ =	shalt  }
0x74: {  	_ =	shalt  }
0x75: {  	_ =	shalt  }
0x76: {  	_ =	shalt  }
0x77: {  	_ =	shalt  }
0x78: {  	_ =	shalt  }
0x79: {  	_ =	shalt  }
0x7a: {  	_ =	shalt  }
0x7b: {  	_ =	shalt  }
0x7c: {  	_ =	shalt  }
0x7d: {  	_ =	shalt  }
0x7e: {  	_ =	shalt  }
0x7f: {  	_ =	shalt  }
0x80: {  	_ =	shalt  }
0x81: {  	_ =	shalt  }
0x82: {  	_ =	shalt  }
0x83: {  	_ =	shalt  }
0x84: {  	_ =	shalt  }
0x85: {  	_ =	shalt  }
0x86: {  	_ =	shalt  }
0x87: {  	_ =	shalt  }
.Lfunc_end0:
.L_simem_size_0:
called_computation.2_lowered:
.L_overlay_start_0:
0x88: {  	s0 =	sld [smem:$0x3FD9]  }
0x89: {  	s1 =	sld [smem:$0x3FFE];
	_ =	sdelay $0x3  }
0x8a: {  	s0 =	sadd.s32 s1, s0  }
0x8b: {  	[smem:$0x3FB2] =	sst s0  }
0x8c: {  	_ = 	snop  }
0x8d: {  	(tm) =	ssettm $0x1  }
0x8e: {  	s15 =	sld [smem:$0x3FFB];
	_ =	sdelay $0x3  }
0x8f: {  	_ =	strace s15  }
0x90: {  	s0 =	sld [smem:$0x3FFC];
	_ =	sdelay $0x3  }
0x91: {  	_ =	strace s0  }
0x92: {  	s0 =	sld [smem:$0x3FFD];
	_ =	sdelay $0x3  }
0x93: {  	_ =	strace s0  }
0x94: {  	_ =	strace $0x8FFFFFFF  }
0x95: {  	s16 =	sld [smem:$0x3FDB];
	_ =	sdelay $0x1  }
0x96: {  	s17 =	simm.s32 $_scs_section_size  }
0x97: {  	s2 =	simm.s32 $_size__tile_overlayer_lowered;
	s3 =	simm.s32 $_tile_overlayer_lowered  }
0x98: {  	s20 =	simm.s32 $0x1BFF;
	s19 =	sshll.u32 s3, $0x1;
	s0 =	sadd.s32 s17, s16  }
0x99: {  	s4 =	simm.s32 $0x0;
	s18 =	sshll.u32 s2, $0x1;
	s2 =	sadd.s32 s19, s0  }
0x9a: {  	[timem:s4], [sflag:s20] =	dma.local [hbm:s2], s18  }
0x9b: {  	_ =	swait.ge [sflag:s20], s18  }
0x9c: {  	s1 =	ssub.s32 $0x0, s18;
	[sflag:s20] =	ssyncset.done $0x0  }
0x9d: {  	[sflag:s20] =	ssyncadd.s32 s1;
	_ =	sdelay $0x1  }
0x9e: {  	s21 =	simm.s32 $0x1B8B  }
0x9f: {  	_ =	swait.ge [sflag:s21], $0x1  }
0xa0: {  	[sflag:s21] =	ssyncset.done $0x0  }
0xa1: {  	s23 =	simm.s32 $0x1B8E;
	s22 =	sld [smem:$0x3FFE];
	[sflag:s21] =	ssyncadd.s32 $0xFFFFFFFF  }
0xa2: {  	s24 =	simm.s32 $execute0_lowered;
	[smem:$0x3FD2] =	sst s23  }
0xa3: {  	s2 =	sshll.u32 s24, $0x1;
	_ =	strace $0x8000004C;
	[dreg:$0x1] =	wrdreg $0xFFFFFFFF  }
0xa4: {  	s25 =	simm.s32 $_size_execute0_lowered;
	s0 =	sadd.s32 s0, s2;
	[dreg:$0x0] =	wrdreg $0x0  }
0xa5: {  	s2 =	sshll.u32 s25, $0x1;
	[dreg:$0x2] =	wrdreg s0  }
0xa6: {  	[dreg:$0x3] =	wrdreg s2  }
0xa7: {  	[dreg:$0x4] =	wrdreg $0xC0  }
0xa8: {  	_ =	task [dreg:s4], $0x5FFFF  }
0xa9: {  	[dreg:$0x1] =	wrdreg $0xFFFFFFFF  }
0xaa: {  	[dreg:$0x0] =	wrdreg $0x60  }
0xab: {  	[dreg:$0x2] =	wrdreg s22  }
0xac: {  	[dreg:$0x3] =	wrdreg $0xB0000  }
0xad: {  	[dreg:$0x4] =	wrdreg $0xA  }
0xae: {  	_ =	task.clear_ibuf [dreg:s4], $0x5FFFF;
	_ =	strace $0x9000004C  }
0xaf: {  	s26 =	simm.s32 $0xA;
	_ =	strace $0x8000004E  }
0xb0: {  	_ =	swait.ge [sflag:s26], $0x1  }
0xb1: {  	[sflag:s26] =	ssyncadd.s32 $0xFFFFFFFF  }
0xb2: {  	_ =	strace $0x9000004E  }
0xb3: {  	_ =	sfence  }
0xb4: {  	s28 =	sld [smem:$0x0];
	_ =	sdelay $0x1  }
0xb5: {  	s29 =	srdreg.scid  }
0xb6: {  	s30 =	sshll.u32 s29, $0xD;
	s31 =	sshrl.u32 s29, $0x2  }
0xb7: {  	s1 =	sand.u32 $0x1, s29;
	s2 =	sand.u32 $0x4000, s30;
	s0 =	sadd.s32 s31, s28  }
0xb8: {  	s1 =	sor.u32 s2, s1;
	s0 =	sshll.u32 s0, $0x11  }
0xb9: {  	s0 =	sor.u32 s0, s1  }
0xba: {  	s0 =	sadd.s32 $0x8F2B, s0  }
0xbb: {  	[sflag:s0] =	ssyncadd.remote.s32 $0x1  }
0xbc: {  	_ =	sfence.sel $0xFFFF  }
0xbd: {  	[dreg:$0x0] =	wrdreg $0xFFFFFFFF;
	(pc) =	sbr.abs _section_cstart, $3  }
0xbe: {  	[dreg:$0x1] =	wrdreg $0xFFFFFFFF  }
0xbf: {  	_ =	task.clear_ibuf [dreg:s4], $0x2FFFF;
	_ =	strace $0x9FFFFFFF  }
0xc0: {  	(tm) =	ssettm $0x7FFFFFFF  }
0xc1: {  	_ =	shalt  }
tec
execute0_lowered:
.L_overlay_start_1:
0x0: {  	(tag) =	ssettag $0x1  }
0x1: {  	s1 =	rddreg [dreg:$0x0]  }
0x2: {  	s3 =	rddreg [dreg:$0x1]  }
0x3: {  	s0 =	rddreg [dreg:$0x2];
	s2 =	simm.s32 $0x0  }
0x4: {  	s4 =	simm.s32 $0x200;
	[smem:$0x7FF] =	sst s2  }
0x5: {  	s6 =	simm.s32 $0x0;
	s8 =	sadd.s32 $0x13CC400, s1;
	s5 =	sadd.s32 $0x50D400, s1  }
0x6: {  	v0 =	vimm.f32 $0.0e+00;
	s2 =	sadd.s32 $0x2C200, s1;
	s1 =	stileid.u32;
	_ =	strace $0x8000004D  }
.LBB2_1:
0x7: {  	p0 =	sne.s32 s4, $0x1E00;
	[tilespmem:s6+$0xA870] =	vst v0  }
0x8: {  	[tilespmem:s6+$0xA800] =	vst v0  }
0x9: {  	[tilespmem:s6+$0xA810] =	vst v0  }
.Ltmp0:
0xa: {  	[tilespmem:s6+$0xA820] =	vst v0;
	(pc) =	sbr.rel @p0 .LBB2_1-.Ltmp0, $4  }
0xb: {  	[tilespmem:s6+$0xA830] =	vst v0  }
0xc: {  	[tilespmem:s6+$0xA840] =	vst v0  }
0xd: {  	[tilespmem:s6+$0xA850] =	vst v0  }
0xe: {  	[tilespmem:s6+$0xA860] =	vst v0;
	s6 =	sshra.s32 s4, $0x2;
	s4 =	sadd.s32 $0x200, s4  }
0xf: {  	[tilespmem:s6+$0xA870] =	vst v0  }
0x10: {  	[tilespmem:s6+$0xA800] =	vst v0  }
0x11: {  	[tilespmem:s6+$0xA810] =	vst v0  }
0x12: {  	[tilespmem:s6+$0xA820] =	vst v0;
	s4 =	smul.u32 $0x50000, s1  }
0x13: {  	[tilespmem:s6+$0xA830] =	vst v0  }
0x14: {  	[tilespmem:s6+$0xA840] =	vst v0;
	s4 =	sshrl.u32 s4, $0x2  }
0x15: {  	[tilespmem:s6+$0xA850] =	vst v0;
	s4 =	sadd.s32 s4, s3  }
0x16: {  	[tilespmem:s6+$0xA860] =	vst v0;
	s7 =	simm.s32 $0xA800;
	s6 =	simm.s32 $0x3;
	s31 =	sadd.s32 $0x0, s4  }
0x17: {  	[spmem:s31] =	stream.linear.scatter [tilespmem:s7], [sflag:$0x3], $0x800, $0x38;
	[tilespmem:$0x1F000] =	vst v63  }
0x18: {  	s9 =	simm.s32 $0x2000;
	_ =	swait.ge [sflag:s6], $0x800  }
.LBB2_3:
0x19: {  	s10 =	sshra.s32 s9, $0x2;
	[sflag:s6] =	ssyncset.done $0x0;
	p0 =	sne.s32 s9, $0x4E000  }
.Ltmp1:
0x1a: {  	s10 =	sadd.s32 s10, s4;
	[sflag:s6] =	ssyncadd.s32 $0xFFFFF800;
	(pc) =	sbr.rel @p0 .LBB2_3-.Ltmp1, $3  }
0x1b: {  	[spmem:s10] =	stream.linear.scatter [tilespmem:s7], [sflag:$0x3], $0x800, $0x38;
	[tilespmem:$0x1F000] =	vst v63  }
0x1c: {  	s9 =	sadd.s32 $0x2000, s9;
	_ =	sdelay $0x1  }
0x1d: {  	_ =	swait.ge [sflag:s6], $0x800  }
0x1e: {  	[sflag:s6] =	ssyncset.done $0x0;
	s7 =	smul.u32 $0x1900, s1  }
0x1f: {  	s9 =	smul.u32 $0x4E200, s1;
	[sflag:s6] =	ssyncadd.s32 $0xFFFFF800;
	s6 =	simm.s32 $0x3  }
0x20: {  	[bflag:$0x0] =	sbarrier.arrive $0xFFFF;
	s5 =	sadd.s32 s7, s5;
	s7 =	simm.s32 $0x0  }
0x21: {  	[tilespmem:s7], [sflag:$0x3] =	stream.linear.gather [hbm4b:s5+s7], $0x500, $0x38;
	[tilespmem:$0x1F000] =	vst v63  }
0x22: {  	_ =	swait.ge [sflag:s6], $0x500  }
0x23: {  	s10 =	simm.s32 $0x1;
	s8 =	sadd.s32 s9, s8;
	[sflag:s6] =	ssyncset.done $0x0  }
0x24: {  	s9 =	simm.s32 $0x800;
	s21 =	sadd.s32 $0x0, s8;
	[sflag:s6] =	ssyncadd.s32 $0xFFFFFB00  }
0x25: {  	[tilespmem:s9], [sflag:$0x1] =	stream.linear.gather [hbm4b:s21+s7], $0x5000, $0x38;
	[tilespmem:$0x1F000] =	vst v63  }
0x26: {  	_ =	swait.ge [sflag:s10], $0x5000  }
0x27: {  	[sflag:s10] =	ssyncset.done $0x0  }
0x28: {  	s11 =	simm.s32 $0x5800;
	s12 =	sadd.s32 $0xA00, s21;
	[sflag:s10] =	ssyncadd.s32 $0xFFFFB000  }
0x29: {  	[tilespmem:s11], [sflag:$0x2] =	stream.linear.gather [hbm4b:s12+s7], $0x5000, $0x38;
	[tilespmem:$0x1F000] =	vst v63  }
0x2a: {  	s12 =	simm.s32 $0x50  }
0x2b: {  	[spmem:s3] =	stream.indirect.scatter.add.f32 [tilespmem:s9], [sflag:$0x3], $0x80, s7, s12, $0xb8;
	[tilespmem:$0x1F000] =	vst v63  }
0x2c: {  	_ =	swait.ge [sflag:s6], $0x2800  }
0x2d: {  	[sflag:s6] =	ssyncset.done $0x0  }
0x2e: {  	s13 =	simm.s32 $0x80;
	s14 =	simm.s32 $0x3000;
	[sflag:s6] =	ssyncadd.s32 $0xFFFFD800  }
0x2f: {  	[spmem:s3] =	stream.indirect.scatter.add.f32 [tilespmem:s14], [sflag:$0x3], $0x80, s13, s12, $0xb8;
	[tilespmem:$0x1F000] =	vst v63  }
0x30: {  	_ =	swait.ge [sflag:s6], $0x2800  }
0x31: {  	[sflag:s6] =	ssyncset.done $0x0  }
0x32: {  	s15 =	simm.s32 $0x2;
	[sflag:s6] =	ssyncadd.s32 $0xFFFFD800  }
0x33: {  	_ =	swait.ge [sflag:s15], $0x5000  }
0x34: {  	[sflag:s15] =	ssyncset.done $0x0  }
0x35: {  	s16 =	sadd.s32 $0x1400, s21;
	[sflag:s15] =	ssyncadd.s32 $0xFFFFB000  }
0x36: {  	[tilespmem:s9], [sflag:$0x1] =	stream.linear.gather [hbm4b:s16+s7], $0x5000, $0x38;
	[tilespmem:$0x1F000] =	vst v63  }
0x37: {  	s16 =	simm.s32 $0x100  }
0x38: {  	[spmem:s3] =	stream.indirect.scatter.add.f32 [tilespmem:s11], [sflag:$0x3], $0x80, s16, s12, $0xb8;
	[tilespmem:$0x1F000] =	vst v63  }
0x39: {  	_ =	swait.ge [sflag:s6], $0x2800  }
0x3a: {  	[sflag:s6] =	ssyncset.done $0x0  }
0x3b: {  	s17 =	simm.s32 $0x180;
	s18 =	simm.s32 $0x8000;
	[sflag:s6] =	ssyncadd.s32 $0xFFFFD800  }
0x3c: {  	[spmem:s3] =	stream.indirect.scatter.add.f32 [tilespmem:s18], [sflag:$0x3], $0x80, s17, s12, $0xb8;
	[tilespmem:$0x1F000] =	vst v63  }
0x3d: {  	_ =	swait.ge [sflag:s6], $0x2800  }
0x3e: {  	[sflag:s6] =	ssyncset.done $0x0  }
0x3f: {  	[sflag:s6] =	ssyncadd.s32 $0xFFFFD800  }
0x40: {  	_ =	swait.ge [sflag:s10], $0x5000  }
0x41: {  	[sflag:s10] =	ssyncset.done $0x0  }
0x42: {  	s19 =	sadd.s32 $0x1E00, s21;
	[sflag:s10] =	ssyncadd.s32 $0xFFFFB000  }
0x43: {  	[tilespmem:s11], [sflag:$0x2] =	stream.linear.gather [hbm4b:s19+s7], $0x5000, $0x38;
	[tilespmem:$0x1F000] =	vst v63  }
0x44: {  	s19 =	simm.s32 $0x200  }
0x45: {  	[spmem:s3] =	stream.indirect.scatter.add.f32 [tilespmem:s9], [sflag:$0x3], $0x80, s19, s12, $0xb8;
	[tilespmem:$0x1F000] =	vst v63  }
0x46: {  	_ =	swait.ge [sflag:s6], $0x2800  }
0x47: {  	[sflag:s6] =	ssyncset.done $0x0  }
0x48: {  	s20 =	simm.s32 $0x280;
	[sflag:s6] =	ssyncadd.s32 $0xFFFFD800  }
0x49: {  	[spmem:s3] =	stream.indirect.scatter.add.f32 [tilespmem:s14], [sflag:$0x3], $0x80, s20, s12, $0xb8;
	[tilespmem:$0x1F000] =	vst v63  }
0x4a: {  	_ =	swait.ge [sflag:s6], $0x2800  }
0x4b: {  	[sflag:s6] =	ssyncset.done $0x0  }
0x4c: {  	[sflag:s6] =	ssyncadd.s32 $0xFFFFD800  }
0x4d: {  	_ =	swait.ge [sflag:s15], $0x5000  }
0x4e: {  	[sflag:s15] =	ssyncset.done $0x0  }
0x4f: {  	s21 =	sadd.s32 $0x2800, s21;
	[sflag:s15] =	ssyncadd.s32 $0xFFFFB000  }
0x50: {  	[tilespmem:s9], [sflag:$0x1] =	stream.linear.gather [hbm4b:s21+s7], $0x5000, $0x38;
	[tilespmem:$0x1F000] =	vst v63  }
0x51: {  	s21 =	simm.s32 $0x300  }
0x52: {  	[spmem:s3] =	stream.indirect.scatter.add.f32 [tilespmem:s11], [sflag:$0x3], $0x80, s21, s12, $0xb8;
	[tilespmem:$0x1F000] =	vst v63  }
0x53: {  	_ =	swait.ge [sflag:s6], $0x2800  }
0x54: {  	[sflag:s6] =	ssyncset.done $0x0  }
0x55: {  	s22 =	simm.s32 $0x380;
	[sflag:s6] =	ssyncadd.s32 $0xFFFFD800  }
0x56: {  	[spmem:s3] =	stream.indirect.scatter.add.f32 [tilespmem:s18], [sflag:$0x3], $0x80, s22, s12, $0xb8;
	[tilespmem:$0x1F000] =	vst v63  }
0x57: {  	_ =	swait.ge [sflag:s6], $0x2800  }
0x58: {  	[sflag:s6] =	ssyncset.done $0x0  }
0x59: {  	[sflag:s6] =	ssyncadd.s32 $0xFFFFD800  }
0x5a: {  	_ =	swait.ge [sflag:s10], $0x5000  }
0x5b: {  	[sflag:s10] =	ssyncset.done $0x0  }
0x5c: {  	s23 =	simm.s32 $0x400;
	[sflag:s10] =	ssyncadd.s32 $0xFFFFB000  }
0x5d: {  	[spmem:s3] =	stream.indirect.scatter.add.f32 [tilespmem:s9], [sflag:$0x3], $0x80, s23, s12, $0xb8;
	[tilespmem:$0x1F000] =	vst v63  }
0x5e: {  	_ =	swait.ge [sflag:s6], $0x2800  }
0x5f: {  	[sflag:s6] =	ssyncset.done $0x0  }
0x60: {  	s24 =	simm.s32 $0x480;
	[sflag:s6] =	ssyncadd.s32 $0xFFFFD800  }
0x61: {  	[spmem:s3] =	stream.indirect.scatter.add.f32 [tilespmem:s14], [sflag:$0x3], $0x80, s24, s12, $0xb8;
	[tilespmem:$0x1F000] =	vst v63  }
0x62: {  	_ =	swait.ge [sflag:s6], $0x2800  }
0x63: {  	s25 =	simm.s32 $0x3200;
	[sflag:s6] =	ssyncset.done $0x0  }
.LBB2_5:
0x64: {  	p0 =	sne.s32 s25, $0x4B000;
	[sflag:s6] =	ssyncadd.s32 $0xFFFFD800;
	s5 =	sadd.s32 $0x100, s5  }
0x65: {  	[tilespmem:s7], [sflag:$0x3] =	stream.linear.gather [hbm4b:s5+s7], $0x500, $0x38;
	[tilespmem:$0x1F000] =	vst v63  }
0x66: {  	s26 =	smov.u32 s25;
	s25 =	sadd.s32 $0x3200, s25;
	_ =	swait.ge [sflag:s6], $0x500  }
0x67: {  	[sflag:s6] =	ssyncset.done $0x0  }
0x68: {  	s26 =	sadd.s32 s26, s8;
	[sflag:s6] =	ssyncadd.s32 $0xFFFFFB00  }
0x69: {  	[tilespmem:s9], [sflag:$0x1] =	stream.linear.gather [hbm4b:s26+s7], $0x5000, $0x38;
	[tilespmem:$0x1F000] =	vst v63  }
0x6a: {  	_ =	swait.ge [sflag:s10], $0x5000  }
0x6b: {  	[sflag:s10] =	ssyncset.done $0x0  }
0x6c: {  	s28 =	sadd.s32 $0xA00, s26;
	[sflag:s10] =	ssyncadd.s32 $0xFFFFB000  }
0x6d: {  	[tilespmem:s11], [sflag:$0x2] =	stream.linear.gather [hbm4b:s28+s7], $0x5000, $0x38;
	[tilespmem:$0x1F000] =	vst v63  }
0x6e: {  	_ = 	snop  }
0x6f: {  	[spmem:s3] =	stream.indirect.scatter.add.f32 [tilespmem:s9], [sflag:$0x3], $0x80, s7, s12, $0xb8;
	[tilespmem:$0x1F000] =	vst v63  }
0x70: {  	_ =	swait.ge [sflag:s6], $0x2800  }
0x71: {  	[sflag:s6] =	ssyncset.done $0x0  }
0x72: {  	[sflag:s6] =	ssyncadd.s32 $0xFFFFD800  }
0x73: {  	[spmem:s3] =	stream.indirect.scatter.add.f32 [tilespmem:s14], [sflag:$0x3], $0x80, s13, s12, $0xb8;
	[tilespmem:$0x1F000] =	vst v63  }
0x74: {  	_ =	swait.ge [sflag:s6], $0x2800  }
0x75: {  	[sflag:s6] =	ssyncset.done $0x0  }
0x76: {  	[sflag:s6] =	ssyncadd.s32 $0xFFFFD800  }
0x77: {  	_ =	swait.ge [sflag:s15], $0x5000  }
0x78: {  	[sflag:s15] =	ssyncset.done $0x0  }
0x79: {  	s28 =	sadd.s32 $0x1400, s26;
	[sflag:s15] =	ssyncadd.s32 $0xFFFFB000  }
0x7a: {  	[tilespmem:s9], [sflag:$0x1] =	stream.linear.gather [hbm4b:s28+s7], $0x5000, $0x38;
	[tilespmem:$0x1F000] =	vst v63  }
0x7b: {  	_ = 	snop  }
0x7c: {  	[spmem:s3] =	stream.indirect.scatter.add.f32 [tilespmem:s11], [sflag:$0x3], $0x80, s16, s12, $0xb8;
	[tilespmem:$0x1F000] =	vst v63  }
0x7d: {  	_ =	swait.ge [sflag:s6], $0x2800  }
0x7e: {  	[sflag:s6] =	ssyncset.done $0x0  }
0x7f: {  	[sflag:s6] =	ssyncadd.s32 $0xFFFFD800  }
0x80: {  	[spmem:s3] =	stream.indirect.scatter.add.f32 [tilespmem:s18], [sflag:$0x3], $0x80, s17, s12, $0xb8;
	[tilespmem:$0x1F000] =	vst v63  }
0x81: {  	_ =	swait.ge [sflag:s6], $0x2800  }
0x82: {  	[sflag:s6] =	ssyncset.done $0x0  }
0x83: {  	[sflag:s6] =	ssyncadd.s32 $0xFFFFD800  }
0x84: {  	_ =	swait.ge [sflag:s10], $0x5000  }
0x85: {  	[sflag:s10] =	ssyncset.done $0x0  }
0x86: {  	s28 =	sadd.s32 $0x1E00, s26;
	[sflag:s10] =	ssyncadd.s32 $0xFFFFB000  }
0x87: {  	[tilespmem:s11], [sflag:$0x2] =	stream.linear.gather [hbm4b:s28+s7], $0x5000, $0x38;
	[tilespmem:$0x1F000] =	vst v63  }
0x88: {  	_ = 	snop  }
0x89: {  	[spmem:s3] =	stream.indirect.scatter.add.f32 [tilespmem:s9], [sflag:$0x3], $0x80, s19, s12, $0xb8;
	[tilespmem:$0x1F000] =	vst v63  }
0x8a: {  	_ =	swait.ge [sflag:s6], $0x2800  }
0x8b: {  	[sflag:s6] =	ssyncset.done $0x0  }
0x8c: {  	[sflag:s6] =	ssyncadd.s32 $0xFFFFD800  }
0x8d: {  	[spmem:s3] =	stream.indirect.scatter.add.f32 [tilespmem:s14], [sflag:$0x3], $0x80, s20, s12, $0xb8;
	[tilespmem:$0x1F000] =	vst v63  }
0x8e: {  	_ =	swait.ge [sflag:s6], $0x2800  }
0x8f: {  	[sflag:s6] =	ssyncset.done $0x0  }
0x90: {  	[sflag:s6] =	ssyncadd.s32 $0xFFFFD800  }
0x91: {  	_ =	swait.ge [sflag:s15], $0x5000  }
0x92: {  	[sflag:s15] =	ssyncset.done $0x0  }
0x93: {  	s26 =	sadd.s32 $0x2800, s26;
	[sflag:s15] =	ssyncadd.s32 $0xFFFFB000  }
0x94: {  	[tilespmem:s9], [sflag:$0x1] =	stream.linear.gather [hbm4b:s26+s7], $0x5000, $0x38;
	[tilespmem:$0x1F000] =	vst v63  }
0x95: {  	_ = 	snop  }
0x96: {  	[spmem:s3] =	stream.indirect.scatter.add.f32 [tilespmem:s11], [sflag:$0x3], $0x80, s21, s12, $0xb8;
	[tilespmem:$0x1F000] =	vst v63  }
0x97: {  	_ =	swait.ge [sflag:s6], $0x2800  }
0x98: {  	[sflag:s6] =	ssyncset.done $0x0  }
0x99: {  	[sflag:s6] =	ssyncadd.s32 $0xFFFFD800  }
0x9a: {  	[spmem:s3] =	stream.indirect.scatter.add.f32 [tilespmem:s18], [sflag:$0x3], $0x80, s22, s12, $0xb8;
	[tilespmem:$0x1F000] =	vst v63  }
0x9b: {  	_ =	swait.ge [sflag:s6], $0x2800  }
0x9c: {  	[sflag:s6] =	ssyncset.done $0x0  }
0x9d: {  	[sflag:s6] =	ssyncadd.s32 $0xFFFFD800  }
0x9e: {  	_ =	swait.ge [sflag:s10], $0x5000  }
0x9f: {  	[sflag:s10] =	ssyncset.done $0x0  }
0xa0: {  	[sflag:s10] =	ssyncadd.s32 $0xFFFFB000  }
0xa1: {  	[spmem:s3] =	stream.indirect.scatter.add.f32 [tilespmem:s9], [sflag:$0x3], $0x80, s23, s12, $0xb8;
	[tilespmem:$0x1F000] =	vst v63  }
0xa2: {  	_ =	swait.ge [sflag:s6], $0x2800  }
.Ltmp2:
0xa3: {  	[sflag:s6] =	ssyncset.done $0x0;
	(pc) =	sbr.rel @p0 .LBB2_5-.Ltmp2, $4  }
0xa4: {  	[sflag:s6] =	ssyncadd.s32 $0xFFFFD800  }
0xa5: {  	[spmem:s3] =	stream.indirect.scatter.add.f32 [tilespmem:s14], [sflag:$0x3], $0x80, s24, s12, $0xb8;
	[tilespmem:$0x1F000] =	vst v63  }
0xa6: {  	_ =	swait.ge [sflag:s6], $0x2800  }
0xa7: {  	[sflag:s6] =	ssyncset.done $0x0  }
0xa8: {  	[sflag:s6] =	ssyncadd.s32 $0xFFFFD800;
	s31 =	smul.u32 $0x2800, s1  }
0xa9: {  	s5 =	simm.s32 $0xA800;
	s3 =	simm.s32 $0x3;
	[bflag:$0x0] =	sbarrier.arrive $0xFFFF  }
0xaa: {  	[tilespmem:s5], [sflag:$0x3] =	stream.linear.gather [spmem:s4], $0x800, $0x38;
	[tilespmem:$0x1F000] =	vst v63  }
0xab: {  	_ =	swait.ge [sflag:s3], $0x800  }
0xac: {  	s2 =	sadd.s32 s31, s2;
	[sflag:s3] =	ssyncset.done $0x0  }
0xad: {  	s6 =	simm.s32 $0x0;
	s7 =	sadd.s32 $0x0, s2;
	[sflag:s3] =	ssyncadd.s32 $0xFFFFF800  }
0xae: {  	[hbm4b:s7+s6] =	stream.linear.scatter [tilespmem:s5], [sflag:$0x3], $0x800, $0x38;
	[tilespmem:$0x1F000] =	vst v63  }
0xaf: {  	_ =	swait.ge [sflag:s3], $0x800  }
0xb0: {  	s7 =	simm.s32 $0x100;
	[sflag:s3] =	ssyncset.done $0x0  }
.LBB2_7:
0xb1: {  	p0 =	sne.s32 s7, $0x2700;
	[sflag:s3] =	ssyncadd.s32 $0xFFFFF800;
	s4 =	sadd.s32 $0x800, s4  }
0xb2: {  	[tilespmem:s5], [sflag:$0x3] =	stream.linear.gather [spmem:s4], $0x800, $0x38;
	[tilespmem:$0x1F000] =	vst v63  }
0xb3: {  	s8 =	smov.u32 s7;
	s7 =	sadd.s32 $0x100, s7;
	_ =	swait.ge [sflag:s3], $0x800  }
.Ltmp3:
0xb4: {  	[sflag:s3] =	ssyncset.done $0x0;
	(pc) =	sbr.rel @p0 .LBB2_7-.Ltmp3, $4  }
0xb5: {  	s8 =	sadd.s32 s8, s2;
	[sflag:s3] =	ssyncadd.s32 $0xFFFFF800  }
0xb6: {  	[hbm4b:s8+s6] =	stream.linear.scatter [tilespmem:s5], [sflag:$0x3], $0x800, $0x38;
	[tilespmem:$0x1F000] =	vst v63  }
0xb7: {  	_ =	swait.ge [sflag:s3], $0x800  }
0xb8: {  	[sflag:s3] =	ssyncset.done $0x0  }
0xb9: {  	[sflag:s3] =	ssyncadd.s32 $0xFFFFF800  }
0xba: {  	_ =	sfence.sel $0x180000  }
0xbb: {  	[bflag:$0x0] =	sbarrier.arrive $0xFFFF  }
0xbc: {  	p0 =	sne.s32 s1, $0x0;
	_ =	strace $0x9000004D  }
0xbd: {  	s0 =	sadd.s32 @!p0 $0x100000, s0;
	[bflag:$0x2] =	sbarrier.arrive $0xFFFF  }
0xbe: {  	[sflag:s0] =	ssyncadd.tile.s32 @!p0 $0x1;
	_ =	shalt  }
.Lfunc_end2:
_tile_overlayer_lowered:
.L_overlay_start_2:
0xbf: {  	(tag) =	ssettag $0x2  }
0xc0: {  	s0 =	rddreg [dreg:$0x0];
	s2 =	stileid.u32  }
0xc1: {  	s1 =	rddreg [dreg:$0x1];
	p0 =	sne.s32 s2, $0x0  }
0xc2: {  	s3 =	rddreg [dreg:$0x2];
	[bflag:$0x3] =	sbarrier.arrive $0xFFFF;
	s2 =	simm.s32 @!p0 $0x1C03  }
0xc3: {  	[timem:s3], [sflag:s2] =	dma.local @!p0 [hbm:s0], s1  }
0xc4: {  	s0 =	simm.s32 @!p0 $0x3  }
0xc5: {  	_ =	swait.ge @!p0 [sflag:s0], s1  }
0xc6: {  	s1 =	ssub.s32 @!p0 $0x0, s1;
	[sflag:s0] =	ssyncset.done @!p0 $0x0  }
0xc7: {  	[sflag:s0] =	ssyncadd.s32 @!p0 s1  }
0xc8: {  	[bflag:$0x3] =	sbarrier.arrive $0xFFFF  }
0xc9: {  	_ =	shalt  }

// kernel: kernel.8.cloned.1.call-start
scs
__scs_entry_jumppad:
0x0: {  	(pc) =	sbr.rel $0x88, $3  }
0x1: {  	(tag) =	ssettag $0x0;
	lr =	simm.s32 $0x1  }
0x2: {  	[smem:$0x3F8B] =	sst lr;
	_ =	strace $0xD0000000  }
0x3: {  	_ = 	snop  }
0x4: {  	_ = 	snop  }
0x5: {  	_ = 	snop  }
0x6: {  	_ = 	snop  }
0x7: {  	_ = 	snop  }
__scs_overlays_trampoline_lowered:
0x8: {  	[smem:$0x3F9A] =	sst s0  }
0x9: {  	[smem:$0x3F9B] =	sst s1  }
0xa: {  	[smem:$0x3F9C] =	sst s2  }
0xb: {  	[smem:$0x3F9D] =	sst s3  }
0xc: {  	[smem:$0x3F9E] =	sst s4  }
0xd: {  	[smem:$0x3F9F] =	sst s5  }
0xe: {  	[smem:$0x3FA0] =	sst s6  }
0xf: {  	[smem:$0x3FA1] =	sst s7  }
0x10: {  	[smem:$0x3FA2] =	sst s8  }
0x11: {  	[smem:$0x3FA3] =	sst s9;
	s0 =	simm.s32 @!p0 $0x0  }
0x12: {  	s1 =	sld [smem:$0x3F89];
	s0 =	simm.s32 @p0 $0x1  }
0x13: {  	[smem:$0x3FA4] =	sst s0;
	s0 =	simm.s32 @!p1 $0x0  }
0x14: {  	s2 =	sld [smem:$0x3F88];
	s0 =	simm.s32 @p1 $0x1  }
0x15: {  	[smem:$0x3FA5] =	sst s0;
	s0 =	simm.s32 @!p2 $0x0  }
0x16: {  	s3 =	sld [smem:$0x3FDB];
	s0 =	simm.s32 @p2 $0x1  }
0x17: {  	s4 =	simm.s32 $0x1BF5;
	[smem:$0x3FA7] =	sst s0  }
0x18: {  	s0 =	sld [smem:$0x3F8A];
	_ =	swait.ge [sflag:s4], $0x0  }
0x19: {  	s7 =	sld [smem:$0x3F8B]  }
0x1a: {  	s8 =	sadd.s32 $0xFFFFE003, lr  }
0x1b: {  	s9 =	sadd.s32 $0xFFFFFEF7, lr;
	s5 =	simm.s32 $0xFFFFFFFF;
	p2 =	slt.u32 s8, $0xFFFFF086  }
0x1c: {  	p1 =	slt.u32 s9, $0xF7A;
	s5 =	simm.s32 @!p2 $0x0  }
0x1d: {  	s5 =	simm.s32 @p1 $0x1;
	p0 =	seq.s32 s7, s2  }
0x1e: {  	s7 =	smul.u32 @!p0 $0xF7A, s2;
	p2 =	seq.s32 @!p0 s5, $0x0  }
0x1f: {  	s9 =	smul.u32 $0xF7A, s1;
	s8 =	simm.s32 @!p0 $0x1BF5;
	p2 =	por !p2, p0  }
0x20: {  	[sflag:s8] =	ssyncset.s32 @!p0 $0xFFFFF086;
	s6 =	sadd.s32 @!p0 s3, s7;
	s7 =	simm.s32 @!p0 $0x108  }
0x21: {  	s3 =	sadd.s32 s3, s9;
	s6 =	sadd.s32 @!p0 $0x88, s6;
	s7 =	simm.s32 @p2 $0x1082  }
0x22: {  	[simem:s7], [sflag:s8] =	dma.local @!p0 [hbm:s6], $0xF7A  }
0x23: {  	s9 =	sor.u32 $0xD0000000, s2;
	s6 =	simm.s32 $0x108;
	_ =	swait.ge @!p0 [sflag:s8], $0x0  }
0x24: {  	s3 =	sadd.s32 $0x88, s3;
	s6 =	simm.s32 @!p1 $0x1082;
	[sflag:s4] =	ssyncset.s32 $0xFFFFF086  }
0x25: {  	[simem:s6], [sflag:s4] =	dma.local [hbm:s3], $0xF7A  }
0x26: {  	[smem:$0x3F8B] =	sst s1;
	(tag) =	ssettag s2;
	_ =	strace s9  }
0x27: {  	s1 =	sld [smem:$0x3F9B]  }
0x28: {  	s2 =	sld [smem:$0x3F9C]  }
0x29: {  	s4 =	sld [smem:$0x3F9E]  }
0x2a: {  	p0 =	seq.s32 s5, $0x0;
	s5 =	sld [smem:$0x3F9F]  }
0x2b: {  	s6 =	sld [smem:$0x3FA0]  }
0x2c: {  	s7 =	sld [smem:$0x3FA1]  }
0x2d: {  	s3 =	simm.s32 $0x108;
	s8 =	sld [smem:$0x3FA2]  }
0x2e: {  	s3 =	simm.s32 @!p0 $0x1082;
	s9 =	sld [smem:$0x3FA3]  }
0x2f: {  	lr =	sadd.s32 s0, s3;
	s0 =	sld [smem:$0x3F9A]  }
0x30: {  	s3 =	sld [smem:$0x3F9D]  }
0x31: {  	[smem:$0x3FA6] =	sst s10  }
0x32: {  	s10 =	sld [smem:$0x3FA4];
	_ =	sdelay $0x3  }
0x33: {  	p0 =	seq.s32 s10, $0x1;
	s10 =	sld [smem:$0x3FA6];
	_ =	sdelay $0x3  }
0x34: {  	[smem:$0x3FA6] =	sst s10  }
0x35: {  	s10 =	sld [smem:$0x3FA5];
	_ =	sdelay $0x3  }
0x36: {  	p1 =	seq.s32 s10, $0x1;
	s10 =	sld [smem:$0x3FA6];
	_ =	sdelay $0x3  }
0x37: {  	[smem:$0x3FA6] =	sst s10  }
0x38: {  	s10 =	sld [smem:$0x3FA7]  }
0x39: {  	_ = 	snop;
	(pc) =	sbr.ind lr, $3  }
0x3a: {  	_ = 	snop  }
0x3b: {  	_ = 	snop  }
0x3c: {  	p2 =	seq.s32 s10, $0x1;
	s10 =	sld [smem:$0x3FA6]  }
0x3d: {  	_ =	shalt  }
0x3e: {  	_ =	shalt  }
0x3f: {  	_ =	shalt  }
0x40: {  	_ =	shalt  }
0x41: {  	_ =	shalt  }
0x42: {  	_ =	shalt  }
0x43: {  	_ =	shalt  }
0x44: {  	_ =	shalt  }
0x45: {  	_ =	shalt  }
0x46: {  	_ =	shalt  }
0x47: {  	_ =	shalt  }
0x48: {  	_ =	shalt  }
0x49: {  	_ =	shalt  }
0x4a: {  	_ =	shalt  }
0x4b: {  	_ =	shalt  }
0x4c: {  	_ =	shalt  }
0x4d: {  	_ =	shalt  }
0x4e: {  	_ =	shalt  }
0x4f: {  	_ =	shalt  }
0x50: {  	_ =	shalt  }
0x51: {  	_ =	shalt  }
0x52: {  	_ =	shalt  }
0x53: {  	_ =	shalt  }
0x54: {  	_ =	shalt  }
0x55: {  	_ =	shalt  }
0x56: {  	_ =	shalt  }
0x57: {  	_ =	shalt  }
0x58: {  	_ =	shalt  }
0x59: {  	_ =	shalt  }
0x5a: {  	_ =	shalt  }
0x5b: {  	_ =	shalt  }
0x5c: {  	_ =	shalt  }
0x5d: {  	_ =	shalt  }
0x5e: {  	_ =	shalt  }
0x5f: {  	_ =	shalt  }
0x60: {  	_ =	shalt  }
0x61: {  	_ =	shalt  }
0x62: {  	_ =	shalt  }
0x63: {  	_ =	shalt  }
0x64: {  	_ =	shalt  }
0x65: {  	_ =	shalt  }
0x66: {  	_ =	shalt  }
0x67: {  	_ =	shalt  }
0x68: {  	_ =	shalt  }
0x69: {  	_ =	shalt  }
0x6a: {  	_ =	shalt  }
0x6b: {  	_ =	shalt  }
0x6c: {  	_ =	shalt  }
0x6d: {  	_ =	shalt  }
0x6e: {  	_ =	shalt  }
0x6f: {  	_ =	shalt  }
0x70: {  	_ =	shalt  }
0x71: {  	_ =	shalt  }
0x72: {  	_ =	shalt  }
0x73: {  	_ =	shalt  }
0x74: {  	_ =	shalt  }
0x75: {  	_ =	shalt  }
0x76: {  	_ =	shalt  }
0x77: {  	_ =	shalt  }
0x78: {  	_ =	shalt  }
0x79: {  	_ =	shalt  }
0x7a: {  	_ =	shalt  }
0x7b: {  	_ =	shalt  }
0x7c: {  	_ =	shalt  }
0x7d: {  	_ =	shalt  }
0x7e: {  	_ =	shalt  }
0x7f: {  	_ =	shalt  }
0x80: {  	_ =	shalt  }
0x81: {  	_ =	shalt  }
0x82: {  	_ =	shalt  }
0x83: {  	_ =	shalt  }
0x84: {  	_ =	shalt  }
0x85: {  	_ =	shalt  }
0x86: {  	_ =	shalt  }
0x87: {  	_ =	shalt  }
.Lfunc_end0:
.L_simem_size_0:
called_computation_lowered:
.L_overlay_start_0:
0x88: {  	s2 =	sld [smem:$0x3FD9]  }
0x89: {  	s3 =	sld [smem:$0x3FFE];
	_ =	sdelay $0x1  }
0x8a: {  	s1 =	srdreg.scid  }
0x8b: {  	s0 =	sand.u32 $0x1, s1  }
0x8c: {  	s17 =	sshll.u32 s0, $0xA;
	s2 =	sadd.s32 s3, s2  }
0x8d: {  	s2 =	sadd.s32 s2, s17  }
0x8e: {  	[smem:$0x3FB2] =	sst s2  }
0x8f: {  	_ = 	snop  }
0x90: {  	s2 =	sld [smem:$0x3FC8]  }
0x91: {  	s18 =	sld [smem:$0x3FC7]  }
0x92: {  	s4 =	sld [smem:$0x3FD0];
	(tm) =	ssettm $0x1  }
0x93: {  	s5 =	sld [smem:$0x3FFB];
	_ =	sdelay $0x3  }
0x94: {  	_ =	strace s5  }
0x95: {  	s5 =	sld [smem:$0x3FFC];
	_ =	sdelay $0x3  }
0x96: {  	_ =	strace s5  }
0x97: {  	s5 =	sld [smem:$0x3FFD];
	_ =	sdelay $0x3  }
0x98: {  	_ =	strace s5  }
0x99: {  	_ =	strace $0x8FFFFFFF  }
0x9a: {  	s19 =	sld [smem:$0x3FDB];
	_ =	sdelay $0x1  }
0x9b: {  	s6 =	simm.s32 $_scs_section_size  }
0x9c: {  	s7 =	simm.s32 $_size__tile_overlayer_lowered;
	s8 =	simm.s32 $_tile_overlayer_lowered  }
0x9d: {  	s22 =	simm.s32 $0x1BFF;
	s21 =	sshll.u32 s8, $0x1;
	s5 =	sadd.s32 s6, s19  }
0x9e: {  	s9 =	simm.s32 $0x0;
	s20 =	sshll.u32 s7, $0x1;
	s7 =	sadd.s32 s21, s5  }
0x9f: {  	[timem:s9], [sflag:s22] =	dma.local [hbm:s7], s20  }
0xa0: {  	_ =	swait.ge [sflag:s22], s20  }
0xa1: {  	s6 =	ssub.s32 $0x0, s20;
	[sflag:s22] =	ssyncset.done $0x0  }
0xa2: {  	[sflag:s22] =	ssyncadd.s32 s6;
	_ =	sdelay $0x1  }
0xa3: {  	s23 =	simm.s32 $0x1B8B  }
0xa4: {  	_ =	swait.ge [sflag:s23], $0x1  }
0xa5: {  	[sflag:s23] =	ssyncset.done $0x0  }
0xa6: {  	s25 =	simm.s32 $0x1B8E;
	s24 =	sld [smem:$0x3FFE];
	[sflag:s23] =	ssyncadd.s32 $0xFFFFFFFF  }
0xa7: {  	s26 =	simm.s32 $execute0_lowered;
	[smem:$0x3FD2] =	sst s25  }
0xa8: {  	s7 =	sshll.u32 s26, $0x1;
	_ =	strace $0x80000046;
	[dreg:$0x1] =	wrdreg $0xFFFFFFFF  }
0xa9: {  	s28 =	simm.s32 $_size_execute0_lowered;
	s5 =	sadd.s32 s5, s7;
	[dreg:$0x0] =	wrdreg $0x0  }
0xaa: {  	s7 =	sshll.u32 s28, $0x1;
	[dreg:$0x2] =	wrdreg s5  }
0xab: {  	[dreg:$0x3] =	wrdreg s7  }
0xac: {  	[dreg:$0x4] =	wrdreg $0xC0  }
0xad: {  	_ =	task [dreg:s9], $0x5FFFF  }
0xae: {  	[dreg:$0x1] =	wrdreg $0xFFFFFFFF  }
0xaf: {  	[dreg:$0x0] =	wrdreg $0x60  }
0xb0: {  	[dreg:$0x2] =	wrdreg s4  }
0xb1: {  	[dreg:$0x3] =	wrdreg s24  }
0xb2: {  	[dreg:$0x4] =	wrdreg s2  }
0xb3: {  	[dreg:$0x5] =	wrdreg s18  }
0xb4: {  	[dreg:$0x6] =	wrdreg $0x9  }
0xb5: {  	_ =	task.clear_ibuf [dreg:s9], $0x7FFFF;
	_ =	strace $0x90000046  }
0xb6: {  	s29 =	simm.s32 $0x9;
	_ =	strace $0x80000048  }
0xb7: {  	_ =	swait.ge [sflag:s29], $0x1  }
0xb8: {  	[sflag:s29] =	ssyncadd.s32 $0xFFFFFFFF  }
0xb9: {  	_ =	strace $0x90000048  }
0xba: {  	_ =	sfence  }
0xbb: {  	s30 =	sld [smem:$0x0];
	_ =	sdelay $0x2  }
0xbc: {  	s31 =	sshll.u32 s1, $0xD;
	s1 =	sshrl.u32 s1, $0x2  }
0xbd: {  	s3 =	sand.u32 $0x4000, s31;
	s1 =	sadd.s32 s1, s30  }
0xbe: {  	s0 =	sor.u32 s3, s0;
	s1 =	sshll.u32 s1, $0x11  }
0xbf: {  	s0 =	sor.u32 s1, s0  }
0xc0: {  	s0 =	sadd.s32 $0x8F2B, s0  }
0xc1: {  	[sflag:s0] =	ssyncadd.remote.s32 $0x1  }
0xc2: {  	_ =	sfence.sel $0xFFFF  }
0xc3: {  	[dreg:$0x0] =	wrdreg $0xFFFFFFFF;
	(pc) =	sbr.abs _section_cstart, $3  }
0xc4: {  	[dreg:$0x1] =	wrdreg $0xFFFFFFFF  }
0xc5: {  	_ =	task.clear_ibuf [dreg:s9], $0x2FFFF;
	_ =	strace $0x9FFFFFFF  }
0xc6: {  	(tm) =	ssettm $0x7FFFFFFF  }
0xc7: {  	_ =	shalt  }
tec
execute0_lowered:
.L_overlay_start_1:
0x0: {  	(tag) =	ssettag $0x1  }
0x1: {  	s0 =	rddreg [dreg:$0x0]  }
0x2: {  	s6 =	rddreg [dreg:$0x1]  }
0x3: {  	s1 =	srdreg.scid;
	s7 =	rddreg [dreg:$0x2]  }
0x4: {  	s9 =	rddreg [dreg:$0x3];
	s2 =	stileid.u32  }
0x5: {  	s3 =	simm.s32 $0x0;
	s13 =	simm.s32 $0x50;
	s14 =	simm.s32 $0x4F00  }
0x6: {  	s15 =	simm.s32 $0x7700;
	s16 =	simm.s32 $0x1;
	s17 =	simm.s32 $0x2  }
0x7: {  	s18 =	simm.s32 $0x9F00;
	s19 =	simm.s32 $0xC700;
	s8 =	sand.u32 $0x1, s1  }
0x8: {  	s20 =	simm.s32 $0x3;
	s21 =	simm.s32 $0x4;
	s4 =	sshll.u32 s8, $0x4  }
0x9: {  	s22 =	simm.s32 $0x0;
	s1 =	rddreg [dreg:$0x4];
	s5 =	sor.u32 s2, s4  }
0xa: {  	[smem:$0x7FF] =	sst s3;
	s8 =	ssub.s32 $0x2, s8;
	s4 =	smul.u32 $0x2710, s5  }
0xb: {  	_ =	strace $0x80000047;
	s11 =	sshrl.u32 s8, $0x1;
	s10 =	smul.u32 $0x138800, s5  }
0xc: {  	s5 =	sadd.s32 $0x4200, s6;
	s6 =	sadd.s32 $0x2B400, s6;
	s12 =	sshrl.u32 s4, $0x3  }
0xd: {  	s11 =	ssub.s32 s8, s11;
	s10 =	sshrl.u32 s10, $0x3;
	s7 =	sadd.s32 s7, s12  }
0xe: {  	s10 =	sadd.s32 s6, s10;
	s8 =	sadd.s32 s9, s12;
	s12 =	simm.s32 $0x2780  }
0xf: {  	s9 =	sadd.s32 $0x26C00, s10;
	s10 =	smax.u32 s11, $0x1;
	s11 =	simm.s32 $0x5  }
.LBB2_1:
0x10: {  	[tilespmem:s3], [sflag:$0x5] =	stream.linear.gather [hbm4b:s7+s3], $0x2710, $0x38;
	[tilespmem:$0xEF00] =	vst v63  }
0x11: {  	_ =	swait.ge [sflag:s11], $0x2710  }
0x12: {  	[sflag:s11] =	ssyncset.done $0x0  }
0x13: {  	[sflag:s11] =	ssyncadd.s32 $0xFFFFD8F0  }
0x14: {  	[tilespmem:s12], [sflag:$0x5] =	stream.linear.gather [hbm4b:s8+s3], $0x2710, $0x38;
	[tilespmem:$0xEF00] =	vst v63  }
0x15: {  	_ =	swait.ge [sflag:s11], $0x2710  }
0x16: {  	[sflag:s11] =	ssyncset.done $0x0  }
0x17: {  	[sflag:s11] =	ssyncadd.s32 $0xFFFFD8F0  }
0x18: {  	[tilespmem:s14], [sflag:$0x1] =	stream.indirect.gather [hbm4b:s0+s13], $0x80, s3, s13, $0xb8;
	[tilespmem:$0xEF00] =	vst v63  }
0x19: {  	s23 =	simm.s32 $0x0  }
0x1a: {  	[tilespmem:s15], [sflag:$0x2] =	stream.indirect.gather [hbm4b:s5+s13], $0x80, s12, s13, $0xb8;
	[tilespmem:$0xEF00] =	vst v63  }
.LBB2_2:
0x1b: {  	_ =	swait.ge [sflag:s16], $0x2800  }
0x1c: {  	[sflag:s16] =	ssyncset.done $0x0  }
0x1d: {  	[sflag:s16] =	ssyncadd.s32 $0xFFFFD800  }
0x1e: {  	s25 =	smul.u32 $0xA0, s23;
	_ =	swait.ge [sflag:s17], $0x2800  }
0x1f: {  	[sflag:s17] =	ssyncset.done $0x0  }
0x20: {  	s24 =	sadd.s32 $0x50, s25;
	[sflag:s17] =	ssyncadd.s32 $0xFFFFD800  }
0x21: {  	[tilespmem:s18], [sflag:$0x3] =	stream.indirect.gather [hbm4b:s0+s13], $0x80, s24, s13, $0xb8;
	[tilespmem:$0xEF00] =	vst v63  }
0x22: {  	s26 =	sadd.s32 $0x27D0, s25  }
0x23: {  	[tilespmem:s19], [sflag:$0x4] =	stream.indirect.gather [hbm4b:s5+s13], $0x80, s26, s13, $0xb8;
	[tilespmem:$0xEF00] =	vst v63  }
0x24: {  	s26 =	simm.s32 $0x0  }
0x25: {  	v7 =	vld [tilespmem:s26+$0x7700]  }
0x26: {  	v11 =	vld [tilespmem:s26+$0x7710]  }
0x27: {  	v5 =	vld [tilespmem:s26+$0x7720]  }
0x28: {  	v4 =	vld [tilespmem:s26+$0x7730]  }
0x29: {  	v3 =	vld [tilespmem:s26+$0x7740]  }
0x2a: {  	v2 =	vld [tilespmem:s26+$0x7750]  }
0x2b: {  	v1 =	vld [tilespmem:s26+$0x7760]  }
0x2c: {  	v0 =	vld [tilespmem:s26+$0x7770]  }
0x2d: {  	v12 =	vld [tilespmem:s26+$0x4F00]  }
0x2e: {  	v13 =	vld [tilespmem:s26+$0x4F10]  }
0x2f: {  	v10 =	vld [tilespmem:s26+$0x4F20]  }
0x30: {  	v9 =	vld [tilespmem:s26+$0x4F30]  }
0x31: {  	v8 =	vld [tilespmem:s26+$0x4F40]  }
0x32: {  	v6 =	vld [tilespmem:s26+$0x4F50];
	v12 =	vadd.f32 v7, v12  }
0x33: {  	s28 =	simm.s32 $0x200;
	v11 =	vadd.f32 v11, v13;
	v7 =	vld [tilespmem:s26+$0x4F60]  }
.LBB2_3:
0x34: {  	s29 =	sshra.s32 s28, $0x2;
	p0 =	sne.s32 s28, $0x9E00;
	[tilespmem:s26+$0x4F00] =	vst v12;
	v5 =	vadd.f32 v5, v10;
	v10 =	vld [tilespmem:s26+$0x4F70]  }
0x35: {  	v12 =	vld [tilespmem:s29+$0x7700];
	[tilespmem:s26+$0x4F10] =	vst v11;
	v4 =	vadd.f32 v4, v9  }
0x36: {  	v11 =	vld [tilespmem:s29+$0x7710];
	[tilespmem:s26+$0x4F20] =	vst v5;
	v3 =	vadd.f32 v3, v8  }
0x37: {  	v5 =	vld [tilespmem:s29+$0x7720];
	[tilespmem:s26+$0x4F30] =	vst v4;
	v2 =	vadd.f32 v2, v6  }
0x38: {  	v4 =	vld [tilespmem:s29+$0x7730];
	[tilespmem:s26+$0x4F40] =	vst v3;
	v1 =	vadd.f32 v1, v7  }
0x39: {  	v3 =	vld [tilespmem:s29+$0x7740];
	[tilespmem:s26+$0x4F50] =	vst v2;
	v0 =	vadd.f32 v0, v10  }
0x3a: {  	v2 =	vld [tilespmem:s29+$0x7750];
	[tilespmem:s26+$0x4F60] =	vst v1  }
0x3b: {  	v1 =	vld [tilespmem:s29+$0x7760];
	[tilespmem:s26+$0x4F70] =	vst v0;
	s26 =	smov.u32 s29  }
0x3c: {  	v0 =	vld [tilespmem:s26+$0x7770]  }
0x3d: {  	v6 =	vld [tilespmem:s26+$0x4F00]  }
0x3e: {  	v7 =	vld [tilespmem:s26+$0x4F10]  }
.Ltmp0:
0x3f: {  	v10 =	vld [tilespmem:s26+$0x4F20];
	(pc) =	sbr.rel @p0 .LBB2_3-.Ltmp0, $4  }
0x40: {  	v9 =	vld [tilespmem:s26+$0x4F30]  }
0x41: {  	v8 =	vld [tilespmem:s26+$0x4F40]  }
0x42: {  	v12 =	vadd.f32 v12, v6;
	v6 =	vld [tilespmem:s26+$0x4F50]  }
0x43: {  	s28 =	sadd.s32 $0x200, s28;
	v11 =	vadd.f32 v11, v7;
	v7 =	vld [tilespmem:s26+$0x4F60]  }
0x44: {  	[tilespmem:s26+$0x4F00] =	vst v12;
	v5 =	vadd.f32 v5, v10;
	v10 =	vld [tilespmem:s26+$0x4F70]  }
0x45: {  	[tilespmem:s26+$0x4F10] =	vst v11;
	v4 =	vadd.f32 v4, v9  }
0x46: {  	[tilespmem:s26+$0x4F20] =	vst v5;
	v3 =	vadd.f32 v3, v8  }
0x47: {  	[tilespmem:s26+$0x4F30] =	vst v4;
	v2 =	vadd.f32 v2, v6  }
0x48: {  	[tilespmem:s26+$0x4F40] =	vst v3;
	v1 =	vadd.f32 v1, v7  }
0x49: {  	s28 =	sadd.s32 s4, s25;
	[tilespmem:s26+$0x4F50] =	vst v2;
	v0 =	vadd.f32 v0, v10  }
0x4a: {  	s28 =	sshll.u32 s28, $0x4;
	[tilespmem:s26+$0x4F60] =	vst v1  }
0x4b: {  	s29 =	simm.s32 $0x0;
	s31 =	sadd.s32 s6, s28;
	[tilespmem:s26+$0x4F70] =	vst v0  }
0x4c: {  	[hbm4b:s31+s29] =	stream.linear.scatter [tilespmem:s14], [sflag:$0x5], $0x2800, $0x38;
	[tilespmem:$0xEF00] =	vst v63  }
0x4d: {  	_ =	swait.ge [sflag:s11], $0x2800  }
0x4e: {  	[sflag:s11] =	ssyncset.done $0x0  }
0x4f: {  	[sflag:s11] =	ssyncadd.s32 $0xFFFFD800  }
0x50: {  	_ =	swait.ge [sflag:s20], $0x2800  }
0x51: {  	[sflag:s20] =	ssyncset.done $0x0  }
0x52: {  	[sflag:s20] =	ssyncadd.s32 $0xFFFFD800  }
0x53: {  	_ =	swait.ge [sflag:s21], $0x2800  }
0x54: {  	[sflag:s21] =	ssyncset.done $0x0  }
0x55: {  	s30 =	sadd.s32 $0xA0, s25;
	[sflag:s21] =	ssyncadd.s32 $0xFFFFD800  }
0x56: {  	[tilespmem:s14], [sflag:$0x1] =	stream.indirect.gather [hbm4b:s0+s13], $0x80, s30, s13, $0xb8;
	[tilespmem:$0xEF00] =	vst v63  }
0x57: {  	s31 =	sadd.s32 $0x2820, s25;
	s25 =	simm.s32 $0x0  }
0x58: {  	[tilespmem:s15], [sflag:$0x2] =	stream.indirect.gather [hbm4b:s5+s13], $0x80, s31, s13, $0xb8;
	[tilespmem:$0xEF00] =	vst v63  }
0x59: {  	v7 =	vld [tilespmem:s25+$0xC700]  }
0x5a: {  	v11 =	vld [tilespmem:s25+$0xC710]  }
0x5b: {  	v5 =	vld [tilespmem:s25+$0xC720]  }
0x5c: {  	v4 =	vld [tilespmem:s25+$0xC730]  }
0x5d: {  	v3 =	vld [tilespmem:s25+$0xC740]  }
0x5e: {  	v2 =	vld [tilespmem:s25+$0xC750]  }
0x5f: {  	v1 =	vld [tilespmem:s25+$0xC760]  }
0x60: {  	v0 =	vld [tilespmem:s25+$0xC770]  }
0x61: {  	v12 =	vld [tilespmem:s25+$0x9F00]  }
0x62: {  	v13 =	vld [tilespmem:s25+$0x9F10]  }
0x63: {  	v10 =	vld [tilespmem:s25+$0x9F20]  }
0x64: {  	v9 =	vld [tilespmem:s25+$0x9F30]  }
0x65: {  	v8 =	vld [tilespmem:s25+$0x9F40]  }
0x66: {  	v6 =	vld [tilespmem:s25+$0x9F50];
	v12 =	vadd.f32 v7, v12  }
0x67: {  	s26 =	simm.s32 $0x200;
	v11 =	vadd.f32 v11, v13;
	v7 =	vld [tilespmem:s25+$0x9F60]  }
.LBB2_5:
0x68: {  	s28 =	sshra.s32 s26, $0x2;
	p0 =	sne.s32 s26, $0x9E00;
	[tilespmem:s25+$0x9F00] =	vst v12;
	v5 =	vadd.f32 v5, v10;
	v10 =	vld [tilespmem:s25+$0x9F70]  }
0x69: {  	v12 =	vld [tilespmem:s28+$0xC700];
	[tilespmem:s25+$0x9F10] =	vst v11;
	v4 =	vadd.f32 v4, v9  }
0x6a: {  	v11 =	vld [tilespmem:s28+$0xC710];
	[tilespmem:s25+$0x9F20] =	vst v5;
	v3 =	vadd.f32 v3, v8  }
0x6b: {  	v5 =	vld [tilespmem:s28+$0xC720];
	[tilespmem:s25+$0x9F30] =	vst v4;
	v2 =	vadd.f32 v2, v6  }
0x6c: {  	v4 =	vld [tilespmem:s28+$0xC730];
	[tilespmem:s25+$0x9F40] =	vst v3;
	v1 =	vadd.f32 v1, v7  }
0x6d: {  	v3 =	vld [tilespmem:s28+$0xC740];
	[tilespmem:s25+$0x9F50] =	vst v2;
	v0 =	vadd.f32 v0, v10  }
0x6e: {  	v2 =	vld [tilespmem:s28+$0xC750];
	[tilespmem:s25+$0x9F60] =	vst v1  }
0x6f: {  	v1 =	vld [tilespmem:s28+$0xC760];
	[tilespmem:s25+$0x9F70] =	vst v0;
	s25 =	smov.u32 s28  }
0x70: {  	v0 =	vld [tilespmem:s25+$0xC770]  }
0x71: {  	v6 =	vld [tilespmem:s25+$0x9F00]  }
0x72: {  	v7 =	vld [tilespmem:s25+$0x9F10]  }
.Ltmp1:
0x73: {  	v10 =	vld [tilespmem:s25+$0x9F20];
	(pc) =	sbr.rel @p0 .LBB2_5-.Ltmp1, $4  }
0x74: {  	v9 =	vld [tilespmem:s25+$0x9F30]  }
0x75: {  	v8 =	vld [tilespmem:s25+$0x9F40]  }
0x76: {  	v12 =	vadd.f32 v12, v6;
	v6 =	vld [tilespmem:s25+$0x9F50]  }
0x77: {  	s26 =	sadd.s32 $0x200, s26;
	v11 =	vadd.f32 v11, v7;
	v7 =	vld [tilespmem:s25+$0x9F60]  }
0x78: {  	[tilespmem:s25+$0x9F00] =	vst v12;
	v5 =	vadd.f32 v5, v10;
	v63 =	vld [tilespmem:s25+$0x9F70]  }
0x79: {  	[tilespmem:s25+$0x9F10] =	vst v11;
	v4 =	vadd.f32 v4, v9  }
0x7a: {  	[tilespmem:s25+$0x9F20] =	vst v5;
	v3 =	vadd.f32 v3, v8  }
0x7b: {  	[tilespmem:s25+$0x9F30] =	vst v4;
	v2 =	vadd.f32 v2, v6  }
0x7c: {  	[tilespmem:s25+$0x9F40] =	vst v3;
	v1 =	vadd.f32 v1, v7  }
0x7d: {  	s24 =	sadd.s32 s4, s24;
	s23 =	sadd.s32 $0x1, s23;
	[tilespmem:s25+$0x9F50] =	vst v2;
	v0 =	vadd.f32 v0, v63  }
0x7e: {  	s24 =	sshll.u32 s24, $0x4;
	p0 =	sne.s32 s23, $0x3E;
	[tilespmem:s25+$0x9F60] =	vst v1  }
.Ltmp2:
0x7f: {  	s24 =	sadd.s32 s6, s24;
	[tilespmem:s25+$0x9F70] =	vst v0;
	(pc) =	sbr.rel @p0 .LBB2_2-.Ltmp2, $4  }
0x80: {  	[hbm4b:s24+s3] =	stream.linear.scatter [tilespmem:s18], [sflag:$0x5], $0x2800, $0x38;
	[tilespmem:$0xEF00] =	vst v63  }
0x81: {  	_ =	swait.ge [sflag:s11], $0x2800  }
0x82: {  	[sflag:s11] =	ssyncset.done $0x0  }
0x83: {  	[sflag:s11] =	ssyncadd.s32 $0xFFFFD800  }
0x84: {  	_ =	swait.ge [sflag:s16], $0x2800  }
0x85: {  	[sflag:s16] =	ssyncset.done $0x0  }
0x86: {  	[sflag:s16] =	ssyncadd.s32 $0xFFFFD800  }
0x87: {  	_ =	swait.ge [sflag:s17], $0x2800  }
0x88: {  	[sflag:s17] =	ssyncset.done $0x0  }
0x89: {  	s23 =	simm.s32 $0x0;
	[sflag:s17] =	ssyncadd.s32 $0xFFFFD800  }
0x8a: {  	v7 =	vld [tilespmem:s23+$0x7700]  }
0x8b: {  	v11 =	vld [tilespmem:s23+$0x7710]  }
0x8c: {  	v5 =	vld [tilespmem:s23+$0x7720]  }
0x8d: {  	v4 =	vld [tilespmem:s23+$0x7730]  }
0x8e: {  	v3 =	vld [tilespmem:s23+$0x7740]  }
0x8f: {  	v2 =	vld [tilespmem:s23+$0x7750]  }
0x90: {  	v1 =	vld [tilespmem:s23+$0x7760]  }
0x91: {  	v0 =	vld [tilespmem:s23+$0x7770]  }
0x92: {  	v12 =	vld [tilespmem:s23+$0x4F00]  }
0x93: {  	v13 =	vld [tilespmem:s23+$0x4F10]  }
0x94: {  	v10 =	vld [tilespmem:s23+$0x4F20]  }
0x95: {  	v9 =	vld [tilespmem:s23+$0x4F30]  }
0x96: {  	v8 =	vld [tilespmem:s23+$0x4F40]  }
0x97: {  	v6 =	vld [tilespmem:s23+$0x4F50];
	v12 =	vadd.f32 v7, v12  }
0x98: {  	s24 =	simm.s32 $0x200;
	v11 =	vadd.f32 v11, v13;
	v7 =	vld [tilespmem:s23+$0x4F60]  }
.LBB2_8:
0x99: {  	s25 =	sshra.s32 s24, $0x2;
	p0 =	sne.s32 s24, $0x9E00;
	[tilespmem:s23+$0x4F00] =	vst v12;
	v5 =	vadd.f32 v5, v10;
	v10 =	vld [tilespmem:s23+$0x4F70]  }
0x9a: {  	v12 =	vld [tilespmem:s25+$0x7700];
	[tilespmem:s23+$0x4F10] =	vst v11;
	v4 =	vadd.f32 v4, v9  }
0x9b: {  	v11 =	vld [tilespmem:s25+$0x7710];
	[tilespmem:s23+$0x4F20] =	vst v5;
	v3 =	vadd.f32 v3, v8  }
0x9c: {  	v5 =	vld [tilespmem:s25+$0x7720];
	[tilespmem:s23+$0x4F30] =	vst v4;
	v2 =	vadd.f32 v2, v6  }
0x9d: {  	v4 =	vld [tilespmem:s25+$0x7730];
	[tilespmem:s23+$0x4F40] =	vst v3;
	v1 =	vadd.f32 v1, v7  }
0x9e: {  	v3 =	vld [tilespmem:s25+$0x7740];
	[tilespmem:s23+$0x4F50] =	vst v2;
	v0 =	vadd.f32 v0, v10  }
0x9f: {  	v2 =	vld [tilespmem:s25+$0x7750];
	[tilespmem:s23+$0x4F60] =	vst v1  }
0xa0: {  	v1 =	vld [tilespmem:s25+$0x7760];
	[tilespmem:s23+$0x4F70] =	vst v0;
	s23 =	smov.u32 s25  }
0xa1: {  	v0 =	vld [tilespmem:s23+$0x7770]  }
0xa2: {  	v6 =	vld [tilespmem:s23+$0x4F00]  }
0xa3: {  	v7 =	vld [tilespmem:s23+$0x4F10]  }
.Ltmp3:
0xa4: {  	v10 =	vld [tilespmem:s23+$0x4F20];
	(pc) =	sbr.rel @p0 .LBB2_8-.Ltmp3, $4  }
0xa5: {  	v9 =	vld [tilespmem:s23+$0x4F30]  }
0xa6: {  	v8 =	vld [tilespmem:s23+$0x4F40]  }
0xa7: {  	v12 =	vadd.f32 v12, v6;
	v6 =	vld [tilespmem:s23+$0x4F50]  }
0xa8: {  	s24 =	sadd.s32 $0x200, s24;
	v11 =	vadd.f32 v11, v7;
	v7 =	vld [tilespmem:s23+$0x4F60]  }
0xa9: {  	[tilespmem:s23+$0x4F00] =	vst v12;
	v5 =	vadd.f32 v5, v10;
	v63 =	vld [tilespmem:s23+$0x4F70]  }
0xaa: {  	[tilespmem:s23+$0x4F10] =	vst v11;
	v4 =	vadd.f32 v4, v9  }
0xab: {  	[tilespmem:s23+$0x4F20] =	vst v5;
	v3 =	vadd.f32 v3, v8  }
0xac: {  	[tilespmem:s23+$0x4F30] =	vst v4;
	v2 =	vadd.f32 v2, v6  }
0xad: {  	[tilespmem:s23+$0x4F40] =	vst v3;
	v1 =	vadd.f32 v1, v7  }
0xae: {  	s22 =	sadd.s32 $0x1, s22;
	[tilespmem:s23+$0x4F50] =	vst v2;
	v0 =	vadd.f32 v0, v63  }
0xaf: {  	p0 =	sne.s32 s22, s10;
	[tilespmem:s23+$0x4F60] =	vst v1  }
.Ltmp4:
0xb0: {  	[tilespmem:s23+$0x4F70] =	vst v0;
	(pc) =	sbr.rel @p0 .LBB2_1-.Ltmp4, $4  }
0xb1: {  	[hbm4b:s9+s3] =	stream.linear.scatter [tilespmem:s14], [sflag:$0x5], $0x2800, $0x38;
	[tilespmem:$0xEF00] =	vst v63  }
0xb2: {  	_ =	swait.ge [sflag:s11], $0x2800  }
0xb3: {  	[sflag:s11] =	ssyncset.done $0x0  }
0xb4: {  	[sflag:s11] =	ssyncadd.s32 $0xFFFFD800  }
0xb5: {  	_ =	sfence.sel $0x180000  }
0xb6: {  	[bflag:$0x0] =	sbarrier.arrive $0xFFFF  }
0xb7: {  	p0 =	sne.s32 s2, $0x0;
	_ =	strace $0x90000047  }
0xb8: {  	s0 =	sadd.s32 @!p0 $0x100000, s1;
	[bflag:$0x2] =	sbarrier.arrive $0xFFFF  }
0xb9: {  	[sflag:s0] =	ssyncadd.tile.s32 @!p0 $0x1;
	_ =	shalt  }
.Lfunc_end2:
_tile_overlayer_lowered:
.L_overlay_start_2:
0xba: {  	(tag) =	ssettag $0x2  }
0xbb: {  	s0 =	rddreg [dreg:$0x0];
	s2 =	stileid.u32  }
0xbc: {  	s1 =	rddreg [dreg:$0x1];
	p0 =	sne.s32 s2, $0x0  }
0xbd: {  	s3 =	rddreg [dreg:$0x2];
	[bflag:$0x3] =	sbarrier.arrive $0xFFFF;
	s2 =	simm.s32 @!p0 $0x1C05  }
0xbe: {  	[timem:s3], [sflag:s2] =	dma.local @!p0 [hbm:s0], s1  }
0xbf: {  	s0 =	simm.s32 @!p0 $0x5  }
0xc0: {  	_ =	swait.ge @!p0 [sflag:s0], s1  }
0xc1: {  	s1 =	ssub.s32 @!p0 $0x0, s1;
	[sflag:s0] =	ssyncset.done @!p0 $0x0  }
0xc2: {  	[sflag:s0] =	ssyncadd.s32 @!p0 s1  }
0xc3: {  	[bflag:$0x3] =	sbarrier.arrive $0xFFFF  }
0xc4: {  	_ =	shalt  }

</sc_bundles>
